<compile_context>
chip_gen: v7x
topology: tpu7x:2x2x1
jax: 0.10.2.dev20260603
libtpu: 0.0.44.dev20260713+nightly
codegen_flags: <defaults>
</compile_context>

<pallas_src>
import functools

import jax
import jax.numpy as jnp
from jax import lax
from jax.experimental import pallas as pl
from jax.experimental.pallas import tpu as pltpu
from jax.experimental.pallas import tpu_sc as plsc

N = 10000
E = 320000
D = 128
LAT = 64
NG = 64

NC = 2
NS = 16
NW = NC * NS
EPW = E // NW
CH = 80
SC_NCH = EPW // CH
NBUF = 3
DR = 1000
NDR = N // DR
DEGW = 8

NB = 10
BR = N // NB


def _deg_body(dst_hbm, out_hbm, didx, deg_v, sem):
    c = lax.axis_index("c")
    s = lax.axis_index("s")
    w = c * NS + s
    pltpu.sync_copy(dst_hbm.at[pl.ds(w * EPW, EPW)], didx)

    def zbody(j, carry):
        deg_v[pl.ds(j * 16, 16)] = jnp.zeros((16,), jnp.float32)
        return carry

    lax.fori_loop(0, N // 16, zbody, 0)

    ones = jnp.ones((16,), jnp.float32)

    def body(j, carry):
        idx = didx[pl.ds(j * 16, 16)]
        plsc.addupdate_scatter(deg_v, [idx], ones)
        return carry

    lax.fori_loop(0, EPW // 16, body, 0)
    pltpu.sync_copy(deg_v, out_hbm.at[pl.ds(w * N, N)])
    del sem


@functools.cache
def _deg_call():
    mesh = plsc.VectorSubcoreMesh(core_axis_name="c", subcore_axis_name="s")
    return pl.kernel(
        _deg_body,
        out_type=jax.ShapeDtypeStruct((NW * N,), jnp.float32),
        mesh=mesh,
        compiler_params=pltpu.CompilerParams(needs_layout_passes=False),
        scratch_types=[
            pltpu.VMEM((EPW,), jnp.int32),
            pltpu.VMEM((N,), jnp.float32),
            pltpu.SemaphoreType.DMA,
        ],
    )


def _scatter_body(g_hbm, src_hbm, dst_hbm, zeros_hbm, out_hbm,
                  sidx_all, didx_buf, bufs, acc, isem, gsem, ssem, psem):
    c = lax.axis_index("c")
    s = lax.axis_index("s")
    w = c * NS + s

    @pl.when(s < NDR)
    def _():
        pltpu.async_copy(zeros_hbm, acc.at[pl.ds(s * DR, DR)], psem.at[0])

    pltpu.async_copy(src_hbm.at[w], sidx_all, psem.at[1])

    @pl.when(s < NDR)
    def _():
        pltpu.make_async_copy(zeros_hbm, acc.at[pl.ds(s * DR, DR)],
                              psem.at[0]).wait()

    pltpu.make_async_copy(src_hbm.at[w], sidx_all, psem.at[1]).wait()
    plsc.subcore_barrier()

    def fire(j, p):
        pltpu.async_copy(dst_hbm.at[pl.ds(w * EPW + j * CH, CH)],
                         didx_buf.at[p], isem.at[p])
        pltpu.async_copy(g_hbm.at[sidx_all.at[j]], bufs.at[p], gsem.at[p])

    def wait_and_scatter(j, p):
        pltpu.make_async_copy(dst_hbm.at[pl.ds(0, CH)],
                              didx_buf.at[p], isem.at[p]).wait()
        pltpu.make_async_copy(g_hbm.at[sidx_all.at[j]],
                              bufs.at[p], gsem.at[p]).wait()
        return pltpu.async_copy(bufs.at[p], acc.at[didx_buf.at[p]],
                                ssem.at[p], add=True)

    for p in range(NBUF):
        fire(p, p)

    NITER = SC_NCH // NBUF

    def body(i, carry):
        j0 = i * NBUF
        ss = [wait_and_scatter(j0 + k, k) for k in range(NBUF)]
        for k in range(NBUF):
            ss[k].wait()
            jn = j0 + k + NBUF

            @pl.when(jn < SC_NCH)
            def _():
                fire(jn, k)

        return carry

    lax.fori_loop(0, NITER, body, 0)
    tail = [(j, j % NBUF) for j in range(NITER * NBUF, SC_NCH)]
    ts = [wait_and_scatter(j, p) for j, p in tail]
    for t in ts:
        t.wait()
    plsc.subcore_barrier()

    @pl.when(s < NDR)
    def _():
        pltpu.sync_copy(acc.at[pl.ds(s * DR, DR)],
                        out_hbm.at[c, pl.ds(s * DR, DR)])


@functools.cache
def _scatter_call():
    mesh = plsc.VectorSubcoreMesh(core_axis_name="c", subcore_axis_name="s")
    return pl.kernel(
        _scatter_body,
        out_type=jax.ShapeDtypeStruct((NC, N, D), jnp.float32),
        mesh=mesh,
        scratch_types=[
            pltpu.VMEM((SC_NCH, CH), jnp.int32),
            pltpu.VMEM((NBUF, CH), jnp.int32),
            pltpu.VMEM((NBUF, CH, D), jnp.float32),
            pltpu.VMEM_SHARED((N, D), jnp.float32),
            pltpu.SemaphoreType.DMA((NBUF,)),
            pltpu.SemaphoreType.DMA((NBUF,)),
            pltpu.SemaphoreType.DMA((NBUF,)),
            pltpu.SemaphoreType.DMA((2,)),
        ],
    )



def _dinv_block(degp_ref):
    deg = 1.0 + jnp.sum(degp_ref[0], axis=1)[:, None]
    return lax.rsqrt(jnp.maximum(deg, 1.0))


def _tc1_body(x_ref, w1_ref, degp_ref, g_ref):
    dinv = _dinv_block(degp_ref)
    h = jnp.dot(x_ref[...], w1_ref[...], preferred_element_type=jnp.float32)
    g_ref[...] = h * dinv


_tc1_call = pl.pallas_call(
    _tc1_body,
    grid=(NB,),
    in_specs=[
        pl.BlockSpec((BR, D), lambda i: (i, 0)),
        pl.BlockSpec((D, D), lambda i: (0, 0)),
        pl.BlockSpec((1, BR, NW), lambda i: (i, 0, 0)),
    ],
    out_specs=pl.BlockSpec((BR, D), lambda i: (i, 0)),
    out_shape=jax.ShapeDtypeStruct((N, D), jnp.float32),
)


def _tc2_body(accp_ref, g1_ref, degp_ref, b1_ref, w2_ref, g2_ref):
    dinv = _dinv_block(degp_ref)
    acc = accp_ref[0] + accp_ref[1] + g1_ref[...]
    h = jnp.maximum(acc * dinv + b1_ref[...], 0.0)
    g2_ref[...] = jnp.dot(h, w2_ref[...],
                          preferred_element_type=jnp.float32) * dinv


_tc2_call = pl.pallas_call(
    _tc2_body,
    grid=(NB,),
    in_specs=[
        pl.BlockSpec((NC, BR, D), lambda i: (0, i, 0)),
        pl.BlockSpec((BR, D), lambda i: (i, 0)),
        pl.BlockSpec((1, BR, NW), lambda i: (i, 0, 0)),
        pl.BlockSpec((1, D), lambda i: (0, 0)),
        pl.BlockSpec((D, D), lambda i: (0, 0)),
    ],
    out_specs=pl.BlockSpec((BR, D), lambda i: (i, 0)),
    out_shape=jax.ShapeDtypeStruct((N, D), jnp.float32),
)


def _tc3_body(accp_ref, g2_ref, degp_ref, b2_ref, batch_ref,
              wmu_ref, bmu_ref, wlv_ref, blv_ref,
              mu_ref, lv_ref, sums, cnts):
    i = pl.program_id(0)
    dinv = _dinv_block(degp_ref)
    acc = accp_ref[0] + accp_ref[1] + g2_ref[...]
    h = jnp.maximum(acc * dinv + b2_ref[...], 0.0)
    b = batch_ref[0, 0, :]
    gid = lax.broadcasted_iota(jnp.int32, (BR, NG), 1)
    oh = (b[:, None] == gid).astype(jnp.float32)

    @pl.when(i == 0)
    def _():
        sums[...] = jnp.zeros_like(sums)
        cnts[...] = jnp.zeros_like(cnts)

    dn = (((0,), (0,)), ((), ()))
    sums[...] += lax.dot_general(oh, h, dn,
                                 preferred_element_type=jnp.float32)
    cnts[...] += lax.dot_general(oh, jnp.ones((BR, D), jnp.float32), dn,
                                 preferred_element_type=jnp.float32)

    @pl.when(i == NB - 1)
    def _():
        means = sums[...] / jnp.maximum(cnts[...], 1.0)
        mu_ref[...] = jnp.dot(means, wmu_ref[...],
                              preferred_element_type=jnp.float32) + bmu_ref[...]
        lv_ref[...] = jnp.dot(means, wlv_ref[...],
                              preferred_element_type=jnp.float32) + blv_ref[...]


_tc3_call = pl.pallas_call(
    _tc3_body,
    grid=(NB,),
    in_specs=[
        pl.BlockSpec((NC, BR, D), lambda i: (0, i, 0)),
        pl.BlockSpec((BR, D), lambda i: (i, 0)),
        pl.BlockSpec((1, BR, NW), lambda i: (i, 0, 0)),
        pl.BlockSpec((1, D), lambda i: (0, 0)),
        pl.BlockSpec((1, 1, BR), lambda i: (i, 0, 0)),
        pl.BlockSpec((D, LAT), lambda i: (0, 0)),
        pl.BlockSpec((1, LAT), lambda i: (0, 0)),
        pl.BlockSpec((D, LAT), lambda i: (0, 0)),
        pl.BlockSpec((1, LAT), lambda i: (0, 0)),
    ],
    out_specs=[
        pl.BlockSpec((NG, LAT), lambda i: (0, 0)),
        pl.BlockSpec((NG, LAT), lambda i: (0, 0)),
    ],
    out_shape=[
        jax.ShapeDtypeStruct((NG, LAT), jnp.float32),
        jax.ShapeDtypeStruct((NG, LAT), jnp.float32),
    ],
    scratch_shapes=[
        pltpu.VMEM((NG, D), jnp.float32),
        pltpu.VMEM((NG, D), jnp.float32),
    ],
)


def kernel(x, edge_index, batch, W1, b1, W2, b2, Wmu, bmu, Wlv, blv):
    src_flat = edge_index[0]
    dst_flat = edge_index[1]
    zeros_row = jnp.zeros((DR, D), jnp.float32)
    batch3 = batch.reshape(NB, 1, BR)

    src_r = src_flat.reshape(NW, SC_NCH, CH)
    degp = _deg_call()(dst_flat).reshape(NW, NB, BR).transpose(1, 2, 0)
    g1 = _tc1_call(x, W1, degp)
    acc1 = _scatter_call()(g1, src_r, dst_flat, zeros_row)
    g2 = _tc2_call(acc1, g1, degp, b1.reshape(1, D), W2)
    acc2 = _scatter_call()(g2, src_r, dst_flat, zeros_row)
    mu, lv = _tc3_call(acc2, g2, degp, b2.reshape(1, D), batch3,
                       Wmu, bmu.reshape(1, LAT), Wlv, blv.reshape(1, LAT))
    return (mu, lv)

# --- scband reference (transcript-rebuilt; emitter-appended) ---
"""Pipeline reference for scband-gnnencoder-67027259621724 (READ-ONLY COPY).

The authoritative reference and input builder live on the scoring server;
editing this copy changes nothing except your own understanding.
"""

import jax, jax.numpy as jnp
import numpy as np

N = 10000
E = 320000
D_IN = 128
HID = 128
LAT = 64
G = 64


def setup_inputs(seed: int = 0) -> dict:
    key = jax.random.key(seed)
    ks = jax.random.split(key, 12)
    x = jax.random.normal(ks[0], (N, D_IN), dtype=jnp.float32)
    edge_index = jax.random.randint(ks[1], (2, E), 0, N, dtype=jnp.int32)
    batch = jnp.sort(jax.random.randint(ks[2], (N,), 0, G, dtype=jnp.int32))
    W1 = jax.random.normal(ks[3], (D_IN, HID), dtype=jnp.float32) * (1.0 / np.sqrt(D_IN))
    b1 = jnp.zeros((HID,), dtype=jnp.float32)
    W2 = jax.random.normal(ks[4], (HID, HID), dtype=jnp.float32) * (1.0 / np.sqrt(HID))
    b2 = jnp.zeros((HID,), dtype=jnp.float32)
    Wmu = jax.random.normal(ks[5], (HID, LAT), dtype=jnp.float32) * (1.0 / np.sqrt(HID))
    bmu = jnp.zeros((LAT,), dtype=jnp.float32)
    Wlv = jax.random.normal(ks[6], (HID, LAT), dtype=jnp.float32) * (1.0 / np.sqrt(HID))
    blv = jnp.zeros((LAT,), dtype=jnp.float32)
    return {"x": x, "edge_index": edge_index, "batch": batch, "W1": W1, "b1": b1,
            "W2": W2, "b2": b2, "Wmu": Wmu, "bmu": bmu, "Wlv": Wlv, "blv": blv}


def gcn_conv(x, src, dst, W, b):
    n = x.shape[0]
    loop = jnp.arange(n, dtype=src.dtype)
    s = jnp.concatenate([src, loop])
    d = jnp.concatenate([dst, loop])
    h = x @ W
    deg = jax.ops.segment_sum(jnp.ones_like(d, dtype=h.dtype), d, num_segments=n)
    dinv = jax.lax.rsqrt(jnp.maximum(deg, 1.0))
    norm = dinv[s] * dinv[d]
    msgs = jnp.take(h, s, axis=0) * norm[:, None]
    out = jax.ops.segment_sum(msgs, d, num_segments=n)
    return out + b


def global_mean_pool(h, batch, num_graphs):
    sums = jax.ops.segment_sum(h, batch, num_segments=num_graphs)
    counts = jax.ops.segment_sum(jnp.ones_like(batch, dtype=h.dtype), batch, num_segments=num_graphs)
    return sums / jnp.maximum(counts, 1.0)[:, None]


def reference(x, edge_index, batch, W1, b1, W2, b2, Wmu, bmu, Wlv, blv):
    src = edge_index[0]
    dst = edge_index[1]
    h = jax.nn.relu(gcn_conv(x, src, dst, W1, b1))
    h = jax.nn.relu(gcn_conv(h, src, dst, W2, b2))
    h_graph = global_mean_pool(h, batch, G)
    mu = h_graph @ Wmu + bmu
    logvar = h_graph @ Wlv + blv
    return (mu, logvar)

if __name__ == "__main__":
    import jax
    _d = setup_inputs()
    print(jax.jit(kernel)(*tuple(_d.values())))

</pallas_src>

<mosaic_0001>
#map = affine_map<(d0, d1) -> (0, 0)>
#map1 = affine_map<(d0, d1) -> (0, 0, 0)>
#map2 = affine_map<(d0, d1) -> (0)>
module attributes {stable_mosaic.version = 14 : i64} {
  func.func @_scatter_body(%arg0: i32, %arg1: i32, %arg2: memref<10000x128xf32, #tpu.memory_space<hbm>>, %arg3: memref<32x125x80xi32, #tpu.memory_space<hbm>>, %arg4: memref<320000xi32, #tpu.memory_space<hbm>>, %arg5: memref<1000x128xf32, #tpu.memory_space<hbm>>, %arg6: memref<2x10000x128xf32, #tpu.memory_space<hbm>>, %arg7: memref<125x80xi32, #tpu.memory_space<vmem>>, %arg8: memref<3x80xi32, #tpu.memory_space<vmem>>, %arg9: memref<3x80x128xf32, #tpu.memory_space<vmem>>, %arg10: memref<10000x128xf32, #tpu.memory_space<vmem_shared>>, %arg11: memref<3x!tpu.dma_semaphore, #tpu.memory_space<semaphore_mem>>, %arg12: memref<3x!tpu.dma_semaphore, #tpu.memory_space<semaphore_mem>>, %arg13: memref<3x!tpu.dma_semaphore, #tpu.memory_space<semaphore_mem>>, %arg14: memref<2x!tpu.dma_semaphore, #tpu.memory_space<semaphore_mem>>) attributes {dimension_semantics = [#tpu.dimension_semantics<core_parallel>, #tpu.dimension_semantics<subcore_parallel>], iteration_bounds = array<i64: 2, 16>, scalar_prefetch = 0 : i64, scratch_operands = 8 : i64, tpu.core_type = #tpu.core_type<sc_vector_subcore>, window_params = [{transform_indices = #map}, {transform_indices = #map1}, {transform_indices = #map2}, {transform_indices = #map}, {transform_indices = #map1}]} {
    %mul3A = arith.constant 16 : i32
    %mul3A_0 = arith.muli %arg0, %mul3A : i32
    %add3A = arith.addi %mul3A_0, %arg1 : i32
    %lt3A = arith.constant 10 : i32
    %lt3A_1 = arith.cmpi slt, %arg1, %lt3A : i32
    %convert_element_type3A = arith.extui %lt3A_1 : i1 to i32
    %cond3A = arith.constant 0 : i32
    %cond3A_2 = arith.cmpi ne, %convert_element_type3A, %cond3A : i32
    scf.if %cond3A_2 {
      %mul3A_250 = arith.constant 1000 : i32
      %mul3A_251 = arith.muli %arg1, %mul3A_250 : i32
      %dma_start3A_252 = arith.constant 0 : i32
      %dma_start3A_253 = tpu.memref_slice %arg14[%dma_start3A_252] : memref<2x!tpu.dma_semaphore, #tpu.memory_space<semaphore_mem>> -> memref<1x!tpu.dma_semaphore, #tpu.memory_space<semaphore_mem>>
      %dma_start3A_254 = tpu.memref_squeeze %dma_start3A_253 : memref<1x!tpu.dma_semaphore, #tpu.memory_space<semaphore_mem>> -> memref<!tpu.dma_semaphore, #tpu.memory_space<semaphore_mem>>
      %dma_start3A_255 = arith.constant 0 : i32
      %dma_start3A_256 = tpu.memref_slice %arg10[%mul3A_251, %dma_start3A_255] : memref<10000x128xf32, #tpu.memory_space<vmem_shared>> -> memref<1000x128xf32, #tpu.memory_space<vmem_shared>>
      tpu.enqueue_dma source(%arg5 : memref<1000x128xf32, #tpu.memory_space<hbm>>) target(%dma_start3A_256 : memref<1000x128xf32, #tpu.memory_space<vmem_shared>>) target_semaphore(%dma_start3A_254 : memref<!tpu.dma_semaphore, #tpu.memory_space<semaphore_mem>>)
    } else {
    }
    %dma_start3A = arith.constant 1 : i32
    %dma_start3A_3 = arith.constant 0 : i32
    %dma_start3A_4 = arith.constant 0 : i32
    %dma_start3A_5 = tpu.memref_slice %arg3[%add3A, %dma_start3A_3, %dma_start3A_4] : memref<32x125x80xi32, #tpu.memory_space<hbm>> -> memref<1x125x80xi32, #tpu.memory_space<hbm>>
    %dma_start3A_6 = tpu.memref_squeeze %dma_start3A_5 : memref<1x125x80xi32, #tpu.memory_space<hbm>> -> memref<125x80xi32, #tpu.memory_space<hbm>>
    %dma_start3A_7 = tpu.memref_slice %arg14[%dma_start3A] : memref<2x!tpu.dma_semaphore, #tpu.memory_space<semaphore_mem>> -> memref<1x!tpu.dma_semaphore, #tpu.memory_space<semaphore_mem>>
    %dma_start3A_8 = tpu.memref_squeeze %dma_start3A_7 : memref<1x!tpu.dma_semaphore, #tpu.memory_space<semaphore_mem>> -> memref<!tpu.dma_semaphore, #tpu.memory_space<semaphore_mem>>
    %dma_start3A_9 = arith.constant 0 : i32
    %dma_start3A_10 = arith.constant 0 : i32
    %dma_start3A_11 = tpu.memref_slice %arg3[%add3A, %dma_start3A_9, %dma_start3A_10] : memref<32x125x80xi32, #tpu.memory_space<hbm>> -> memref<1x125x80xi32, #tpu.memory_space<hbm>>
    %dma_start3A_12 = tpu.memref_squeeze %dma_start3A_11 : memref<1x125x80xi32, #tpu.memory_space<hbm>> -> memref<125x80xi32, #tpu.memory_space<hbm>>
    tpu.enqueue_dma source(%dma_start3A_12 : memref<125x80xi32, #tpu.memory_space<hbm>>) target(%arg7 : memref<125x80xi32, #tpu.memory_space<vmem>>) target_semaphore(%dma_start3A_8 : memref<!tpu.dma_semaphore, #tpu.memory_space<semaphore_mem>>)
    %lt3A_13 = arith.constant 10 : i32
    %lt3A_14 = arith.cmpi slt, %arg1, %lt3A_13 : i32
    %convert_element_type3A_15 = arith.extui %lt3A_14 : i1 to i32
    %cond3A_16 = arith.constant 0 : i32
    %cond3A_17 = arith.cmpi ne, %convert_element_type3A_15, %cond3A_16 : i32
    scf.if %cond3A_17 {
      %mul3A_250 = arith.constant 1000 : i32
      %mul3A_251 = arith.muli %arg1, %mul3A_250 : i32
      %dma_wait3A_252 = arith.constant 0 : i32
      %dma_wait3A_253 = tpu.memref_slice %arg14[%dma_wait3A_252] : memref<2x!tpu.dma_semaphore, #tpu.memory_space<semaphore_mem>> -> memref<1x!tpu.dma_semaphore, #tpu.memory_space<semaphore_mem>>
      %dma_wait3A_254 = tpu.memref_squeeze %dma_wait3A_253 : memref<1x!tpu.dma_semaphore, #tpu.memory_space<semaphore_mem>> -> memref<!tpu.dma_semaphore, #tpu.memory_space<semaphore_mem>>
      %dma_wait3A_255 = arith.constant 0 : i32
      %dma_wait3A_256 = tpu.memref_slice %arg10[%mul3A_251, %dma_wait3A_255] : memref<10000x128xf32, #tpu.memory_space<vmem_shared>> -> memref<1000x128xf32, #tpu.memory_space<vmem_shared>>
      tpu.wait_dma2 semaphore(%dma_wait3A_254 : memref<!tpu.dma_semaphore, #tpu.memory_space<semaphore_mem>>) src(%arg5 : memref<1000x128xf32, #tpu.memory_space<hbm>>) dst(%dma_wait3A_256 : memref<1000x128xf32, #tpu.memory_space<vmem_shared>>)
    } else {
    }
    %dma_wait3A = arith.constant 1 : i32
    %dma_wait3A_18 = arith.constant 0 : i32
    %dma_wait3A_19 = arith.constant 0 : i32
    %dma_wait3A_20 = tpu.memref_slice %arg3[%add3A, %dma_wait3A_18, %dma_wait3A_19] : memref<32x125x80xi32, #tpu.memory_space<hbm>> -> memref<1x125x80xi32, #tpu.memory_space<hbm>>
    %dma_wait3A_21 = tpu.memref_squeeze %dma_wait3A_20 : memref<1x125x80xi32, #tpu.memory_space<hbm>> -> memref<125x80xi32, #tpu.memory_space<hbm>>
    %dma_wait3A_22 = tpu.memref_slice %arg14[%dma_wait3A] : memref<2x!tpu.dma_semaphore, #tpu.memory_space<semaphore_mem>> -> memref<1x!tpu.dma_semaphore, #tpu.memory_space<semaphore_mem>>
    %dma_wait3A_23 = tpu.memref_squeeze %dma_wait3A_22 : memref<1x!tpu.dma_semaphore, #tpu.memory_space<semaphore_mem>> -> memref<!tpu.dma_semaphore, #tpu.memory_space<semaphore_mem>>
    %dma_wait3A_24 = arith.constant 0 : i32
    %dma_wait3A_25 = arith.constant 0 : i32
    %dma_wait3A_26 = tpu.memref_slice %arg3[%add3A, %dma_wait3A_24, %dma_wait3A_25] : memref<32x125x80xi32, #tpu.memory_space<hbm>> -> memref<1x125x80xi32, #tpu.memory_space<hbm>>
    %dma_wait3A_27 = tpu.memref_squeeze %dma_wait3A_26 : memref<1x125x80xi32, #tpu.memory_space<hbm>> -> memref<125x80xi32, #tpu.memory_space<hbm>>
    tpu.wait_dma2 semaphore(%dma_wait3A_23 : memref<!tpu.dma_semaphore, #tpu.memory_space<semaphore_mem>>) src(%dma_wait3A_27 : memref<125x80xi32, #tpu.memory_space<hbm>>) dst(%arg7 : memref<125x80xi32, #tpu.memory_space<vmem>>)
    %barrier3A = arith.constant 0 : index
    tpu.barrier barrier_id(%barrier3A)
    %mul3A_28 = arith.constant 10000 : i32
    %mul3A_29 = arith.muli %add3A, %mul3A_28 : i32
    %add3A_30 = arith.constant 0 : i32
    %add3A_31 = arith.addi %mul3A_29, %add3A_30 : i32
    %dma_start3A_32 = arith.constant 0 : i32
    %dma_start3A_33 = arith.constant 0 : i32
    %dma_start3A_34 = arith.constant 0 : i32
    %dma_start3A_35 = tpu.memref_slice %arg8[%dma_start3A_32, %dma_start3A_34] : memref<3x80xi32, #tpu.memory_space<vmem>> -> memref<1x80xi32, #tpu.memory_space<vmem>>
    %dma_start3A_36 = tpu.memref_squeeze %dma_start3A_35 : memref<1x80xi32, #tpu.memory_space<vmem>> -> memref<80xi32, #tpu.memory_space<vmem>>
    %dma_start3A_37 = tpu.memref_slice %arg4[%add3A_31] : memref<320000xi32, #tpu.memory_space<hbm>> -> memref<80xi32, #tpu.memory_space<hbm>>
    %dma_start3A_38 = tpu.memref_slice %arg11[%dma_start3A_33] : memref<3x!tpu.dma_semaphore, #tpu.memory_space<semaphore_mem>> -> memref<1x!tpu.dma_semaphore, #tpu.memory_space<semaphore_mem>>
    %dma_start3A_39 = tpu.memref_squeeze %dma_start3A_38 : memref<1x!tpu.dma_semaphore, #tpu.memory_space<semaphore_mem>> -> memref<!tpu.dma_semaphore, #tpu.memory_space<semaphore_mem>>
    %dma_start3A_40 = arith.constant 0 : i32
    %dma_start3A_41 = tpu.memref_slice %arg8[%dma_start3A_32, %dma_start3A_40] : memref<3x80xi32, #tpu.memory_space<vmem>> -> memref<1x80xi32, #tpu.memory_space<vmem>>
    %dma_start3A_42 = tpu.memref_squeeze %dma_start3A_41 : memref<1x80xi32, #tpu.memory_space<vmem>> -> memref<80xi32, #tpu.memory_space<vmem>>
    %dma_start3A_43 = tpu.memref_slice %arg4[%add3A_31] : memref<320000xi32, #tpu.memory_space<hbm>> -> memref<80xi32, #tpu.memory_space<hbm>>
    tpu.enqueue_dma source(%dma_start3A_43 : memref<80xi32, #tpu.memory_space<hbm>>) target(%dma_start3A_42 : memref<80xi32, #tpu.memory_space<vmem>>) target_semaphore(%dma_start3A_39 : memref<!tpu.dma_semaphore, #tpu.memory_space<semaphore_mem>>)
    %dma_start3A_44 = arith.constant 0 : i32
    %dma_start3A_45 = arith.constant 0 : i32
    %dma_start3A_46 = arith.constant 0 : i32
    %dma_start3A_47 = arith.constant 0 : i32
    %dma_start3A_48 = arith.constant 0 : i32
    %dma_start3A_49 = tpu.memref_slice %arg9[%dma_start3A_45, %dma_start3A_47, %dma_start3A_48] : memref<3x80x128xf32, #tpu.memory_space<vmem>> -> memref<1x80x128xf32, #tpu.memory_space<vmem>>
    %dma_start3A_50 = tpu.memref_squeeze %dma_start3A_49 : memref<1x80x128xf32, #tpu.memory_space<vmem>> -> memref<80x128xf32, #tpu.memory_space<vmem>>
    %dma_start3A_51 = arith.constant 0 : i32
    %dma_start3A_52 = tpu.memref_slice %arg7[%dma_start3A_44, %dma_start3A_51] : memref<125x80xi32, #tpu.memory_space<vmem>> -> memref<1x80xi32, #tpu.memory_space<vmem>>
    %dma_start3A_53 = tpu.memref_squeeze %dma_start3A_52 : memref<1x80xi32, #tpu.memory_space<vmem>> -> memref<80xi32, #tpu.memory_space<vmem>>
    %dma_start3A_54 = arith.constant 0 : i32
    %dma_start3A_55 = arith.constant 0 : i32
    %dma_start3A_56 = tpu.memref_slice %arg2[%dma_start3A_54, %dma_start3A_55] : memref<10000x128xf32, #tpu.memory_space<hbm>> -> memref<10000x128xf32, #tpu.memory_space<hbm>>
    %dma_start3A_57 = tpu.memref_slice %arg12[%dma_start3A_46] : memref<3x!tpu.dma_semaphore, #tpu.memory_space<semaphore_mem>> -> memref<1x!tpu.dma_semaphore, #tpu.memory_space<semaphore_mem>>
    %dma_start3A_58 = tpu.memref_squeeze %dma_start3A_57 : memref<1x!tpu.dma_semaphore, #tpu.memory_space<semaphore_mem>> -> memref<!tpu.dma_semaphore, #tpu.memory_space<semaphore_mem>>
    tpu.enqueue_indirect_dma source(%dma_start3A_56 : memref<10000x128xf32, #tpu.memory_space<hbm>>) target(%dma_start3A_50 : memref<80x128xf32, #tpu.memory_space<vmem>>) offsets(%dma_start3A_53 : memref<80xi32, #tpu.memory_space<vmem>>) semaphore(%dma_start3A_58 : memref<!tpu.dma_semaphore, #tpu.memory_space<semaphore_mem>>)
    %mul3A_59 = arith.constant 10000 : i32
    %mul3A_60 = arith.muli %add3A, %mul3A_59 : i32
    %add3A_61 = arith.constant 80 : i32
    %add3A_62 = arith.addi %mul3A_60, %add3A_61 : i32
    %dma_start3A_63 = arith.constant 1 : i32
    %dma_start3A_64 = arith.constant 1 : i32
    %dma_start3A_65 = arith.constant 0 : i32
    %dma_start3A_66 = tpu.memref_slice %arg8[%dma_start3A_63, %dma_start3A_65] : memref<3x80xi32, #tpu.memory_space<vmem>> -> memref<1x80xi32, #tpu.memory_space<vmem>>
    %dma_start3A_67 = tpu.memref_squeeze %dma_start3A_66 : memref<1x80xi32, #tpu.memory_space<vmem>> -> memref<80xi32, #tpu.memory_space<vmem>>
    %dma_start3A_68 = tpu.memref_slice %arg4[%add3A_62] : memref<320000xi32, #tpu.memory_space<hbm>> -> memref<80xi32, #tpu.memory_space<hbm>>
    %dma_start3A_69 = tpu.memref_slice %arg11[%dma_start3A_64] : memref<3x!tpu.dma_semaphore, #tpu.memory_space<semaphore_mem>> -> memref<1x!tpu.dma_semaphore, #tpu.memory_space<semaphore_mem>>
    %dma_start3A_70 = tpu.memref_squeeze %dma_start3A_69 : memref<1x!tpu.dma_semaphore, #tpu.memory_space<semaphore_mem>> -> memref<!tpu.dma_semaphore, #tpu.memory_space<semaphore_mem>>
    %dma_start3A_71 = arith.constant 0 : i32
    %dma_start3A_72 = tpu.memref_slice %arg8[%dma_start3A_63, %dma_start3A_71] : memref<3x80xi32, #tpu.memory_space<vmem>> -> memref<1x80xi32, #tpu.memory_space<vmem>>
    %dma_start3A_73 = tpu.memref_squeeze %dma_start3A_72 : memref<1x80xi32, #tpu.memory_space<vmem>> -> memref<80xi32, #tpu.memory_space<vmem>>
    %dma_start3A_74 = tpu.memref_slice %arg4[%add3A_62] : memref<320000xi32, #tpu.memory_space<hbm>> -> memref<80xi32, #tpu.memory_space<hbm>>
    tpu.enqueue_dma source(%dma_start3A_74 : memref<80xi32, #tpu.memory_space<hbm>>) target(%dma_start3A_73 : memref<80xi32, #tpu.memory_space<vmem>>) target_semaphore(%dma_start3A_70 : memref<!tpu.dma_semaphore, #tpu.memory_space<semaphore_mem>>)
    %dma_start3A_75 = arith.constant 1 : i32
    %dma_start3A_76 = arith.constant 1 : i32
    %dma_start3A_77 = arith.constant 1 : i32
    %dma_start3A_78 = arith.constant 0 : i32
    %dma_start3A_79 = arith.constant 0 : i32
    %dma_start3A_80 = tpu.memref_slice %arg9[%dma_start3A_76, %dma_start3A_78, %dma_start3A_79] : memref<3x80x128xf32, #tpu.memory_space<vmem>> -> memref<1x80x128xf32, #tpu.memory_space<vmem>>
    %dma_start3A_81 = tpu.memref_squeeze %dma_start3A_80 : memref<1x80x128xf32, #tpu.memory_space<vmem>> -> memref<80x128xf32, #tpu.memory_space<vmem>>
    %dma_start3A_82 = arith.constant 0 : i32
    %dma_start3A_83 = tpu.memref_slice %arg7[%dma_start3A_75, %dma_start3A_82] : memref<125x80xi32, #tpu.memory_space<vmem>> -> memref<1x80xi32, #tpu.memory_space<vmem>>
    %dma_start3A_84 = tpu.memref_squeeze %dma_start3A_83 : memref<1x80xi32, #tpu.memory_space<vmem>> -> memref<80xi32, #tpu.memory_space<vmem>>
    %dma_start3A_85 = arith.constant 0 : i32
    %dma_start3A_86 = arith.constant 0 : i32
    %dma_start3A_87 = tpu.memref_slice %arg2[%dma_start3A_85, %dma_start3A_86] : memref<10000x128xf32, #tpu.memory_space<hbm>> -> memref<10000x128xf32, #tpu.memory_space<hbm>>
    %dma_start3A_88 = tpu.memref_slice %arg12[%dma_start3A_77] : memref<3x!tpu.dma_semaphore, #tpu.memory_space<semaphore_mem>> -> memref<1x!tpu.dma_semaphore, #tpu.memory_space<semaphore_mem>>
    %dma_start3A_89 = tpu.memref_squeeze %dma_start3A_88 : memref<1x!tpu.dma_semaphore, #tpu.memory_space<semaphore_mem>> -> memref<!tpu.dma_semaphore, #tpu.memory_space<semaphore_mem>>
    tpu.enqueue_indirect_dma source(%dma_start3A_87 : memref<10000x128xf32, #tpu.memory_space<hbm>>) target(%dma_start3A_81 : memref<80x128xf32, #tpu.memory_space<vmem>>) offsets(%dma_start3A_84 : memref<80xi32, #tpu.memory_space<vmem>>) semaphore(%dma_start3A_89 : memref<!tpu.dma_semaphore, #tpu.memory_space<semaphore_mem>>)
    %mul3A_90 = arith.constant 10000 : i32
    %mul3A_91 = arith.muli %add3A, %mul3A_90 : i32
    %add3A_92 = arith.constant 160 : i32
    %add3A_93 = arith.addi %mul3A_91, %add3A_92 : i32
    %dma_start3A_94 = arith.constant 2 : i32
    %dma_start3A_95 = arith.constant 2 : i32
    %dma_start3A_96 = arith.constant 0 : i32
    %dma_start3A_97 = tpu.memref_slice %arg8[%dma_start3A_94, %dma_start3A_96] : memref<3x80xi32, #tpu.memory_space<vmem>> -> memref<1x80xi32, #tpu.memory_space<vmem>>
    %dma_start3A_98 = tpu.memref_squeeze %dma_start3A_97 : memref<1x80xi32, #tpu.memory_space<vmem>> -> memref<80xi32, #tpu.memory_space<vmem>>
    %dma_start3A_99 = tpu.memref_slice %arg4[%add3A_93] : memref<320000xi32, #tpu.memory_space<hbm>> -> memref<80xi32, #tpu.memory_space<hbm>>
    %dma_start3A_100 = tpu.memref_slice %arg11[%dma_start3A_95] : memref<3x!tpu.dma_semaphore, #tpu.memory_space<semaphore_mem>> -> memref<1x!tpu.dma_semaphore, #tpu.memory_space<semaphore_mem>>
    %dma_start3A_101 = tpu.memref_squeeze %dma_start3A_100 : memref<1x!tpu.dma_semaphore, #tpu.memory_space<semaphore_mem>> -> memref<!tpu.dma_semaphore, #tpu.memory_space<semaphore_mem>>
    %dma_start3A_102 = arith.constant 0 : i32
    %dma_start3A_103 = tpu.memref_slice %arg8[%dma_start3A_94, %dma_start3A_102] : memref<3x80xi32, #tpu.memory_space<vmem>> -> memref<1x80xi32, #tpu.memory_space<vmem>>
    %dma_start3A_104 = tpu.memref_squeeze %dma_start3A_103 : memref<1x80xi32, #tpu.memory_space<vmem>> -> memref<80xi32, #tpu.memory_space<vmem>>
    %dma_start3A_105 = tpu.memref_slice %arg4[%add3A_93] : memref<320000xi32, #tpu.memory_space<hbm>> -> memref<80xi32, #tpu.memory_space<hbm>>
    tpu.enqueue_dma source(%dma_start3A_105 : memref<80xi32, #tpu.memory_space<hbm>>) target(%dma_start3A_104 : memref<80xi32, #tpu.memory_space<vmem>>) target_semaphore(%dma_start3A_101 : memref<!tpu.dma_semaphore, #tpu.memory_space<semaphore_mem>>)
    %dma_start3A_106 = arith.constant 2 : i32
    %dma_start3A_107 = arith.constant 2 : i32
    %dma_start3A_108 = arith.constant 2 : i32
    %dma_start3A_109 = arith.constant 0 : i32
    %dma_start3A_110 = arith.constant 0 : i32
    %dma_start3A_111 = tpu.memref_slice %arg9[%dma_start3A_107, %dma_start3A_109, %dma_start3A_110] : memref<3x80x128xf32, #tpu.memory_space<vmem>> -> memref<1x80x128xf32, #tpu.memory_space<vmem>>
    %dma_start3A_112 = tpu.memref_squeeze %dma_start3A_111 : memref<1x80x128xf32, #tpu.memory_space<vmem>> -> memref<80x128xf32, #tpu.memory_space<vmem>>
    %dma_start3A_113 = arith.constant 0 : i32
    %dma_start3A_114 = tpu.memref_slice %arg7[%dma_start3A_106, %dma_start3A_113] : memref<125x80xi32, #tpu.memory_space<vmem>> -> memref<1x80xi32, #tpu.memory_space<vmem>>
    %dma_start3A_115 = tpu.memref_squeeze %dma_start3A_114 : memref<1x80xi32, #tpu.memory_space<vmem>> -> memref<80xi32, #tpu.memory_space<vmem>>
    %dma_start3A_116 = arith.constant 0 : i32
    %dma_start3A_117 = arith.constant 0 : i32
    %dma_start3A_118 = tpu.memref_slice %arg2[%dma_start3A_116, %dma_start3A_117] : memref<10000x128xf32, #tpu.memory_space<hbm>> -> memref<10000x128xf32, #tpu.memory_space<hbm>>
    %dma_start3A_119 = tpu.memref_slice %arg12[%dma_start3A_108] : memref<3x!tpu.dma_semaphore, #tpu.memory_space<semaphore_mem>> -> memref<1x!tpu.dma_semaphore, #tpu.memory_space<semaphore_mem>>
    %dma_start3A_120 = tpu.memref_squeeze %dma_start3A_119 : memref<1x!tpu.dma_semaphore, #tpu.memory_space<semaphore_mem>> -> memref<!tpu.dma_semaphore, #tpu.memory_space<semaphore_mem>>
    tpu.enqueue_indirect_dma source(%dma_start3A_118 : memref<10000x128xf32, #tpu.memory_space<hbm>>) target(%dma_start3A_112 : memref<80x128xf32, #tpu.memory_space<vmem>>) offsets(%dma_start3A_115 : memref<80xi32, #tpu.memory_space<vmem>>) semaphore(%dma_start3A_120 : memref<!tpu.dma_semaphore, #tpu.memory_space<semaphore_mem>>)
    %scan3A = arith.constant 0 : i32
    %scan3A_121 = arith.constant 0 : i32
    %scan3A_122 = arith.constant 41 : i32
    %scan3A_123 = arith.addi %scan3A_121, %scan3A_122 : i32
    %scan3A_124 = arith.constant 1 : i32
    scf.for %scan3A_250 = %scan3A_121 to %scan3A_123 step %scan3A_124  : i32 {
      %mul3A_251 = arith.constant 3 : i32
      %mul3A_252 = arith.muli %scan3A_250, %mul3A_251 : i32
      %add3A_253 = arith.constant 0 : i32
      %add3A_254 = arith.addi %mul3A_252, %add3A_253 : i32
      %dma_wait3A_255 = arith.constant 0 : i32
      %dma_wait3A_256 = arith.constant 0 : i32
      %dma_wait3A_257 = arith.constant 0 : i32
      %dma_wait3A_258 = tpu.memref_slice %arg8[%dma_wait3A_255, %dma_wait3A_257] : memref<3x80xi32, #tpu.memory_space<vmem>> -> memref<1x80xi32, #tpu.memory_space<vmem>>
      %dma_wait3A_259 = tpu.memref_squeeze %dma_wait3A_258 : memref<1x80xi32, #tpu.memory_space<vmem>> -> memref<80xi32, #tpu.memory_space<vmem>>
      %dma_wait3A_260 = arith.constant 0 : i32
      %dma_wait3A_261 = tpu.memref_slice %arg4[%dma_wait3A_260] : memref<320000xi32, #tpu.memory_space<hbm>> -> memref<80xi32, #tpu.memory_space<hbm>>
      %dma_wait3A_262 = tpu.memref_slice %arg11[%dma_wait3A_256] : memref<3x!tpu.dma_semaphore, #tpu.memory_space<semaphore_mem>> -> memref<1x!tpu.dma_semaphore, #tpu.memory_space<semaphore_mem>>
      %dma_wait3A_263 = tpu.memref_squeeze %dma_wait3A_262 : memref<1x!tpu.dma_semaphore, #tpu.memory_space<semaphore_mem>> -> memref<!tpu.dma_semaphore, #tpu.memory_space<semaphore_mem>>
      %dma_wait3A_264 = arith.constant 0 : i32
      %dma_wait3A_265 = tpu.memref_slice %arg8[%dma_wait3A_255, %dma_wait3A_264] : memref<3x80xi32, #tpu.memory_space<vmem>> -> memref<1x80xi32, #tpu.memory_space<vmem>>
      %dma_wait3A_266 = tpu.memref_squeeze %dma_wait3A_265 : memref<1x80xi32, #tpu.memory_space<vmem>> -> memref<80xi32, #tpu.memory_space<vmem>>
      %dma_wait3A_267 = arith.constant 0 : i32
      %dma_wait3A_268 = tpu.memref_slice %arg4[%dma_wait3A_267] : memref<320000xi32, #tpu.memory_space<hbm>> -> memref<80xi32, #tpu.memory_space<hbm>>
      tpu.wait_dma2 semaphore(%dma_wait3A_263 : memref<!tpu.dma_semaphore, #tpu.memory_space<semaphore_mem>>) src(%dma_wait3A_268 : memref<80xi32, #tpu.memory_space<hbm>>) dst(%dma_wait3A_266 : memref<80xi32, #tpu.memory_space<vmem>>)
      %dma_wait3A_269 = arith.constant 0 : i32
      %dma_wait3A_270 = arith.constant 0 : i32
      %dma_wait3A_271 = arith.constant 0 : i32
      %dma_wait3A_272 = arith.constant 0 : i32
      %dma_wait3A_273 = tpu.memref_slice %arg9[%dma_wait3A_269, %dma_wait3A_271, %dma_wait3A_272] : memref<3x80x128xf32, #tpu.memory_space<vmem>> -> memref<1x80x128xf32, #tpu.memory_space<vmem>>
      %dma_wait3A_274 = tpu.memref_squeeze %dma_wait3A_273 : memref<1x80x128xf32, #tpu.memory_space<vmem>> -> memref<80x128xf32, #tpu.memory_space<vmem>>
      %dma_wait3A_275 = arith.constant 0 : i32
      %dma_wait3A_276 = tpu.memref_slice %arg7[%add3A_254, %dma_wait3A_275] : memref<125x80xi32, #tpu.memory_space<vmem>> -> memref<1x80xi32, #tpu.memory_space<vmem>>
      %dma_wait3A_277 = tpu.memref_squeeze %dma_wait3A_276 : memref<1x80xi32, #tpu.memory_space<vmem>> -> memref<80xi32, #tpu.memory_space<vmem>>
      %dma_wait3A_278 = arith.constant 0 : i32
      %dma_wait3A_279 = arith.constant 0 : i32
      %dma_wait3A_280 = tpu.memref_slice %arg2[%dma_wait3A_278, %dma_wait3A_279] : memref<10000x128xf32, #tpu.memory_space<hbm>> -> memref<10000x128xf32, #tpu.memory_space<hbm>>
      %dma_wait3A_281 = tpu.memref_slice %arg12[%dma_wait3A_270] : memref<3x!tpu.dma_semaphore, #tpu.memory_space<semaphore_mem>> -> memref<1x!tpu.dma_semaphore, #tpu.memory_space<semaphore_mem>>
      %dma_wait3A_282 = tpu.memref_squeeze %dma_wait3A_281 : memref<1x!tpu.dma_semaphore, #tpu.memory_space<semaphore_mem>> -> memref<!tpu.dma_semaphore, #tpu.memory_space<semaphore_mem>>
      tpu.wait_indirect_dma semaphore(%dma_wait3A_282 : memref<!tpu.dma_semaphore, #tpu.memory_space<semaphore_mem>>) src(%dma_wait3A_280 : memref<10000x128xf32, #tpu.memory_space<hbm>>) dst(%dma_wait3A_274 : memref<80x128xf32, #tpu.memory_space<vmem>>)
      %dma_start3A_283 = arith.constant 0 : i32
      %dma_start3A_284 = arith.constant 0 : i32
      %dma_start3A_285 = arith.constant 0 : i32
      %dma_start3A_286 = arith.constant 0 : i32
      %dma_start3A_287 = arith.constant 0 : i32
      %dma_start3A_288 = tpu.memref_slice %arg9[%dma_start3A_283, %dma_start3A_286, %dma_start3A_287] : memref<3x80x128xf32, #tpu.memory_space<vmem>> -> memref<1x80x128xf32, #tpu.memory_space<vmem>>
      %dma_start3A_289 = tpu.memref_squeeze %dma_start3A_288 : memref<1x80x128xf32, #tpu.memory_space<vmem>> -> memref<80x128xf32, #tpu.memory_space<vmem>>
      %dma_start3A_290 = arith.constant 0 : i32
      %dma_start3A_291 = tpu.memref_slice %arg8[%dma_start3A_284, %dma_start3A_290] : memref<3x80xi32, #tpu.memory_space<vmem>> -> memref<1x80xi32, #tpu.memory_space<vmem>>
      %dma_start3A_292 = tpu.memref_squeeze %dma_start3A_291 : memref<1x80xi32, #tpu.memory_space<vmem>> -> memref<80xi32, #tpu.memory_space<vmem>>
      %dma_start3A_293 = arith.constant 0 : i32
      %dma_start3A_294 = arith.constant 0 : i32
      %dma_start3A_295 = tpu.memref_slice %arg10[%dma_start3A_293, %dma_start3A_294] : memref<10000x128xf32, #tpu.memory_space<vmem_shared>> -> memref<10000x128xf32, #tpu.memory_space<vmem_shared>>
      %dma_start3A_296 = tpu.memref_slice %arg13[%dma_start3A_285] : memref<3x!tpu.dma_semaphore, #tpu.memory_space<semaphore_mem>> -> memref<1x!tpu.dma_semaphore, #tpu.memory_space<semaphore_mem>>
      %dma_start3A_297 = tpu.memref_squeeze %dma_start3A_296 : memref<1x!tpu.dma_semaphore, #tpu.memory_space<semaphore_mem>> -> memref<!tpu.dma_semaphore, #tpu.memory_space<semaphore_mem>>
      tpu.enqueue_indirect_dma source(%dma_start3A_289 : memref<80x128xf32, #tpu.memory_space<vmem>>) target(%dma_start3A_295 : memref<10000x128xf32, #tpu.memory_space<vmem_shared>>) offsets(%dma_start3A_292 : memref<80xi32, #tpu.memory_space<vmem>>) semaphore(%dma_start3A_297 : memref<!tpu.dma_semaphore, #tpu.memory_space<semaphore_mem>>) {add = true}
      %add3A_298 = arith.constant 1 : i32
      %add3A_299 = arith.addi %mul3A_252, %add3A_298 : i32
      %dma_wait3A_300 = arith.constant 1 : i32
      %dma_wait3A_301 = arith.constant 1 : i32
      %dma_wait3A_302 = arith.constant 0 : i32
      %dma_wait3A_303 = tpu.memref_slice %arg8[%dma_wait3A_300, %dma_wait3A_302] : memref<3x80xi32, #tpu.memory_space<vmem>> -> memref<1x80xi32, #tpu.memory_space<vmem>>
      %dma_wait3A_304 = tpu.memref_squeeze %dma_wait3A_303 : memref<1x80xi32, #tpu.memory_space<vmem>> -> memref<80xi32, #tpu.memory_space<vmem>>
      %dma_wait3A_305 = arith.constant 0 : i32
      %dma_wait3A_306 = tpu.memref_slice %arg4[%dma_wait3A_305] : memref<320000xi32, #tpu.memory_space<hbm>> -> memref<80xi32, #tpu.memory_space<hbm>>
      %dma_wait3A_307 = tpu.memref_slice %arg11[%dma_wait3A_301] : memref<3x!tpu.dma_semaphore, #tpu.memory_space<semaphore_mem>> -> memref<1x!tpu.dma_semaphore, #tpu.memory_space<semaphore_mem>>
      %dma_wait3A_308 = tpu.memref_squeeze %dma_wait3A_307 : memref<1x!tpu.dma_semaphore, #tpu.memory_space<semaphore_mem>> -> memref<!tpu.dma_semaphore, #tpu.memory_space<semaphore_mem>>
      %dma_wait3A_309 = arith.constant 0 : i32
      %dma_wait3A_310 = tpu.memref_slice %arg8[%dma_wait3A_300, %dma_wait3A_309] : memref<3x80xi32, #tpu.memory_space<vmem>> -> memref<1x80xi32, #tpu.memory_space<vmem>>
      %dma_wait3A_311 = tpu.memref_squeeze %dma_wait3A_310 : memref<1x80xi32, #tpu.memory_space<vmem>> -> memref<80xi32, #tpu.memory_space<vmem>>
      %dma_wait3A_312 = arith.constant 0 : i32
      %dma_wait3A_313 = tpu.memref_slice %arg4[%dma_wait3A_312] : memref<320000xi32, #tpu.memory_space<hbm>> -> memref<80xi32, #tpu.memory_space<hbm>>
      tpu.wait_dma2 semaphore(%dma_wait3A_308 : memref<!tpu.dma_semaphore, #tpu.memory_space<semaphore_mem>>) src(%dma_wait3A_313 : memref<80xi32, #tpu.memory_space<hbm>>) dst(%dma_wait3A_311 : memref<80xi32, #tpu.memory_space<vmem>>)
      %dma_wait3A_314 = arith.constant 1 : i32
      %dma_wait3A_315 = arith.constant 1 : i32
      %dma_wait3A_316 = arith.constant 0 : i32
      %dma_wait3A_317 = arith.constant 0 : i32
      %dma_wait3A_318 = tpu.memref_slice %arg9[%dma_wait3A_314, %dma_wait3A_316, %dma_wait3A_317] : memref<3x80x128xf32, #tpu.memory_space<vmem>> -> memref<1x80x128xf32, #tpu.memory_space<vmem>>
      %dma_wait3A_319 = tpu.memref_squeeze %dma_wait3A_318 : memref<1x80x128xf32, #tpu.memory_space<vmem>> -> memref<80x128xf32, #tpu.memory_space<vmem>>
      %dma_wait3A_320 = arith.constant 0 : i32
      %dma_wait3A_321 = tpu.memref_slice %arg7[%add3A_299, %dma_wait3A_320] : memref<125x80xi32, #tpu.memory_space<vmem>> -> memref<1x80xi32, #tpu.memory_space<vmem>>
      %dma_wait3A_322 = tpu.memref_squeeze %dma_wait3A_321 : memref<1x80xi32, #tpu.memory_space<vmem>> -> memref<80xi32, #tpu.memory_space<vmem>>
      %dma_wait3A_323 = arith.constant 0 : i32
      %dma_wait3A_324 = arith.constant 0 : i32
      %dma_wait3A_325 = tpu.memref_slice %arg2[%dma_wait3A_323, %dma_wait3A_324] : memref<10000x128xf32, #tpu.memory_space<hbm>> -> memref<10000x128xf32, #tpu.memory_space<hbm>>
      %dma_wait3A_326 = tpu.memref_slice %arg12[%dma_wait3A_315] : memref<3x!tpu.dma_semaphore, #tpu.memory_space<semaphore_mem>> -> memref<1x!tpu.dma_semaphore, #tpu.memory_space<semaphore_mem>>
      %dma_wait3A_327 = tpu.memref_squeeze %dma_wait3A_326 : memref<1x!tpu.dma_semaphore, #tpu.memory_space<semaphore_mem>> -> memref<!tpu.dma_semaphore, #tpu.memory_space<semaphore_mem>>
      tpu.wait_indirect_dma semaphore(%dma_wait3A_327 : memref<!tpu.dma_semaphore, #tpu.memory_space<semaphore_mem>>) src(%dma_wait3A_325 : memref<10000x128xf32, #tpu.memory_space<hbm>>) dst(%dma_wait3A_319 : memref<80x128xf32, #tpu.memory_space<vmem>>)
      %dma_start3A_328 = arith.constant 1 : i32
      %dma_start3A_329 = arith.constant 1 : i32
      %dma_start3A_330 = arith.constant 1 : i32
      %dma_start3A_331 = arith.constant 0 : i32
      %dma_start3A_332 = arith.constant 0 : i32
      %dma_start3A_333 = tpu.memref_slice %arg9[%dma_start3A_328, %dma_start3A_331, %dma_start3A_332] : memref<3x80x128xf32, #tpu.memory_space<vmem>> -> memref<1x80x128xf32, #tpu.memory_space<vmem>>
      %dma_start3A_334 = tpu.memref_squeeze %dma_start3A_333 : memref<1x80x128xf32, #tpu.memory_space<vmem>> -> memref<80x128xf32, #tpu.memory_space<vmem>>
      %dma_start3A_335 = arith.constant 0 : i32
      %dma_start3A_336 = tpu.memref_slice %arg8[%dma_start3A_329, %dma_start3A_335] : memref<3x80xi32, #tpu.memory_space<vmem>> -> memref<1x80xi32, #tpu.memory_space<vmem>>
      %dma_start3A_337 = tpu.memref_squeeze %dma_start3A_336 : memref<1x80xi32, #tpu.memory_space<vmem>> -> memref<80xi32, #tpu.memory_space<vmem>>
      %dma_start3A_338 = arith.constant 0 : i32
      %dma_start3A_339 = arith.constant 0 : i32
      %dma_start3A_340 = tpu.memref_slice %arg10[%dma_start3A_338, %dma_start3A_339] : memref<10000x128xf32, #tpu.memory_space<vmem_shared>> -> memref<10000x128xf32, #tpu.memory_space<vmem_shared>>
      %dma_start3A_341 = tpu.memref_slice %arg13[%dma_start3A_330] : memref<3x!tpu.dma_semaphore, #tpu.memory_space<semaphore_mem>> -> memref<1x!tpu.dma_semaphore, #tpu.memory_space<semaphore_mem>>
      %dma_start3A_342 = tpu.memref_squeeze %dma_start3A_341 : memref<1x!tpu.dma_semaphore, #tpu.memory_space<semaphore_mem>> -> memref<!tpu.dma_semaphore, #tpu.memory_space<semaphore_mem>>
      tpu.enqueue_indirect_dma source(%dma_start3A_334 : memref<80x128xf32, #tpu.memory_space<vmem>>) target(%dma_start3A_340 : memref<10000x128xf32, #tpu.memory_space<vmem_shared>>) offsets(%dma_start3A_337 : memref<80xi32, #tpu.memory_space<vmem>>) semaphore(%dma_start3A_342 : memref<!tpu.dma_semaphore, #tpu.memory_space<semaphore_mem>>) {add = true}
      %add3A_343 = arith.constant 2 : i32
      %add3A_344 = arith.addi %mul3A_252, %add3A_343 : i32
      %dma_wait3A_345 = arith.constant 2 : i32
      %dma_wait3A_346 = arith.constant 2 : i32
      %dma_wait3A_347 = arith.constant 0 : i32
      %dma_wait3A_348 = tpu.memref_slice %arg8[%dma_wait3A_345, %dma_wait3A_347] : memref<3x80xi32, #tpu.memory_space<vmem>> -> memref<1x80xi32, #tpu.memory_space<vmem>>
      %dma_wait3A_349 = tpu.memref_squeeze %dma_wait3A_348 : memref<1x80xi32, #tpu.memory_space<vmem>> -> memref<80xi32, #tpu.memory_space<vmem>>
      %dma_wait3A_350 = arith.constant 0 : i32
      %dma_wait3A_351 = tpu.memref_slice %arg4[%dma_wait3A_350] : memref<320000xi32, #tpu.memory_space<hbm>> -> memref<80xi32, #tpu.memory_space<hbm>>
      %dma_wait3A_352 = tpu.memref_slice %arg11[%dma_wait3A_346] : memref<3x!tpu.dma_semaphore, #tpu.memory_space<semaphore_mem>> -> memref<1x!tpu.dma_semaphore, #tpu.memory_space<semaphore_mem>>
      %dma_wait3A_353 = tpu.memref_squeeze %dma_wait3A_352 : memref<1x!tpu.dma_semaphore, #tpu.memory_space<semaphore_mem>> -> memref<!tpu.dma_semaphore, #tpu.memory_space<semaphore_mem>>
      %dma_wait3A_354 = arith.constant 0 : i32
      %dma_wait3A_355 = tpu.memref_slice %arg8[%dma_wait3A_345, %dma_wait3A_354] : memref<3x80xi32, #tpu.memory_space<vmem>> -> memref<1x80xi32, #tpu.memory_space<vmem>>
      %dma_wait3A_356 = tpu.memref_squeeze %dma_wait3A_355 : memref<1x80xi32, #tpu.memory_space<vmem>> -> memref<80xi32, #tpu.memory_space<vmem>>
      %dma_wait3A_357 = arith.constant 0 : i32
      %dma_wait3A_358 = tpu.memref_slice %arg4[%dma_wait3A_357] : memref<320000xi32, #tpu.memory_space<hbm>> -> memref<80xi32, #tpu.memory_space<hbm>>
      tpu.wait_dma2 semaphore(%dma_wait3A_353 : memref<!tpu.dma_semaphore, #tpu.memory_space<semaphore_mem>>) src(%dma_wait3A_358 : memref<80xi32, #tpu.memory_space<hbm>>) dst(%dma_wait3A_356 : memref<80xi32, #tpu.memory_space<vmem>>)
      %dma_wait3A_359 = arith.constant 2 : i32
      %dma_wait3A_360 = arith.constant 2 : i32
      %dma_wait3A_361 = arith.constant 0 : i32
      %dma_wait3A_362 = arith.constant 0 : i32
      %dma_wait3A_363 = tpu.memref_slice %arg9[%dma_wait3A_359, %dma_wait3A_361, %dma_wait3A_362] : memref<3x80x128xf32, #tpu.memory_space<vmem>> -> memref<1x80x128xf32, #tpu.memory_space<vmem>>
      %dma_wait3A_364 = tpu.memref_squeeze %dma_wait3A_363 : memref<1x80x128xf32, #tpu.memory_space<vmem>> -> memref<80x128xf32, #tpu.memory_space<vmem>>
      %dma_wait3A_365 = arith.constant 0 : i32
      %dma_wait3A_366 = tpu.memref_slice %arg7[%add3A_344, %dma_wait3A_365] : memref<125x80xi32, #tpu.memory_space<vmem>> -> memref<1x80xi32, #tpu.memory_space<vmem>>
      %dma_wait3A_367 = tpu.memref_squeeze %dma_wait3A_366 : memref<1x80xi32, #tpu.memory_space<vmem>> -> memref<80xi32, #tpu.memory_space<vmem>>
      %dma_wait3A_368 = arith.constant 0 : i32
      %dma_wait3A_369 = arith.constant 0 : i32
      %dma_wait3A_370 = tpu.memref_slice %arg2[%dma_wait3A_368, %dma_wait3A_369] : memref<10000x128xf32, #tpu.memory_space<hbm>> -> memref<10000x128xf32, #tpu.memory_space<hbm>>
      %dma_wait3A_371 = tpu.memref_slice %arg12[%dma_wait3A_360] : memref<3x!tpu.dma_semaphore, #tpu.memory_space<semaphore_mem>> -> memref<1x!tpu.dma_semaphore, #tpu.memory_space<semaphore_mem>>
      %dma_wait3A_372 = tpu.memref_squeeze %dma_wait3A_371 : memref<1x!tpu.dma_semaphore, #tpu.memory_space<semaphore_mem>> -> memref<!tpu.dma_semaphore, #tpu.memory_space<semaphore_mem>>
      tpu.wait_indirect_dma semaphore(%dma_wait3A_372 : memref<!tpu.dma_semaphore, #tpu.memory_space<semaphore_mem>>) src(%dma_wait3A_370 : memref<10000x128xf32, #tpu.memory_space<hbm>>) dst(%dma_wait3A_364 : memref<80x128xf32, #tpu.memory_space<vmem>>)
      %dma_start3A_373 = arith.constant 2 : i32
      %dma_start3A_374 = arith.constant 2 : i32
      %dma_start3A_375 = arith.constant 2 : i32
      %dma_start3A_376 = arith.constant 0 : i32
      %dma_start3A_377 = arith.constant 0 : i32
      %dma_start3A_378 = tpu.memref_slice %arg9[%dma_start3A_373, %dma_start3A_376, %dma_start3A_377] : memref<3x80x128xf32, #tpu.memory_space<vmem>> -> memref<1x80x128xf32, #tpu.memory_space<vmem>>
      %dma_start3A_379 = tpu.memref_squeeze %dma_start3A_378 : memref<1x80x128xf32, #tpu.memory_space<vmem>> -> memref<80x128xf32, #tpu.memory_space<vmem>>
      %dma_start3A_380 = arith.constant 0 : i32
      %dma_start3A_381 = tpu.memref_slice %arg8[%dma_start3A_374, %dma_start3A_380] : memref<3x80xi32, #tpu.memory_space<vmem>> -> memref<1x80xi32, #tpu.memory_space<vmem>>
      %dma_start3A_382 = tpu.memref_squeeze %dma_start3A_381 : memref<1x80xi32, #tpu.memory_space<vmem>> -> memref<80xi32, #tpu.memory_space<vmem>>
      %dma_start3A_383 = arith.constant 0 : i32
      %dma_start3A_384 = arith.constant 0 : i32
      %dma_start3A_385 = tpu.memref_slice %arg10[%dma_start3A_383, %dma_start3A_384] : memref<10000x128xf32, #tpu.memory_space<vmem_shared>> -> memref<10000x128xf32, #tpu.memory_space<vmem_shared>>
      %dma_start3A_386 = tpu.memref_slice %arg13[%dma_start3A_375] : memref<3x!tpu.dma_semaphore, #tpu.memory_space<semaphore_mem>> -> memref<1x!tpu.dma_semaphore, #tpu.memory_space<semaphore_mem>>
      %dma_start3A_387 = tpu.memref_squeeze %dma_start3A_386 : memref<1x!tpu.dma_semaphore, #tpu.memory_space<semaphore_mem>> -> memref<!tpu.dma_semaphore, #tpu.memory_space<semaphore_mem>>
      tpu.enqueue_indirect_dma source(%dma_start3A_379 : memref<80x128xf32, #tpu.memory_space<vmem>>) target(%dma_start3A_385 : memref<10000x128xf32, #tpu.memory_space<vmem_shared>>) offsets(%dma_start3A_382 : memref<80xi32, #tpu.memory_space<vmem>>) semaphore(%dma_start3A_387 : memref<!tpu.dma_semaphore, #tpu.memory_space<semaphore_mem>>) {add = true}
      %dma_wait3A_388 = arith.constant 0 : i32
      %dma_wait3A_389 = arith.constant 0 : i32
      %dma_wait3A_390 = arith.constant 0 : i32
      %dma_wait3A_391 = arith.constant 0 : i32
      %dma_wait3A_392 = arith.constant 0 : i32
      %dma_wait3A_393 = tpu.memref_slice %arg9[%dma_wait3A_388, %dma_wait3A_391, %dma_wait3A_392] : memref<3x80x128xf32, #tpu.memory_space<vmem>> -> memref<1x80x128xf32, #tpu.memory_space<vmem>>
      %dma_wait3A_394 = tpu.memref_squeeze %dma_wait3A_393 : memref<1x80x128xf32, #tpu.memory_space<vmem>> -> memref<80x128xf32, #tpu.memory_space<vmem>>
      %dma_wait3A_395 = arith.constant 0 : i32
      %dma_wait3A_396 = tpu.memref_slice %arg8[%dma_wait3A_389, %dma_wait3A_395] : memref<3x80xi32, #tpu.memory_space<vmem>> -> memref<1x80xi32, #tpu.memory_space<vmem>>
      %dma_wait3A_397 = tpu.memref_squeeze %dma_wait3A_396 : memref<1x80xi32, #tpu.memory_space<vmem>> -> memref<80xi32, #tpu.memory_space<vmem>>
      %dma_wait3A_398 = arith.constant 0 : i32
      %dma_wait3A_399 = arith.constant 0 : i32
      %dma_wait3A_400 = tpu.memref_slice %arg10[%dma_wait3A_398, %dma_wait3A_399] : memref<10000x128xf32, #tpu.memory_space<vmem_shared>> -> memref<10000x128xf32, #tpu.memory_space<vmem_shared>>
      %dma_wait3A_401 = tpu.memref_slice %arg13[%dma_wait3A_390] : memref<3x!tpu.dma_semaphore, #tpu.memory_space<semaphore_mem>> -> memref<1x!tpu.dma_semaphore, #tpu.memory_space<semaphore_mem>>
      %dma_wait3A_402 = tpu.memref_squeeze %dma_wait3A_401 : memref<1x!tpu.dma_semaphore, #tpu.memory_space<semaphore_mem>> -> memref<!tpu.dma_semaphore, #tpu.memory_space<semaphore_mem>>
      tpu.wait_indirect_dma semaphore(%dma_wait3A_402 : memref<!tpu.dma_semaphore, #tpu.memory_space<semaphore_mem>>) src(%dma_wait3A_394 : memref<80x128xf32, #tpu.memory_space<vmem>>) dst(%dma_wait3A_400 : memref<10000x128xf32, #tpu.memory_space<vmem_shared>>)
      %add3A_403 = arith.constant 0 : i32
      %add3A_404 = arith.addi %mul3A_252, %add3A_403 : i32
      %add3A_405 = arith.constant 3 : i32
      %add3A_406 = arith.addi %add3A_404, %add3A_405 : i32
      %lt3A_407 = arith.constant 125 : i32
      %lt3A_408 = arith.cmpi slt, %add3A_406, %lt3A_407 : i32
      %convert_element_type3A_409 = arith.extui %lt3A_408 : i1 to i32
      %cond3A_410 = arith.constant 0 : i32
      %cond3A_411 = arith.cmpi ne, %convert_element_type3A_409, %cond3A_410 : i32
      scf.if %cond3A_411 {
        %mul3A_460 = arith.constant 10000 : i32
        %mul3A_461 = arith.muli %add3A, %mul3A_460 : i32
        %mul3A_462 = arith.constant 80 : i32
        %mul3A_463 = arith.muli %add3A_406, %mul3A_462 : i32
        %add3A_464 = arith.addi %mul3A_461, %mul3A_463 : i32
        %dma_start3A_465 = arith.constant 0 : i32
        %dma_start3A_466 = arith.constant 0 : i32
        %dma_start3A_467 = arith.constant 0 : i32
        %dma_start3A_468 = tpu.memref_slice %arg8[%dma_start3A_465, %dma_start3A_467] : memref<3x80xi32, #tpu.memory_space<vmem>> -> memref<1x80xi32, #tpu.memory_space<vmem>>
        %dma_start3A_469 = tpu.memref_squeeze %dma_start3A_468 : memref<1x80xi32, #tpu.memory_space<vmem>> -> memref<80xi32, #tpu.memory_space<vmem>>
        %dma_start3A_470 = tpu.memref_slice %arg4[%add3A_464] : memref<320000xi32, #tpu.memory_space<hbm>> -> memref<80xi32, #tpu.memory_space<hbm>>
        %dma_start3A_471 = tpu.memref_slice %arg11[%dma_start3A_466] : memref<3x!tpu.dma_semaphore, #tpu.memory_space<semaphore_mem>> -> memref<1x!tpu.dma_semaphore, #tpu.memory_space<semaphore_mem>>
        %dma_start3A_472 = tpu.memref_squeeze %dma_start3A_471 : memref<1x!tpu.dma_semaphore, #tpu.memory_space<semaphore_mem>> -> memref<!tpu.dma_semaphore, #tpu.memory_space<semaphore_mem>>
        %dma_start3A_473 = arith.constant 0 : i32
        %dma_start3A_474 = tpu.memref_slice %arg8[%dma_start3A_465, %dma_start3A_473] : memref<3x80xi32, #tpu.memory_space<vmem>> -> memref<1x80xi32, #tpu.memory_space<vmem>>
        %dma_start3A_475 = tpu.memref_squeeze %dma_start3A_474 : memref<1x80xi32, #tpu.memory_space<vmem>> -> memref<80xi32, #tpu.memory_space<vmem>>
        %dma_start3A_476 = tpu.memref_slice %arg4[%add3A_464] : memref<320000xi32, #tpu.memory_space<hbm>> -> memref<80xi32, #tpu.memory_space<hbm>>
        tpu.enqueue_dma source(%dma_start3A_476 : memref<80xi32, #tpu.memory_space<hbm>>) target(%dma_start3A_475 : memref<80xi32, #tpu.memory_space<vmem>>) target_semaphore(%dma_start3A_472 : memref<!tpu.dma_semaphore, #tpu.memory_space<semaphore_mem>>)
        %dma_start3A_477 = arith.constant 0 : i32
        %dma_start3A_478 = arith.constant 0 : i32
        %dma_start3A_479 = arith.constant 0 : i32
        %dma_start3A_480 = arith.constant 0 : i32
        %dma_start3A_481 = tpu.memref_slice %arg9[%dma_start3A_477, %dma_start3A_479, %dma_start3A_480] : memref<3x80x128xf32, #tpu.memory_space<vmem>> -> memref<1x80x128xf32, #tpu.memory_space<vmem>>
        %dma_start3A_482 = tpu.memref_squeeze %dma_start3A_481 : memref<1x80x128xf32, #tpu.memory_space<vmem>> -> memref<80x128xf32, #tpu.memory_space<vmem>>
        %dma_start3A_483 = arith.constant 0 : i32
        %dma_start3A_484 = tpu.memref_slice %arg7[%add3A_406, %dma_start3A_483] : memref<125x80xi32, #tpu.memory_space<vmem>> -> memref<1x80xi32, #tpu.memory_space<vmem>>
        %dma_start3A_485 = tpu.memref_squeeze %dma_start3A_484 : memref<1x80xi32, #tpu.memory_space<vmem>> -> memref<80xi32, #tpu.memory_space<vmem>>
        %dma_start3A_486 = arith.constant 0 : i32
        %dma_start3A_487 = arith.constant 0 : i32
        %dma_start3A_488 = tpu.memref_slice %arg2[%dma_start3A_486, %dma_start3A_487] : memref<10000x128xf32, #tpu.memory_space<hbm>> -> memref<10000x128xf32, #tpu.memory_space<hbm>>
        %dma_start3A_489 = tpu.memref_slice %arg12[%dma_start3A_478] : memref<3x!tpu.dma_semaphore, #tpu.memory_space<semaphore_mem>> -> memref<1x!tpu.dma_semaphore, #tpu.memory_space<semaphore_mem>>
        %dma_start3A_490 = tpu.memref_squeeze %dma_start3A_489 : memref<1x!tpu.dma_semaphore, #tpu.memory_space<semaphore_mem>> -> memref<!tpu.dma_semaphore, #tpu.memory_space<semaphore_mem>>
        tpu.enqueue_indirect_dma source(%dma_start3A_488 : memref<10000x128xf32, #tpu.memory_space<hbm>>) target(%dma_start3A_482 : memref<80x128xf32, #tpu.memory_space<vmem>>) offsets(%dma_start3A_485 : memref<80xi32, #tpu.memory_space<vmem>>) semaphore(%dma_start3A_490 : memref<!tpu.dma_semaphore, #tpu.memory_space<semaphore_mem>>)
      } else {
      }
      %dma_wait3A_412 = arith.constant 1 : i32
      %dma_wait3A_413 = arith.constant 1 : i32
      %dma_wait3A_414 = arith.constant 1 : i32
      %dma_wait3A_415 = arith.constant 0 : i32
      %dma_wait3A_416 = arith.constant 0 : i32
      %dma_wait3A_417 = tpu.memref_slice %arg9[%dma_wait3A_412, %dma_wait3A_415, %dma_wait3A_416] : memref<3x80x128xf32, #tpu.memory_space<vmem>> -> memref<1x80x128xf32, #tpu.memory_space<vmem>>
      %dma_wait3A_418 = tpu.memref_squeeze %dma_wait3A_417 : memref<1x80x128xf32, #tpu.memory_space<vmem>> -> memref<80x128xf32, #tpu.memory_space<vmem>>
      %dma_wait3A_419 = arith.constant 0 : i32
      %dma_wait3A_420 = tpu.memref_slice %arg8[%dma_wait3A_413, %dma_wait3A_419] : memref<3x80xi32, #tpu.memory_space<vmem>> -> memref<1x80xi32, #tpu.memory_space<vmem>>
      %dma_wait3A_421 = tpu.memref_squeeze %dma_wait3A_420 : memref<1x80xi32, #tpu.memory_space<vmem>> -> memref<80xi32, #tpu.memory_space<vmem>>
      %dma_wait3A_422 = arith.constant 0 : i32
      %dma_wait3A_423 = arith.constant 0 : i32
      %dma_wait3A_424 = tpu.memref_slice %arg10[%dma_wait3A_422, %dma_wait3A_423] : memref<10000x128xf32, #tpu.memory_space<vmem_shared>> -> memref<10000x128xf32, #tpu.memory_space<vmem_shared>>
      %dma_wait3A_425 = tpu.memref_slice %arg13[%dma_wait3A_414] : memref<3x!tpu.dma_semaphore, #tpu.memory_space<semaphore_mem>> -> memref<1x!tpu.dma_semaphore, #tpu.memory_space<semaphore_mem>>
      %dma_wait3A_426 = tpu.memref_squeeze %dma_wait3A_425 : memref<1x!tpu.dma_semaphore, #tpu.memory_space<semaphore_mem>> -> memref<!tpu.dma_semaphore, #tpu.memory_space<semaphore_mem>>
      tpu.wait_indirect_dma semaphore(%dma_wait3A_426 : memref<!tpu.dma_semaphore, #tpu.memory_space<semaphore_mem>>) src(%dma_wait3A_418 : memref<80x128xf32, #tpu.memory_space<vmem>>) dst(%dma_wait3A_424 : memref<10000x128xf32, #tpu.memory_space<vmem_shared>>)
      %add3A_427 = arith.constant 1 : i32
      %add3A_428 = arith.addi %mul3A_252, %add3A_427 : i32
      %add3A_429 = arith.constant 3 : i32
      %add3A_430 = arith.addi %add3A_428, %add3A_429 : i32
      %lt3A_431 = arith.constant 125 : i32
      %lt3A_432 = arith.cmpi slt, %add3A_430, %lt3A_431 : i32
      %convert_element_type3A_433 = arith.extui %lt3A_432 : i1 to i32
      %cond3A_434 = arith.constant 0 : i32
      %cond3A_435 = arith.cmpi ne, %convert_element_type3A_433, %cond3A_434 : i32
      scf.if %cond3A_435 {
        %mul3A_460 = arith.constant 10000 : i32
        %mul3A_461 = arith.muli %add3A, %mul3A_460 : i32
        %mul3A_462 = arith.constant 80 : i32
        %mul3A_463 = arith.muli %add3A_430, %mul3A_462 : i32
        %add3A_464 = arith.addi %mul3A_461, %mul3A_463 : i32
        %dma_start3A_465 = arith.constant 1 : i32
        %dma_start3A_466 = arith.constant 1 : i32
        %dma_start3A_467 = arith.constant 0 : i32
        %dma_start3A_468 = tpu.memref_slice %arg8[%dma_start3A_465, %dma_start3A_467] : memref<3x80xi32, #tpu.memory_space<vmem>> -> memref<1x80xi32, #tpu.memory_space<vmem>>
        %dma_start3A_469 = tpu.memref_squeeze %dma_start3A_468 : memref<1x80xi32, #tpu.memory_space<vmem>> -> memref<80xi32, #tpu.memory_space<vmem>>
        %dma_start3A_470 = tpu.memref_slice %arg4[%add3A_464] : memref<320000xi32, #tpu.memory_space<hbm>> -> memref<80xi32, #tpu.memory_space<hbm>>
        %dma_start3A_471 = tpu.memref_slice %arg11[%dma_start3A_466] : memref<3x!tpu.dma_semaphore, #tpu.memory_space<semaphore_mem>> -> memref<1x!tpu.dma_semaphore, #tpu.memory_space<semaphore_mem>>
        %dma_start3A_472 = tpu.memref_squeeze %dma_start3A_471 : memref<1x!tpu.dma_semaphore, #tpu.memory_space<semaphore_mem>> -> memref<!tpu.dma_semaphore, #tpu.memory_space<semaphore_mem>>
        %dma_start3A_473 = arith.constant 0 : i32
        %dma_start3A_474 = tpu.memref_slice %arg8[%dma_start3A_465, %dma_start3A_473] : memref<3x80xi32, #tpu.memory_space<vmem>> -> memref<1x80xi32, #tpu.memory_space<vmem>>
        %dma_start3A_475 = tpu.memref_squeeze %dma_start3A_474 : memref<1x80xi32, #tpu.memory_space<vmem>> -> memref<80xi32, #tpu.memory_space<vmem>>
        %dma_start3A_476 = tpu.memref_slice %arg4[%add3A_464] : memref<320000xi32, #tpu.memory_space<hbm>> -> memref<80xi32, #tpu.memory_space<hbm>>
        tpu.enqueue_dma source(%dma_start3A_476 : memref<80xi32, #tpu.memory_space<hbm>>) target(%dma_start3A_475 : memref<80xi32, #tpu.memory_space<vmem>>) target_semaphore(%dma_start3A_472 : memref<!tpu.dma_semaphore, #tpu.memory_space<semaphore_mem>>)
        %dma_start3A_477 = arith.constant 1 : i32
        %dma_start3A_478 = arith.constant 1 : i32
        %dma_start3A_479 = arith.constant 0 : i32
        %dma_start3A_480 = arith.constant 0 : i32
        %dma_start3A_481 = tpu.memref_slice %arg9[%dma_start3A_477, %dma_start3A_479, %dma_start3A_480] : memref<3x80x128xf32, #tpu.memory_space<vmem>> -> memref<1x80x128xf32, #tpu.memory_space<vmem>>
        %dma_start3A_482 = tpu.memref_squeeze %dma_start3A_481 : memref<1x80x128xf32, #tpu.memory_space<vmem>> -> memref<80x128xf32, #tpu.memory_space<vmem>>
        %dma_start3A_483 = arith.constant 0 : i32
        %dma_start3A_484 = tpu.memref_slice %arg7[%add3A_430, %dma_start3A_483] : memref<125x80xi32, #tpu.memory_space<vmem>> -> memref<1x80xi32, #tpu.memory_space<vmem>>
        %dma_start3A_485 = tpu.memref_squeeze %dma_start3A_484 : memref<1x80xi32, #tpu.memory_space<vmem>> -> memref<80xi32, #tpu.memory_space<vmem>>
        %dma_start3A_486 = arith.constant 0 : i32
        %dma_start3A_487 = arith.constant 0 : i32
        %dma_start3A_488 = tpu.memref_slice %arg2[%dma_start3A_486, %dma_start3A_487] : memref<10000x128xf32, #tpu.memory_space<hbm>> -> memref<10000x128xf32, #tpu.memory_space<hbm>>
        %dma_start3A_489 = tpu.memref_slice %arg12[%dma_start3A_478] : memref<3x!tpu.dma_semaphore, #tpu.memory_space<semaphore_mem>> -> memref<1x!tpu.dma_semaphore, #tpu.memory_space<semaphore_mem>>
        %dma_start3A_490 = tpu.memref_squeeze %dma_start3A_489 : memref<1x!tpu.dma_semaphore, #tpu.memory_space<semaphore_mem>> -> memref<!tpu.dma_semaphore, #tpu.memory_space<semaphore_mem>>
        tpu.enqueue_indirect_dma source(%dma_start3A_488 : memref<10000x128xf32, #tpu.memory_space<hbm>>) target(%dma_start3A_482 : memref<80x128xf32, #tpu.memory_space<vmem>>) offsets(%dma_start3A_485 : memref<80xi32, #tpu.memory_space<vmem>>) semaphore(%dma_start3A_490 : memref<!tpu.dma_semaphore, #tpu.memory_space<semaphore_mem>>)
      } else {
      }
      %dma_wait3A_436 = arith.constant 2 : i32
      %dma_wait3A_437 = arith.constant 2 : i32
      %dma_wait3A_438 = arith.constant 2 : i32
      %dma_wait3A_439 = arith.constant 0 : i32
      %dma_wait3A_440 = arith.constant 0 : i32
      %dma_wait3A_441 = tpu.memref_slice %arg9[%dma_wait3A_436, %dma_wait3A_439, %dma_wait3A_440] : memref<3x80x128xf32, #tpu.memory_space<vmem>> -> memref<1x80x128xf32, #tpu.memory_space<vmem>>
      %dma_wait3A_442 = tpu.memref_squeeze %dma_wait3A_441 : memref<1x80x128xf32, #tpu.memory_space<vmem>> -> memref<80x128xf32, #tpu.memory_space<vmem>>
      %dma_wait3A_443 = arith.constant 0 : i32
      %dma_wait3A_444 = tpu.memref_slice %arg8[%dma_wait3A_437, %dma_wait3A_443] : memref<3x80xi32, #tpu.memory_space<vmem>> -> memref<1x80xi32, #tpu.memory_space<vmem>>
      %dma_wait3A_445 = tpu.memref_squeeze %dma_wait3A_444 : memref<1x80xi32, #tpu.memory_space<vmem>> -> memref<80xi32, #tpu.memory_space<vmem>>
      %dma_wait3A_446 = arith.constant 0 : i32
      %dma_wait3A_447 = arith.constant 0 : i32
      %dma_wait3A_448 = tpu.memref_slice %arg10[%dma_wait3A_446, %dma_wait3A_447] : memref<10000x128xf32, #tpu.memory_space<vmem_shared>> -> memref<10000x128xf32, #tpu.memory_space<vmem_shared>>
      %dma_wait3A_449 = tpu.memref_slice %arg13[%dma_wait3A_438] : memref<3x!tpu.dma_semaphore, #tpu.memory_space<semaphore_mem>> -> memref<1x!tpu.dma_semaphore, #tpu.memory_space<semaphore_mem>>
      %dma_wait3A_450 = tpu.memref_squeeze %dma_wait3A_449 : memref<1x!tpu.dma_semaphore, #tpu.memory_space<semaphore_mem>> -> memref<!tpu.dma_semaphore, #tpu.memory_space<semaphore_mem>>
      tpu.wait_indirect_dma semaphore(%dma_wait3A_450 : memref<!tpu.dma_semaphore, #tpu.memory_space<semaphore_mem>>) src(%dma_wait3A_442 : memref<80x128xf32, #tpu.memory_space<vmem>>) dst(%dma_wait3A_448 : memref<10000x128xf32, #tpu.memory_space<vmem_shared>>)
      %add3A_451 = arith.constant 2 : i32
      %add3A_452 = arith.addi %mul3A_252, %add3A_451 : i32
      %add3A_453 = arith.constant 3 : i32
      %add3A_454 = arith.addi %add3A_452, %add3A_453 : i32
      %lt3A_455 = arith.constant 125 : i32
      %lt3A_456 = arith.cmpi slt, %add3A_454, %lt3A_455 : i32
      %convert_element_type3A_457 = arith.extui %lt3A_456 : i1 to i32
      %cond3A_458 = arith.constant 0 : i32
      %cond3A_459 = arith.cmpi ne, %convert_element_type3A_457, %cond3A_458 : i32
      scf.if %cond3A_459 {
        %mul3A_460 = arith.constant 10000 : i32
        %mul3A_461 = arith.muli %add3A, %mul3A_460 : i32
        %mul3A_462 = arith.constant 80 : i32
        %mul3A_463 = arith.muli %add3A_454, %mul3A_462 : i32
        %add3A_464 = arith.addi %mul3A_461, %mul3A_463 : i32
        %dma_start3A_465 = arith.constant 2 : i32
        %dma_start3A_466 = arith.constant 2 : i32
        %dma_start3A_467 = arith.constant 0 : i32
        %dma_start3A_468 = tpu.memref_slice %arg8[%dma_start3A_465, %dma_start3A_467] : memref<3x80xi32, #tpu.memory_space<vmem>> -> memref<1x80xi32, #tpu.memory_space<vmem>>
        %dma_start3A_469 = tpu.memref_squeeze %dma_start3A_468 : memref<1x80xi32, #tpu.memory_space<vmem>> -> memref<80xi32, #tpu.memory_space<vmem>>
        %dma_start3A_470 = tpu.memref_slice %arg4[%add3A_464] : memref<320000xi32, #tpu.memory_space<hbm>> -> memref<80xi32, #tpu.memory_space<hbm>>
        %dma_start3A_471 = tpu.memref_slice %arg11[%dma_start3A_466] : memref<3x!tpu.dma_semaphore, #tpu.memory_space<semaphore_mem>> -> memref<1x!tpu.dma_semaphore, #tpu.memory_space<semaphore_mem>>
        %dma_start3A_472 = tpu.memref_squeeze %dma_start3A_471 : memref<1x!tpu.dma_semaphore, #tpu.memory_space<semaphore_mem>> -> memref<!tpu.dma_semaphore, #tpu.memory_space<semaphore_mem>>
        %dma_start3A_473 = arith.constant 0 : i32
        %dma_start3A_474 = tpu.memref_slice %arg8[%dma_start3A_465, %dma_start3A_473] : memref<3x80xi32, #tpu.memory_space<vmem>> -> memref<1x80xi32, #tpu.memory_space<vmem>>
        %dma_start3A_475 = tpu.memref_squeeze %dma_start3A_474 : memref<1x80xi32, #tpu.memory_space<vmem>> -> memref<80xi32, #tpu.memory_space<vmem>>
        %dma_start3A_476 = tpu.memref_slice %arg4[%add3A_464] : memref<320000xi32, #tpu.memory_space<hbm>> -> memref<80xi32, #tpu.memory_space<hbm>>
        tpu.enqueue_dma source(%dma_start3A_476 : memref<80xi32, #tpu.memory_space<hbm>>) target(%dma_start3A_475 : memref<80xi32, #tpu.memory_space<vmem>>) target_semaphore(%dma_start3A_472 : memref<!tpu.dma_semaphore, #tpu.memory_space<semaphore_mem>>)
        %dma_start3A_477 = arith.constant 2 : i32
        %dma_start3A_478 = arith.constant 2 : i32
        %dma_start3A_479 = arith.constant 0 : i32
        %dma_start3A_480 = arith.constant 0 : i32
        %dma_start3A_481 = tpu.memref_slice %arg9[%dma_start3A_477, %dma_start3A_479, %dma_start3A_480] : memref<3x80x128xf32, #tpu.memory_space<vmem>> -> memref<1x80x128xf32, #tpu.memory_space<vmem>>
        %dma_start3A_482 = tpu.memref_squeeze %dma_start3A_481 : memref<1x80x128xf32, #tpu.memory_space<vmem>> -> memref<80x128xf32, #tpu.memory_space<vmem>>
        %dma_start3A_483 = arith.constant 0 : i32
        %dma_start3A_484 = tpu.memref_slice %arg7[%add3A_454, %dma_start3A_483] : memref<125x80xi32, #tpu.memory_space<vmem>> -> memref<1x80xi32, #tpu.memory_space<vmem>>
        %dma_start3A_485 = tpu.memref_squeeze %dma_start3A_484 : memref<1x80xi32, #tpu.memory_space<vmem>> -> memref<80xi32, #tpu.memory_space<vmem>>
        %dma_start3A_486 = arith.constant 0 : i32
        %dma_start3A_487 = arith.constant 0 : i32
        %dma_start3A_488 = tpu.memref_slice %arg2[%dma_start3A_486, %dma_start3A_487] : memref<10000x128xf32, #tpu.memory_space<hbm>> -> memref<10000x128xf32, #tpu.memory_space<hbm>>
        %dma_start3A_489 = tpu.memref_slice %arg12[%dma_start3A_478] : memref<3x!tpu.dma_semaphore, #tpu.memory_space<semaphore_mem>> -> memref<1x!tpu.dma_semaphore, #tpu.memory_space<semaphore_mem>>
        %dma_start3A_490 = tpu.memref_squeeze %dma_start3A_489 : memref<1x!tpu.dma_semaphore, #tpu.memory_space<semaphore_mem>> -> memref<!tpu.dma_semaphore, #tpu.memory_space<semaphore_mem>>
        tpu.enqueue_indirect_dma source(%dma_start3A_488 : memref<10000x128xf32, #tpu.memory_space<hbm>>) target(%dma_start3A_482 : memref<80x128xf32, #tpu.memory_space<vmem>>) offsets(%dma_start3A_485 : memref<80xi32, #tpu.memory_space<vmem>>) semaphore(%dma_start3A_490 : memref<!tpu.dma_semaphore, #tpu.memory_space<semaphore_mem>>)
      } else {
      }
    }
    %scan3A_125 = arith.constant 41 : i32
    %dma_wait3A_126 = arith.constant 0 : i32
    %dma_wait3A_127 = arith.constant 0 : i32
    %dma_wait3A_128 = arith.constant 0 : i32
    %dma_wait3A_129 = tpu.memref_slice %arg8[%dma_wait3A_126, %dma_wait3A_128] : memref<3x80xi32, #tpu.memory_space<vmem>> -> memref<1x80xi32, #tpu.memory_space<vmem>>
    %dma_wait3A_130 = tpu.memref_squeeze %dma_wait3A_129 : memref<1x80xi32, #tpu.memory_space<vmem>> -> memref<80xi32, #tpu.memory_space<vmem>>
    %dma_wait3A_131 = arith.constant 0 : i32
    %dma_wait3A_132 = tpu.memref_slice %arg4[%dma_wait3A_131] : memref<320000xi32, #tpu.memory_space<hbm>> -> memref<80xi32, #tpu.memory_space<hbm>>
    %dma_wait3A_133 = tpu.memref_slice %arg11[%dma_wait3A_127] : memref<3x!tpu.dma_semaphore, #tpu.memory_space<semaphore_mem>> -> memref<1x!tpu.dma_semaphore, #tpu.memory_space<semaphore_mem>>
    %dma_wait3A_134 = tpu.memref_squeeze %dma_wait3A_133 : memref<1x!tpu.dma_semaphore, #tpu.memory_space<semaphore_mem>> -> memref<!tpu.dma_semaphore, #tpu.memory_space<semaphore_mem>>
    %dma_wait3A_135 = arith.constant 0 : i32
    %dma_wait3A_136 = tpu.memref_slice %arg8[%dma_wait3A_126, %dma_wait3A_135] : memref<3x80xi32, #tpu.memory_space<vmem>> -> memref<1x80xi32, #tpu.memory_space<vmem>>
    %dma_wait3A_137 = tpu.memref_squeeze %dma_wait3A_136 : memref<1x80xi32, #tpu.memory_space<vmem>> -> memref<80xi32, #tpu.memory_space<vmem>>
    %dma_wait3A_138 = arith.constant 0 : i32
    %dma_wait3A_139 = tpu.memref_slice %arg4[%dma_wait3A_138] : memref<320000xi32, #tpu.memory_space<hbm>> -> memref<80xi32, #tpu.memory_space<hbm>>
    tpu.wait_dma2 semaphore(%dma_wait3A_134 : memref<!tpu.dma_semaphore, #tpu.memory_space<semaphore_mem>>) src(%dma_wait3A_139 : memref<80xi32, #tpu.memory_space<hbm>>) dst(%dma_wait3A_137 : memref<80xi32, #tpu.memory_space<vmem>>)
    %dma_wait3A_140 = arith.constant 123 : i32
    %dma_wait3A_141 = arith.constant 0 : i32
    %dma_wait3A_142 = arith.constant 0 : i32
    %dma_wait3A_143 = arith.constant 0 : i32
    %dma_wait3A_144 = arith.constant 0 : i32
    %dma_wait3A_145 = tpu.memref_slice %arg9[%dma_wait3A_141, %dma_wait3A_143, %dma_wait3A_144] : memref<3x80x128xf32, #tpu.memory_space<vmem>> -> memref<1x80x128xf32, #tpu.memory_space<vmem>>
    %dma_wait3A_146 = tpu.memref_squeeze %dma_wait3A_145 : memref<1x80x128xf32, #tpu.memory_space<vmem>> -> memref<80x128xf32, #tpu.memory_space<vmem>>
    %dma_wait3A_147 = arith.constant 0 : i32
    %dma_wait3A_148 = tpu.memref_slice %arg7[%dma_wait3A_140, %dma_wait3A_147] : memref<125x80xi32, #tpu.memory_space<vmem>> -> memref<1x80xi32, #tpu.memory_space<vmem>>
    %dma_wait3A_149 = tpu.memref_squeeze %dma_wait3A_148 : memref<1x80xi32, #tpu.memory_space<vmem>> -> memref<80xi32, #tpu.memory_space<vmem>>
    %dma_wait3A_150 = arith.constant 0 : i32
    %dma_wait3A_151 = arith.constant 0 : i32
    %dma_wait3A_152 = tpu.memref_slice %arg2[%dma_wait3A_150, %dma_wait3A_151] : memref<10000x128xf32, #tpu.memory_space<hbm>> -> memref<10000x128xf32, #tpu.memory_space<hbm>>
    %dma_wait3A_153 = tpu.memref_slice %arg12[%dma_wait3A_142] : memref<3x!tpu.dma_semaphore, #tpu.memory_space<semaphore_mem>> -> memref<1x!tpu.dma_semaphore, #tpu.memory_space<semaphore_mem>>
    %dma_wait3A_154 = tpu.memref_squeeze %dma_wait3A_153 : memref<1x!tpu.dma_semaphore, #tpu.memory_space<semaphore_mem>> -> memref<!tpu.dma_semaphore, #tpu.memory_space<semaphore_mem>>
    tpu.wait_indirect_dma semaphore(%dma_wait3A_154 : memref<!tpu.dma_semaphore, #tpu.memory_space<semaphore_mem>>) src(%dma_wait3A_152 : memref<10000x128xf32, #tpu.memory_space<hbm>>) dst(%dma_wait3A_146 : memref<80x128xf32, #tpu.memory_space<vmem>>)
    %dma_start3A_155 = arith.constant 0 : i32
    %dma_start3A_156 = arith.constant 0 : i32
    %dma_start3A_157 = arith.constant 0 : i32
    %dma_start3A_158 = arith.constant 0 : i32
    %dma_start3A_159 = arith.constant 0 : i32
    %dma_start3A_160 = tpu.memref_slice %arg9[%dma_start3A_155, %dma_start3A_158, %dma_start3A_159] : memref<3x80x128xf32, #tpu.memory_space<vmem>> -> memref<1x80x128xf32, #tpu.memory_space<vmem>>
    %dma_start3A_161 = tpu.memref_squeeze %dma_start3A_160 : memref<1x80x128xf32, #tpu.memory_space<vmem>> -> memref<80x128xf32, #tpu.memory_space<vmem>>
    %dma_start3A_162 = arith.constant 0 : i32
    %dma_start3A_163 = tpu.memref_slice %arg8[%dma_start3A_156, %dma_start3A_162] : memref<3x80xi32, #tpu.memory_space<vmem>> -> memref<1x80xi32, #tpu.memory_space<vmem>>
    %dma_start3A_164 = tpu.memref_squeeze %dma_start3A_163 : memref<1x80xi32, #tpu.memory_space<vmem>> -> memref<80xi32, #tpu.memory_space<vmem>>
    %dma_start3A_165 = arith.constant 0 : i32
    %dma_start3A_166 = arith.constant 0 : i32
    %dma_start3A_167 = tpu.memref_slice %arg10[%dma_start3A_165, %dma_start3A_166] : memref<10000x128xf32, #tpu.memory_space<vmem_shared>> -> memref<10000x128xf32, #tpu.memory_space<vmem_shared>>
    %dma_start3A_168 = tpu.memref_slice %arg13[%dma_start3A_157] : memref<3x!tpu.dma_semaphore, #tpu.memory_space<semaphore_mem>> -> memref<1x!tpu.dma_semaphore, #tpu.memory_space<semaphore_mem>>
    %dma_start3A_169 = tpu.memref_squeeze %dma_start3A_168 : memref<1x!tpu.dma_semaphore, #tpu.memory_space<semaphore_mem>> -> memref<!tpu.dma_semaphore, #tpu.memory_space<semaphore_mem>>
    tpu.enqueue_indirect_dma source(%dma_start3A_161 : memref<80x128xf32, #tpu.memory_space<vmem>>) target(%dma_start3A_167 : memref<10000x128xf32, #tpu.memory_space<vmem_shared>>) offsets(%dma_start3A_164 : memref<80xi32, #tpu.memory_space<vmem>>) semaphore(%dma_start3A_169 : memref<!tpu.dma_semaphore, #tpu.memory_space<semaphore_mem>>) {add = true}
    %dma_wait3A_170 = arith.constant 1 : i32
    %dma_wait3A_171 = arith.constant 1 : i32
    %dma_wait3A_172 = arith.constant 0 : i32
    %dma_wait3A_173 = tpu.memref_slice %arg8[%dma_wait3A_170, %dma_wait3A_172] : memref<3x80xi32, #tpu.memory_space<vmem>> -> memref<1x80xi32, #tpu.memory_space<vmem>>
    %dma_wait3A_174 = tpu.memref_squeeze %dma_wait3A_173 : memref<1x80xi32, #tpu.memory_space<vmem>> -> memref<80xi32, #tpu.memory_space<vmem>>
    %dma_wait3A_175 = arith.constant 0 : i32
    %dma_wait3A_176 = tpu.memref_slice %arg4[%dma_wait3A_175] : memref<320000xi32, #tpu.memory_space<hbm>> -> memref<80xi32, #tpu.memory_space<hbm>>
    %dma_wait3A_177 = tpu.memref_slice %arg11[%dma_wait3A_171] : memref<3x!tpu.dma_semaphore, #tpu.memory_space<semaphore_mem>> -> memref<1x!tpu.dma_semaphore, #tpu.memory_space<semaphore_mem>>
    %dma_wait3A_178 = tpu.memref_squeeze %dma_wait3A_177 : memref<1x!tpu.dma_semaphore, #tpu.memory_space<semaphore_mem>> -> memref<!tpu.dma_semaphore, #tpu.memory_space<semaphore_mem>>
    %dma_wait3A_179 = arith.constant 0 : i32
    %dma_wait3A_180 = tpu.memref_slice %arg8[%dma_wait3A_170, %dma_wait3A_179] : memref<3x80xi32, #tpu.memory_space<vmem>> -> memref<1x80xi32, #tpu.memory_space<vmem>>
    %dma_wait3A_181 = tpu.memref_squeeze %dma_wait3A_180 : memref<1x80xi32, #tpu.memory_space<vmem>> -> memref<80xi32, #tpu.memory_space<vmem>>
    %dma_wait3A_182 = arith.constant 0 : i32
    %dma_wait3A_183 = tpu.memref_slice %arg4[%dma_wait3A_182] : memref<320000xi32, #tpu.memory_space<hbm>> -> memref<80xi32, #tpu.memory_space<hbm>>
    tpu.wait_dma2 semaphore(%dma_wait3A_178 : memref<!tpu.dma_semaphore, #tpu.memory_space<semaphore_mem>>) src(%dma_wait3A_183 : memref<80xi32, #tpu.memory_space<hbm>>) dst(%dma_wait3A_181 : memref<80xi32, #tpu.memory_space<vmem>>)
    %dma_wait3A_184 = arith.constant 124 : i32
    %dma_wait3A_185 = arith.constant 1 : i32
    %dma_wait3A_186 = arith.constant 1 : i32
    %dma_wait3A_187 = arith.constant 0 : i32
    %dma_wait3A_188 = arith.constant 0 : i32
    %dma_wait3A_189 = tpu.memref_slice %arg9[%dma_wait3A_185, %dma_wait3A_187, %dma_wait3A_188] : memref<3x80x128xf32, #tpu.memory_space<vmem>> -> memref<1x80x128xf32, #tpu.memory_space<vmem>>
    %dma_wait3A_190 = tpu.memref_squeeze %dma_wait3A_189 : memref<1x80x128xf32, #tpu.memory_space<vmem>> -> memref<80x128xf32, #tpu.memory_space<vmem>>
    %dma_wait3A_191 = arith.constant 0 : i32
    %dma_wait3A_192 = tpu.memref_slice %arg7[%dma_wait3A_184, %dma_wait3A_191] : memref<125x80xi32, #tpu.memory_space<vmem>> -> memref<1x80xi32, #tpu.memory_space<vmem>>
    %dma_wait3A_193 = tpu.memref_squeeze %dma_wait3A_192 : memref<1x80xi32, #tpu.memory_space<vmem>> -> memref<80xi32, #tpu.memory_space<vmem>>
    %dma_wait3A_194 = arith.constant 0 : i32
    %dma_wait3A_195 = arith.constant 0 : i32
    %dma_wait3A_196 = tpu.memref_slice %arg2[%dma_wait3A_194, %dma_wait3A_195] : memref<10000x128xf32, #tpu.memory_space<hbm>> -> memref<10000x128xf32, #tpu.memory_space<hbm>>
    %dma_wait3A_197 = tpu.memref_slice %arg12[%dma_wait3A_186] : memref<3x!tpu.dma_semaphore, #tpu.memory_space<semaphore_mem>> -> memref<1x!tpu.dma_semaphore, #tpu.memory_space<semaphore_mem>>
    %dma_wait3A_198 = tpu.memref_squeeze %dma_wait3A_197 : memref<1x!tpu.dma_semaphore, #tpu.memory_space<semaphore_mem>> -> memref<!tpu.dma_semaphore, #tpu.memory_space<semaphore_mem>>
    tpu.wait_indirect_dma semaphore(%dma_wait3A_198 : memref<!tpu.dma_semaphore, #tpu.memory_space<semaphore_mem>>) src(%dma_wait3A_196 : memref<10000x128xf32, #tpu.memory_space<hbm>>) dst(%dma_wait3A_190 : memref<80x128xf32, #tpu.memory_space<vmem>>)
    %dma_start3A_199 = arith.constant 1 : i32
    %dma_start3A_200 = arith.constant 1 : i32
    %dma_start3A_201 = arith.constant 1 : i32
    %dma_start3A_202 = arith.constant 0 : i32
    %dma_start3A_203 = arith.constant 0 : i32
    %dma_start3A_204 = tpu.memref_slice %arg9[%dma_start3A_199, %dma_start3A_202, %dma_start3A_203] : memref<3x80x128xf32, #tpu.memory_space<vmem>> -> memref<1x80x128xf32, #tpu.memory_space<vmem>>
    %dma_start3A_205 = tpu.memref_squeeze %dma_start3A_204 : memref<1x80x128xf32, #tpu.memory_space<vmem>> -> memref<80x128xf32, #tpu.memory_space<vmem>>
    %dma_start3A_206 = arith.constant 0 : i32
    %dma_start3A_207 = tpu.memref_slice %arg8[%dma_start3A_200, %dma_start3A_206] : memref<3x80xi32, #tpu.memory_space<vmem>> -> memref<1x80xi32, #tpu.memory_space<vmem>>
    %dma_start3A_208 = tpu.memref_squeeze %dma_start3A_207 : memref<1x80xi32, #tpu.memory_space<vmem>> -> memref<80xi32, #tpu.memory_space<vmem>>
    %dma_start3A_209 = arith.constant 0 : i32
    %dma_start3A_210 = arith.constant 0 : i32
    %dma_start3A_211 = tpu.memref_slice %arg10[%dma_start3A_209, %dma_start3A_210] : memref<10000x128xf32, #tpu.memory_space<vmem_shared>> -> memref<10000x128xf32, #tpu.memory_space<vmem_shared>>
    %dma_start3A_212 = tpu.memref_slice %arg13[%dma_start3A_201] : memref<3x!tpu.dma_semaphore, #tpu.memory_space<semaphore_mem>> -> memref<1x!tpu.dma_semaphore, #tpu.memory_space<semaphore_mem>>
    %dma_start3A_213 = tpu.memref_squeeze %dma_start3A_212 : memref<1x!tpu.dma_semaphore, #tpu.memory_space<semaphore_mem>> -> memref<!tpu.dma_semaphore, #tpu.memory_space<semaphore_mem>>
    tpu.enqueue_indirect_dma source(%dma_start3A_205 : memref<80x128xf32, #tpu.memory_space<vmem>>) target(%dma_start3A_211 : memref<10000x128xf32, #tpu.memory_space<vmem_shared>>) offsets(%dma_start3A_208 : memref<80xi32, #tpu.memory_space<vmem>>) semaphore(%dma_start3A_213 : memref<!tpu.dma_semaphore, #tpu.memory_space<semaphore_mem>>) {add = true}
    %dma_wait3A_214 = arith.constant 0 : i32
    %dma_wait3A_215 = arith.constant 0 : i32
    %dma_wait3A_216 = arith.constant 0 : i32
    %dma_wait3A_217 = arith.constant 0 : i32
    %dma_wait3A_218 = arith.constant 0 : i32
    %dma_wait3A_219 = tpu.memref_slice %arg9[%dma_wait3A_214, %dma_wait3A_217, %dma_wait3A_218] : memref<3x80x128xf32, #tpu.memory_space<vmem>> -> memref<1x80x128xf32, #tpu.memory_space<vmem>>
    %dma_wait3A_220 = tpu.memref_squeeze %dma_wait3A_219 : memref<1x80x128xf32, #tpu.memory_space<vmem>> -> memref<80x128xf32, #tpu.memory_space<vmem>>
    %dma_wait3A_221 = arith.constant 0 : i32
    %dma_wait3A_222 = tpu.memref_slice %arg8[%dma_wait3A_215, %dma_wait3A_221] : memref<3x80xi32, #tpu.memory_space<vmem>> -> memref<1x80xi32, #tpu.memory_space<vmem>>
    %dma_wait3A_223 = tpu.memref_squeeze %dma_wait3A_222 : memref<1x80xi32, #tpu.memory_space<vmem>> -> memref<80xi32, #tpu.memory_space<vmem>>
    %dma_wait3A_224 = arith.constant 0 : i32
    %dma_wait3A_225 = arith.constant 0 : i32
    %dma_wait3A_226 = tpu.memref_slice %arg10[%dma_wait3A_224, %dma_wait3A_225] : memref<10000x128xf32, #tpu.memory_space<vmem_shared>> -> memref<10000x128xf32, #tpu.memory_space<vmem_shared>>
    %dma_wait3A_227 = tpu.memref_slice %arg13[%dma_wait3A_216] : memref<3x!tpu.dma_semaphore, #tpu.memory_space<semaphore_mem>> -> memref<1x!tpu.dma_semaphore, #tpu.memory_space<semaphore_mem>>
    %dma_wait3A_228 = tpu.memref_squeeze %dma_wait3A_227 : memref<1x!tpu.dma_semaphore, #tpu.memory_space<semaphore_mem>> -> memref<!tpu.dma_semaphore, #tpu.memory_space<semaphore_mem>>
    tpu.wait_indirect_dma semaphore(%dma_wait3A_228 : memref<!tpu.dma_semaphore, #tpu.memory_space<semaphore_mem>>) src(%dma_wait3A_220 : memref<80x128xf32, #tpu.memory_space<vmem>>) dst(%dma_wait3A_226 : memref<10000x128xf32, #tpu.memory_space<vmem_shared>>)
    %dma_wait3A_229 = arith.constant 1 : i32
    %dma_wait3A_230 = arith.constant 1 : i32
    %dma_wait3A_231 = arith.constant 1 : i32
    %dma_wait3A_232 = arith.constant 0 : i32
    %dma_wait3A_233 = arith.constant 0 : i32
    %dma_wait3A_234 = tpu.memref_slice %arg9[%dma_wait3A_229, %dma_wait3A_232, %dma_wait3A_233] : memref<3x80x128xf32, #tpu.memory_space<vmem>> -> memref<1x80x128xf32, #tpu.memory_space<vmem>>
    %dma_wait3A_235 = tpu.memref_squeeze %dma_wait3A_234 : memref<1x80x128xf32, #tpu.memory_space<vmem>> -> memref<80x128xf32, #tpu.memory_space<vmem>>
    %dma_wait3A_236 = arith.constant 0 : i32
    %dma_wait3A_237 = tpu.memref_slice %arg8[%dma_wait3A_230, %dma_wait3A_236] : memref<3x80xi32, #tpu.memory_space<vmem>> -> memref<1x80xi32, #tpu.memory_space<vmem>>
    %dma_wait3A_238 = tpu.memref_squeeze %dma_wait3A_237 : memref<1x80xi32, #tpu.memory_space<vmem>> -> memref<80xi32, #tpu.memory_space<vmem>>
    %dma_wait3A_239 = arith.constant 0 : i32
    %dma_wait3A_240 = arith.constant 0 : i32
    %dma_wait3A_241 = tpu.memref_slice %arg10[%dma_wait3A_239, %dma_wait3A_240] : memref<10000x128xf32, #tpu.memory_space<vmem_shared>> -> memref<10000x128xf32, #tpu.memory_space<vmem_shared>>
    %dma_wait3A_242 = tpu.memref_slice %arg13[%dma_wait3A_231] : memref<3x!tpu.dma_semaphore, #tpu.memory_space<semaphore_mem>> -> memref<1x!tpu.dma_semaphore, #tpu.memory_space<semaphore_mem>>
    %dma_wait3A_243 = tpu.memref_squeeze %dma_wait3A_242 : memref<1x!tpu.dma_semaphore, #tpu.memory_space<semaphore_mem>> -> memref<!tpu.dma_semaphore, #tpu.memory_space<semaphore_mem>>
    tpu.wait_indirect_dma semaphore(%dma_wait3A_243 : memref<!tpu.dma_semaphore, #tpu.memory_space<semaphore_mem>>) src(%dma_wait3A_235 : memref<80x128xf32, #tpu.memory_space<vmem>>) dst(%dma_wait3A_241 : memref<10000x128xf32, #tpu.memory_space<vmem_shared>>)
    %barrier3A_244 = arith.constant 0 : index
    tpu.barrier barrier_id(%barrier3A_244)
    %lt3A_245 = arith.constant 10 : i32
    %lt3A_246 = arith.cmpi slt, %arg1, %lt3A_245 : i32
    %convert_element_type3A_247 = arith.extui %lt3A_246 : i1 to i32
    %cond3A_248 = arith.constant 0 : i32
    %cond3A_249 = arith.cmpi ne, %convert_element_type3A_247, %cond3A_248 : i32
    scf.if %cond3A_249 {
      %mul3A_250 = arith.constant 1000 : i32
      %mul3A_251 = arith.muli %arg1, %mul3A_250 : i32
      %mul3A_252 = arith.constant 1000 : i32
      %mul3A_253 = arith.muli %arg1, %mul3A_252 : i32
      "tpu.region"() ({
        %run_scoped3A = tpu.sem_alloc : memref<!tpu.dma_semaphore, #tpu.memory_space<semaphore_mem>>
        %dma_start3A_254 = arith.constant 0 : i32
        %dma_start3A_255 = tpu.memref_slice %arg6[%arg0, %mul3A_253, %dma_start3A_254] : memref<2x10000x128xf32, #tpu.memory_space<hbm>> -> memref<1x1000x128xf32, #tpu.memory_space<hbm>>
        %dma_start3A_256 = tpu.memref_squeeze %dma_start3A_255 : memref<1x1000x128xf32, #tpu.memory_space<hbm>> -> memref<1000x128xf32, #tpu.memory_space<hbm>>
        %dma_start3A_257 = arith.constant 0 : i32
        %dma_start3A_258 = tpu.memref_slice %arg10[%mul3A_251, %dma_start3A_257] : memref<10000x128xf32, #tpu.memory_space<vmem_shared>> -> memref<1000x128xf32, #tpu.memory_space<vmem_shared>>
        tpu.enqueue_dma source(%dma_start3A_258 : memref<1000x128xf32, #tpu.memory_space<vmem_shared>>) target(%dma_start3A_256 : memref<1000x128xf32, #tpu.memory_space<hbm>>) target_semaphore(%run_scoped3A : memref<!tpu.dma_semaphore, #tpu.memory_space<semaphore_mem>>)
        %dma_wait3A_259 = arith.constant 0 : i32
        %dma_wait3A_260 = tpu.memref_slice %arg6[%arg0, %mul3A_253, %dma_wait3A_259] : memref<2x10000x128xf32, #tpu.memory_space<hbm>> -> memref<1x1000x128xf32, #tpu.memory_space<hbm>>
        %dma_wait3A_261 = tpu.memref_squeeze %dma_wait3A_260 : memref<1x1000x128xf32, #tpu.memory_space<hbm>> -> memref<1000x128xf32, #tpu.memory_space<hbm>>
        %dma_wait3A_262 = arith.constant 0 : i32
        %dma_wait3A_263 = tpu.memref_slice %arg10[%mul3A_251, %dma_wait3A_262] : memref<10000x128xf32, #tpu.memory_space<vmem_shared>> -> memref<1000x128xf32, #tpu.memory_space<vmem_shared>>
        tpu.wait_dma2 semaphore(%run_scoped3A : memref<!tpu.dma_semaphore, #tpu.memory_space<semaphore_mem>>) src(%dma_wait3A_263 : memref<1000x128xf32, #tpu.memory_space<vmem_shared>>) dst(%dma_wait3A_261 : memref<1000x128xf32, #tpu.memory_space<hbm>>)
        tpu.yield
      }) : () -> ()
    } else {
    }
    return
  }
}

#map = affine_map<(d0, d1) -> (0, 0)>
#map1 = affine_map<(d0, d1) -> (0, 0, 0)>
#map2 = affine_map<(d0, d1) -> (0)>
module attributes {stable_mosaic.version = 14 : i64} {
  func.func @_scatter_body(%arg0: i32, %arg1: i32, %arg2: memref<10000x128xf32, #tpu.memory_space<hbm>>, %arg3: memref<32x125x80xi32, #tpu.memory_space<hbm>>, %arg4: memref<320000xi32, #tpu.memory_space<hbm>>, %arg5: memref<1000x128xf32, #tpu.memory_space<hbm>>, %arg6: memref<2x10000x128xf32, #tpu.memory_space<hbm>>, %arg7: memref<125x80xi32, #tpu.memory_space<vmem>>, %arg8: memref<3x80xi32, #tpu.memory_space<vmem>>, %arg9: memref<3x80x128xf32, #tpu.memory_space<vmem>>, %arg10: memref<10000x128xf32, #tpu.memory_space<vmem_shared>>, %arg11: memref<3x!tpu.dma_semaphore, #tpu.memory_space<semaphore_mem>>, %arg12: memref<3x!tpu.dma_semaphore, #tpu.memory_space<semaphore_mem>>, %arg13: memref<3x!tpu.dma_semaphore, #tpu.memory_space<semaphore_mem>>, %arg14: memref<2x!tpu.dma_semaphore, #tpu.memory_space<semaphore_mem>>) attributes {dimension_semantics = [#tpu.dimension_semantics<core_parallel>, #tpu.dimension_semantics<subcore_parallel>], iteration_bounds = array<i64: 2, 16>, scalar_prefetch = 0 : i64, scratch_operands = 8 : i64, tpu.core_type = #tpu.core_type<sc_vector_subcore>, window_params = [{transform_indices = #map}, {transform_indices = #map1}, {transform_indices = #map2}, {transform_indices = #map}, {transform_indices = #map1}]} {
    %mul3A = arith.constant 16 : i32
    %mul3A_0 = arith.muli %arg0, %mul3A : i32
    %add3A = arith.addi %mul3A_0, %arg1 : i32
    %lt3A = arith.constant 10 : i32
    %lt3A_1 = arith.cmpi slt, %arg1, %lt3A : i32
    %convert_element_type3A = arith.extui %lt3A_1 : i1 to i32
    %cond3A = arith.constant 0 : i32
    %cond3A_2 = arith.cmpi ne, %convert_element_type3A, %cond3A : i32
    scf.if %cond3A_2 {
      %mul3A_250 = arith.constant 1000 : i32
      %mul3A_251 = arith.muli %arg1, %mul3A_250 : i32
      %dma_start3A_252 = arith.constant 0 : i32
      %dma_start3A_253 = tpu.memref_slice %arg14[%dma_start3A_252] : memref<2x!tpu.dma_semaphore, #tpu.memory_space<semaphore_mem>> -> memref<1x!tpu.dma_semaphore, #tpu.memory_space<semaphore_mem>>
      %dma_start3A_254 = tpu.memref_squeeze %dma_start3A_253 : memref<1x!tpu.dma_semaphore, #tpu.memory_space<semaphore_mem>> -> memref<!tpu.dma_semaphore, #tpu.memory_space<semaphore_mem>>
      %dma_start3A_255 = arith.constant 0 : i32
      %dma_start3A_256 = tpu.memref_slice %arg10[%mul3A_251, %dma_start3A_255] : memref<10000x128xf32, #tpu.memory_space<vmem_shared>> -> memref<1000x128xf32, #tpu.memory_space<vmem_shared>>
      tpu.enqueue_dma source(%arg5 : memref<1000x128xf32, #tpu.memory_space<hbm>>) target(%dma_start3A_256 : memref<1000x128xf32, #tpu.memory_space<vmem_shared>>) target_semaphore(%dma_start3A_254 : memref<!tpu.dma_semaphore, #tpu.memory_space<semaphore_mem>>)
    } else {
    }
    %dma_start3A = arith.constant 1 : i32
    %dma_start3A_3 = arith.constant 0 : i32
    %dma_start3A_4 = arith.constant 0 : i32
    %dma_start3A_5 = tpu.memref_slice %arg3[%add3A, %dma_start3A_3, %dma_start3A_4] : memref<32x125x80xi32, #tpu.memory_space<hbm>> -> memref<1x125x80xi32, #tpu.memory_space<hbm>>
    %dma_start3A_6 = tpu.memref_squeeze %dma_start3A_5 : memref<1x125x80xi32, #tpu.memory_space<hbm>> -> memref<125x80xi32, #tpu.memory_space<hbm>>
    %dma_start3A_7 = tpu.memref_slice %arg14[%dma_start3A] : memref<2x!tpu.dma_semaphore, #tpu.memory_space<semaphore_mem>> -> memref<1x!tpu.dma_semaphore, #tpu.memory_space<semaphore_mem>>
    %dma_start3A_8 = tpu.memref_squeeze %dma_start3A_7 : memref<1x!tpu.dma_semaphore, #tpu.memory_space<semaphore_mem>> -> memref<!tpu.dma_semaphore, #tpu.memory_space<semaphore_mem>>
    %dma_start3A_9 = arith.constant 0 : i32
    %dma_start3A_10 = arith.constant 0 : i32
    %dma_start3A_11 = tpu.memref_slice %arg3[%add3A, %dma_start3A_9, %dma_start3A_10] : memref<32x125x80xi32, #tpu.memory_space<hbm>> -> memref<1x125x80xi32, #tpu.memory_space<hbm>>
    %dma_start3A_12 = tpu.memref_squeeze %dma_start3A_11 : memref<1x125x80xi32, #tpu.memory_space<hbm>> -> memref<125x80xi32, #tpu.memory_space<hbm>>
    tpu.enqueue_dma source(%dma_start3A_12 : memref<125x80xi32, #tpu.memory_space<hbm>>) target(%arg7 : memref<125x80xi32, #tpu.memory_space<vmem>>) target_semaphore(%dma_start3A_8 : memref<!tpu.dma_semaphore, #tpu.memory_space<semaphore_mem>>)
    %lt3A_13 = arith.constant 10 : i32
    %lt3A_14 = arith.cmpi slt, %arg1, %lt3A_13 : i32
    %convert_element_type3A_15 = arith.extui %lt3A_14 : i1 to i32
    %cond3A_16 = arith.constant 0 : i32
    %cond3A_17 = arith.cmpi ne, %convert_element_type3A_15, %cond3A_16 : i32
    scf.if %cond3A_17 {
      %mul3A_250 = arith.constant 1000 : i32
      %mul3A_251 = arith.muli %arg1, %mul3A_250 : i32
      %dma_wait3A_252 = arith.constant 0 : i32
      %dma_wait3A_253 = tpu.memref_slice %arg14[%dma_wait3A_252] : memref<2x!tpu.dma_semaphore, #tpu.memory_space<semaphore_mem>> -> memref<1x!tpu.dma_semaphore, #tpu.memory_space<semaphore_mem>>
      %dma_wait3A_254 = tpu.memref_squeeze %dma_wait3A_253 : memref<1x!tpu.dma_semaphore, #tpu.memory_space<semaphore_mem>> -> memref<!tpu.dma_semaphore, #tpu.memory_space<semaphore_mem>>
      %dma_wait3A_255 = arith.constant 0 : i32
      %dma_wait3A_256 = tpu.memref_slice %arg10[%mul3A_251, %dma_wait3A_255] : memref<10000x128xf32, #tpu.memory_space<vmem_shared>> -> memref<1000x128xf32, #tpu.memory_space<vmem_shared>>
      tpu.wait_dma2 semaphore(%dma_wait3A_254 : memref<!tpu.dma_semaphore, #tpu.memory_space<semaphore_mem>>) src(%arg5 : memref<1000x128xf32, #tpu.memory_space<hbm>>) dst(%dma_wait3A_256 : memref<1000x128xf32, #tpu.memory_space<vmem_shared>>)
    } else {
    }
    %dma_wait3A = arith.constant 1 : i32
    %dma_wait3A_18 = arith.constant 0 : i32
    %dma_wait3A_19 = arith.constant 0 : i32
    %dma_wait3A_20 = tpu.memref_slice %arg3[%add3A, %dma_wait3A_18, %dma_wait3A_19] : memref<32x125x80xi32, #tpu.memory_space<hbm>> -> memref<1x125x80xi32, #tpu.memory_space<hbm>>
    %dma_wait3A_21 = tpu.memref_squeeze %dma_wait3A_20 : memref<1x125x80xi32, #tpu.memory_space<hbm>> -> memref<125x80xi32, #tpu.memory_space<hbm>>
    %dma_wait3A_22 = tpu.memref_slice %arg14[%dma_wait3A] : memref<2x!tpu.dma_semaphore, #tpu.memory_space<semaphore_mem>> -> memref<1x!tpu.dma_semaphore, #tpu.memory_space<semaphore_mem>>
    %dma_wait3A_23 = tpu.memref_squeeze %dma_wait3A_22 : memref<1x!tpu.dma_semaphore, #tpu.memory_space<semaphore_mem>> -> memref<!tpu.dma_semaphore, #tpu.memory_space<semaphore_mem>>
    %dma_wait3A_24 = arith.constant 0 : i32
    %dma_wait3A_25 = arith.constant 0 : i32
    %dma_wait3A_26 = tpu.memref_slice %arg3[%add3A, %dma_wait3A_24, %dma_wait3A_25] : memref<32x125x80xi32, #tpu.memory_space<hbm>> -> memref<1x125x80xi32, #tpu.memory_space<hbm>>
    %dma_wait3A_27 = tpu.memref_squeeze %dma_wait3A_26 : memref<1x125x80xi32, #tpu.memory_space<hbm>> -> memref<125x80xi32, #tpu.memory_space<hbm>>
    tpu.wait_dma2 semaphore(%dma_wait3A_23 : memref<!tpu.dma_semaphore, #tpu.memory_space<semaphore_mem>>) src(%dma_wait3A_27 : memref<125x80xi32, #tpu.memory_space<hbm>>) dst(%arg7 : memref<125x80xi32, #tpu.memory_space<vmem>>)
    %barrier3A = arith.constant 0 : index
    tpu.barrier barrier_id(%barrier3A)
    %mul3A_28 = arith.constant 10000 : i32
    %mul3A_29 = arith.muli %add3A, %mul3A_28 : i32
    %add3A_30 = arith.constant 0 : i32
    %add3A_31 = arith.addi %mul3A_29, %add3A_30 : i32
    %dma_start3A_32 = arith.constant 0 : i32
    %dma_start3A_33 = arith.constant 0 : i32
    %dma_start3A_34 = arith.constant 0 : i32
    %dma_start3A_35 = tpu.memref_slice %arg8[%dma_start3A_32, %dma_start3A_34] : memref<3x80xi32, #tpu.memory_space<vmem>> -> memref<1x80xi32, #tpu.memory_space<vmem>>
    %dma_start3A_36 = tpu.memref_squeeze %dma_start3A_35 : memref<1x80xi32, #tpu.memory_space<vmem>> -> memref<80xi32, #tpu.memory_space<vmem>>
    %dma_start3A_37 = tpu.memref_slice %arg4[%add3A_31] : memref<320000xi32, #tpu.memory_space<hbm>> -> memref<80xi32, #tpu.memory_space<hbm>>
    %dma_start3A_38 = tpu.memref_slice %arg11[%dma_start3A_33] : memref<3x!tpu.dma_semaphore, #tpu.memory_space<semaphore_mem>> -> memref<1x!tpu.dma_semaphore, #tpu.memory_space<semaphore_mem>>
    %dma_start3A_39 = tpu.memref_squeeze %dma_start3A_38 : memref<1x!tpu.dma_semaphore, #tpu.memory_space<semaphore_mem>> -> memref<!tpu.dma_semaphore, #tpu.memory_space<semaphore_mem>>
    %dma_start3A_40 = arith.constant 0 : i32
    %dma_start3A_41 = tpu.memref_slice %arg8[%dma_start3A_32, %dma_start3A_40] : memref<3x80xi32, #tpu.memory_space<vmem>> -> memref<1x80xi32, #tpu.memory_space<vmem>>
    %dma_start3A_42 = tpu.memref_squeeze %dma_start3A_41 : memref<1x80xi32, #tpu.memory_space<vmem>> -> memref<80xi32, #tpu.memory_space<vmem>>
    %dma_start3A_43 = tpu.memref_slice %arg4[%add3A_31] : memref<320000xi32, #tpu.memory_space<hbm>> -> memref<80xi32, #tpu.memory_space<hbm>>
    tpu.enqueue_dma source(%dma_start3A_43 : memref<80xi32, #tpu.memory_space<hbm>>) target(%dma_start3A_42 : memref<80xi32, #tpu.memory_space<vmem>>) target_semaphore(%dma_start3A_39 : memref<!tpu.dma_semaphore, #tpu.memory_space<semaphore_mem>>)
    %dma_start3A_44 = arith.constant 0 : i32
    %dma_start3A_45 = arith.constant 0 : i32
    %dma_start3A_46 = arith.constant 0 : i32
    %dma_start3A_47 = arith.constant 0 : i32
    %dma_start3A_48 = arith.constant 0 : i32
    %dma_start3A_49 = tpu.memref_slice %arg9[%dma_start3A_45, %dma_start3A_47, %dma_start3A_48] : memref<3x80x128xf32, #tpu.memory_space<vmem>> -> memref<1x80x128xf32, #tpu.memory_space<vmem>>
    %dma_start3A_50 = tpu.memref_squeeze %dma_start3A_49 : memref<1x80x128xf32, #tpu.memory_space<vmem>> -> memref<80x128xf32, #tpu.memory_space<vmem>>
    %dma_start3A_51 = arith.constant 0 : i32
    %dma_start3A_52 = tpu.memref_slice %arg7[%dma_start3A_44, %dma_start3A_51] : memref<125x80xi32, #tpu.memory_space<vmem>> -> memref<1x80xi32, #tpu.memory_space<vmem>>
    %dma_start3A_53 = tpu.memref_squeeze %dma_start3A_52 : memref<1x80xi32, #tpu.memory_space<vmem>> -> memref<80xi32, #tpu.memory_space<vmem>>
    %dma_start3A_54 = arith.constant 0 : i32
    %dma_start3A_55 = arith.constant 0 : i32
    %dma_start3A_56 = tpu.memref_slice %arg2[%dma_start3A_54, %dma_start3A_55] : memref<10000x128xf32, #tpu.memory_space<hbm>> -> memref<10000x128xf32, #tpu.memory_space<hbm>>
    %dma_start3A_57 = tpu.memref_slice %arg12[%dma_start3A_46] : memref<3x!tpu.dma_semaphore, #tpu.memory_space<semaphore_mem>> -> memref<1x!tpu.dma_semaphore, #tpu.memory_space<semaphore_mem>>
    %dma_start3A_58 = tpu.memref_squeeze %dma_start3A_57 : memref<1x!tpu.dma_semaphore, #tpu.memory_space<semaphore_mem>> -> memref<!tpu.dma_semaphore, #tpu.memory_space<semaphore_mem>>
    tpu.enqueue_indirect_dma source(%dma_start3A_56 : memref<10000x128xf32, #tpu.memory_space<hbm>>) target(%dma_start3A_50 : memref<80x128xf32, #tpu.memory_space<vmem>>) offsets(%dma_start3A_53 : memref<80xi32, #tpu.memory_space<vmem>>) semaphore(%dma_start3A_58 : memref<!tpu.dma_semaphore, #tpu.memory_space<semaphore_mem>>)
    %mul3A_59 = arith.constant 10000 : i32
    %mul3A_60 = arith.muli %add3A, %mul3A_59 : i32
    %add3A_61 = arith.constant 80 : i32
    %add3A_62 = arith.addi %mul3A_60, %add3A_61 : i32
    %dma_start3A_63 = arith.constant 1 : i32
    %dma_start3A_64 = arith.constant 1 : i32
    %dma_start3A_65 = arith.constant 0 : i32
    %dma_start3A_66 = tpu.memref_slice %arg8[%dma_start3A_63, %dma_start3A_65] : memref<3x80xi32, #tpu.memory_space<vmem>> -> memref<1x80xi32, #tpu.memory_space<vmem>>
    %dma_start3A_67 = tpu.memref_squeeze %dma_start3A_66 : memref<1x80xi32, #tpu.memory_space<vmem>> -> memref<80xi32, #tpu.memory_space<vmem>>
    %dma_start3A_68 = tpu.memref_slice %arg4[%add3A_62] : memref<320000xi32, #tpu.memory_space<hbm>> -> memref<80xi32, #tpu.memory_space<hbm>>
    %dma_start3A_69 = tpu.memref_slice %arg11[%dma_start3A_64] : memref<3x!tpu.dma_semaphore, #tpu.memory_space<semaphore_mem>> -> memref<1x!tpu.dma_semaphore, #tpu.memory_space<semaphore_mem>>
    %dma_start3A_70 = tpu.memref_squeeze %dma_start3A_69 : memref<1x!tpu.dma_semaphore, #tpu.memory_space<semaphore_mem>> -> memref<!tpu.dma_semaphore, #tpu.memory_space<semaphore_mem>>
    %dma_start3A_71 = arith.constant 0 : i32
    %dma_start3A_72 = tpu.memref_slice %arg8[%dma_start3A_63, %dma_start3A_71] : memref<3x80xi32, #tpu.memory_space<vmem>> -> memref<1x80xi32, #tpu.memory_space<vmem>>
    %dma_start3A_73 = tpu.memref_squeeze %dma_start3A_72 : memref<1x80xi32, #tpu.memory_space<vmem>> -> memref<80xi32, #tpu.memory_space<vmem>>
    %dma_start3A_74 = tpu.memref_slice %arg4[%add3A_62] : memref<320000xi32, #tpu.memory_space<hbm>> -> memref<80xi32, #tpu.memory_space<hbm>>
    tpu.enqueue_dma source(%dma_start3A_74 : memref<80xi32, #tpu.memory_space<hbm>>) target(%dma_start3A_73 : memref<80xi32, #tpu.memory_space<vmem>>) target_semaphore(%dma_start3A_70 : memref<!tpu.dma_semaphore, #tpu.memory_space<semaphore_mem>>)
    %dma_start3A_75 = arith.constant 1 : i32
    %dma_start3A_76 = arith.constant 1 : i32
    %dma_start3A_77 = arith.constant 1 : i32
    %dma_start3A_78 = arith.constant 0 : i32
    %dma_start3A_79 = arith.constant 0 : i32
    %dma_start3A_80 = tpu.memref_slice %arg9[%dma_start3A_76, %dma_start3A_78, %dma_start3A_79] : memref<3x80x128xf32, #tpu.memory_space<vmem>> -> memref<1x80x128xf32, #tpu.memory_space<vmem>>
    %dma_start3A_81 = tpu.memref_squeeze %dma_start3A_80 : memref<1x80x128xf32, #tpu.memory_space<vmem>> -> memref<80x128xf32, #tpu.memory_space<vmem>>
    %dma_start3A_82 = arith.constant 0 : i32
    %dma_start3A_83 = tpu.memref_slice %arg7[%dma_start3A_75, %dma_start3A_82] : memref<125x80xi32, #tpu.memory_space<vmem>> -> memref<1x80xi32, #tpu.memory_space<vmem>>
    %dma_start3A_84 = tpu.memref_squeeze %dma_start3A_83 : memref<1x80xi32, #tpu.memory_space<vmem>> -> memref<80xi32, #tpu.memory_space<vmem>>
    %dma_start3A_85 = arith.constant 0 : i32
    %dma_start3A_86 = arith.constant 0 : i32
    %dma_start3A_87 = tpu.memref_slice %arg2[%dma_start3A_85, %dma_start3A_86] : memref<10000x128xf32, #tpu.memory_space<hbm>> -> memref<10000x128xf32, #tpu.memory_space<hbm>>
    %dma_start3A_88 = tpu.memref_slice %arg12[%dma_start3A_77] : memref<3x!tpu.dma_semaphore, #tpu.memory_space<semaphore_mem>> -> memref<1x!tpu.dma_semaphore, #tpu.memory_space<semaphore_mem>>
    %dma_start3A_89 = tpu.memref_squeeze %dma_start3A_88 : memref<1x!tpu.dma_semaphore, #tpu.memory_space<semaphore_mem>> -> memref<!tpu.dma_semaphore, #tpu.memory_space<semaphore_mem>>
    tpu.enqueue_indirect_dma source(%dma_start3A_87 : memref<10000x128xf32, #tpu.memory_space<hbm>>) target(%dma_start3A_81 : memref<80x128xf32, #tpu.memory_space<vmem>>) offsets(%dma_start3A_84 : memref<80xi32, #tpu.memory_space<vmem>>) semaphore(%dma_start3A_89 : memref<!tpu.dma_semaphore, #tpu.memory_space<semaphore_mem>>)
    %mul3A_90 = arith.constant 10000 : i32
    %mul3A_91 = arith.muli %add3A, %mul3A_90 : i32
    %add3A_92 = arith.constant 160 : i32
    %add3A_93 = arith.addi %mul3A_91, %add3A_92 : i32
    %dma_start3A_94 = arith.constant 2 : i32
    %dma_start3A_95 = arith.constant 2 : i32
    %dma_start3A_96 = arith.constant 0 : i32
    %dma_start3A_97 = tpu.memref_slice %arg8[%dma_start3A_94, %dma_start3A_96] : memref<3x80xi32, #tpu.memory_space<vmem>> -> memref<1x80xi32, #tpu.memory_space<vmem>>
    %dma_start3A_98 = tpu.memref_squeeze %dma_start3A_97 : memref<1x80xi32, #tpu.memory_space<vmem>> -> memref<80xi32, #tpu.memory_space<vmem>>
    %dma_start3A_99 = tpu.memref_slice %arg4[%add3A_93] : memref<320000xi32, #tpu.memory_space<hbm>> -> memref<80xi32, #tpu.memory_space<hbm>>
    %dma_start3A_100 = tpu.memref_slice %arg11[%dma_start3A_95] : memref<3x!tpu.dma_semaphore, #tpu.memory_space<semaphore_mem>> -> memref<1x!tpu.dma_semaphore, #tpu.memory_space<semaphore_mem>>
    %dma_start3A_101 = tpu.memref_squeeze %dma_start3A_100 : memref<1x!tpu.dma_semaphore, #tpu.memory_space<semaphore_mem>> -> memref<!tpu.dma_semaphore, #tpu.memory_space<semaphore_mem>>
    %dma_start3A_102 = arith.constant 0 : i32
    %dma_start3A_103 = tpu.memref_slice %arg8[%dma_start3A_94, %dma_start3A_102] : memref<3x80xi32, #tpu.memory_space<vmem>> -> memref<1x80xi32, #tpu.memory_space<vmem>>
    %dma_start3A_104 = tpu.memref_squeeze %dma_start3A_103 : memref<1x80xi32, #tpu.memory_space<vmem>> -> memref<80xi32, #tpu.memory_space<vmem>>
    %dma_start3A_105 = tpu.memref_slice %arg4[%add3A_93] : memref<320000xi32, #tpu.memory_space<hbm>> -> memref<80xi32, #tpu.memory_space<hbm>>
    tpu.enqueue_dma source(%dma_start3A_105 : memref<80xi32, #tpu.memory_space<hbm>>) target(%dma_start3A_104 : memref<80xi32, #tpu.memory_space<vmem>>) target_semaphore(%dma_start3A_101 : memref<!tpu.dma_semaphore, #tpu.memory_space<semaphore_mem>>)
    %dma_start3A_106 = arith.constant 2 : i32
    %dma_start3A_107 = arith.constant 2 : i32
    %dma_start3A_108 = arith.constant 2 : i32
    %dma_start3A_109 = arith.constant 0 : i32
    %dma_start3A_110 = arith.constant 0 : i32
    %dma_start3A_111 = tpu.memref_slice %arg9[%dma_start3A_107, %dma_start3A_109, %dma_start3A_110] : memref<3x80x128xf32, #tpu.memory_space<vmem>> -> memref<1x80x128xf32, #tpu.memory_space<vmem>>
    %dma_start3A_112 = tpu.memref_squeeze %dma_start3A_111 : memref<1x80x128xf32, #tpu.memory_space<vmem>> -> memref<80x128xf32, #tpu.memory_space<vmem>>
    %dma_start3A_113 = arith.constant 0 : i32
    %dma_start3A_114 = tpu.memref_slice %arg7[%dma_start3A_106, %dma_start3A_113] : memref<125x80xi32, #tpu.memory_space<vmem>> -> memref<1x80xi32, #tpu.memory_space<vmem>>
    %dma_start3A_115 = tpu.memref_squeeze %dma_start3A_114 : memref<1x80xi32, #tpu.memory_space<vmem>> -> memref<80xi32, #tpu.memory_space<vmem>>
    %dma_start3A_116 = arith.constant 0 : i32
    %dma_start3A_117 = arith.constant 0 : i32
    %dma_start3A_118 = tpu.memref_slice %arg2[%dma_start3A_116, %dma_start3A_117] : memref<10000x128xf32, #tpu.memory_space<hbm>> -> memref<10000x128xf32, #tpu.memory_space<hbm>>
    %dma_start3A_119 = tpu.memref_slice %arg12[%dma_start3A_108] : memref<3x!tpu.dma_semaphore, #tpu.memory_space<semaphore_mem>> -> memref<1x!tpu.dma_semaphore, #tpu.memory_space<semaphore_mem>>
    %dma_start3A_120 = tpu.memref_squeeze %dma_start3A_119 : memref<1x!tpu.dma_semaphore, #tpu.memory_space<semaphore_mem>> -> memref<!tpu.dma_semaphore, #tpu.memory_space<semaphore_mem>>
    tpu.enqueue_indirect_dma source(%dma_start3A_118 : memref<10000x128xf32, #tpu.memory_space<hbm>>) target(%dma_start3A_112 : memref<80x128xf32, #tpu.memory_space<vmem>>) offsets(%dma_start3A_115 : memref<80xi32, #tpu.memory_space<vmem>>) semaphore(%dma_start3A_120 : memref<!tpu.dma_semaphore, #tpu.memory_space<semaphore_mem>>)
    %scan3A = arith.constant 0 : i32
    %scan3A_121 = arith.constant 0 : i32
    %scan3A_122 = arith.constant 41 : i32
    %scan3A_123 = arith.addi %scan3A_121, %scan3A_122 : i32
    %scan3A_124 = arith.constant 1 : i32
    scf.for %scan3A_250 = %scan3A_121 to %scan3A_123 step %scan3A_124  : i32 {
      %mul3A_251 = arith.constant 3 : i32
      %mul3A_252 = arith.muli %scan3A_250, %mul3A_251 : i32
      %add3A_253 = arith.constant 0 : i32
      %add3A_254 = arith.addi %mul3A_252, %add3A_253 : i32
      %dma_wait3A_255 = arith.constant 0 : i32
      %dma_wait3A_256 = arith.constant 0 : i32
      %dma_wait3A_257 = arith.constant 0 : i32
      %dma_wait3A_258 = tpu.memref_slice %arg8[%dma_wait3A_255, %dma_wait3A_257] : memref<3x80xi32, #tpu.memory_space<vmem>> -> memref<1x80xi32, #tpu.memory_space<vmem>>
      %dma_wait3A_259 = tpu.memref_squeeze %dma_wait3A_258 : memref<1x80xi32, #tpu.memory_space<vmem>> -> memref<80xi32, #tpu.memory_space<vmem>>
      %dma_wait3A_260 = arith.constant 0 : i32
      %dma_wait3A_261 = tpu.memref_slice %arg4[%dma_wait3A_260] : memref<320000xi32, #tpu.memory_space<hbm>> -> memref<80xi32, #tpu.memory_space<hbm>>
      %dma_wait3A_262 = tpu.memref_slice %arg11[%dma_wait3A_256] : memref<3x!tpu.dma_semaphore, #tpu.memory_space<semaphore_mem>> -> memref<1x!tpu.dma_semaphore, #tpu.memory_space<semaphore_mem>>
      %dma_wait3A_263 = tpu.memref_squeeze %dma_wait3A_262 : memref<1x!tpu.dma_semaphore, #tpu.memory_space<semaphore_mem>> -> memref<!tpu.dma_semaphore, #tpu.memory_space<semaphore_mem>>
      %dma_wait3A_264 = arith.constant 0 : i32
      %dma_wait3A_265 = tpu.memref_slice %arg8[%dma_wait3A_255, %dma_wait3A_264] : memref<3x80xi32, #tpu.memory_space<vmem>> -> memref<1x80xi32, #tpu.memory_space<vmem>>
      %dma_wait3A_266 = tpu.memref_squeeze %dma_wait3A_265 : memref<1x80xi32, #tpu.memory_space<vmem>> -> memref<80xi32, #tpu.memory_space<vmem>>
      %dma_wait3A_267 = arith.constant 0 : i32
      %dma_wait3A_268 = tpu.memref_slice %arg4[%dma_wait3A_267] : memref<320000xi32, #tpu.memory_space<hbm>> -> memref<80xi32, #tpu.memory_space<hbm>>
      tpu.wait_dma2 semaphore(%dma_wait3A_263 : memref<!tpu.dma_semaphore, #tpu.memory_space<semaphore_mem>>) src(%dma_wait3A_268 : memref<80xi32, #tpu.memory_space<hbm>>) dst(%dma_wait3A_266 : memref<80xi32, #tpu.memory_space<vmem>>)
      %dma_wait3A_269 = arith.constant 0 : i32
      %dma_wait3A_270 = arith.constant 0 : i32
      %dma_wait3A_271 = arith.constant 0 : i32
      %dma_wait3A_272 = arith.constant 0 : i32
      %dma_wait3A_273 = tpu.memref_slice %arg9[%dma_wait3A_269, %dma_wait3A_271, %dma_wait3A_272] : memref<3x80x128xf32, #tpu.memory_space<vmem>> -> memref<1x80x128xf32, #tpu.memory_space<vmem>>
      %dma_wait3A_274 = tpu.memref_squeeze %dma_wait3A_273 : memref<1x80x128xf32, #tpu.memory_space<vmem>> -> memref<80x128xf32, #tpu.memory_space<vmem>>
      %dma_wait3A_275 = arith.constant 0 : i32
      %dma_wait3A_276 = tpu.memref_slice %arg7[%add3A_254, %dma_wait3A_275] : memref<125x80xi32, #tpu.memory_space<vmem>> -> memref<1x80xi32, #tpu.memory_space<vmem>>
      %dma_wait3A_277 = tpu.memref_squeeze %dma_wait3A_276 : memref<1x80xi32, #tpu.memory_space<vmem>> -> memref<80xi32, #tpu.memory_space<vmem>>
      %dma_wait3A_278 = arith.constant 0 : i32
      %dma_wait3A_279 = arith.constant 0 : i32
      %dma_wait3A_280 = tpu.memref_slice %arg2[%dma_wait3A_278, %dma_wait3A_279] : memref<10000x128xf32, #tpu.memory_space<hbm>> -> memref<10000x128xf32, #tpu.memory_space<hbm>>
      %dma_wait3A_281 = tpu.memref_slice %arg12[%dma_wait3A_270] : memref<3x!tpu.dma_semaphore, #tpu.memory_space<semaphore_mem>> -> memref<1x!tpu.dma_semaphore, #tpu.memory_space<semaphore_mem>>
      %dma_wait3A_282 = tpu.memref_squeeze %dma_wait3A_281 : memref<1x!tpu.dma_semaphore, #tpu.memory_space<semaphore_mem>> -> memref<!tpu.dma_semaphore, #tpu.memory_space<semaphore_mem>>
      tpu.wait_indirect_dma semaphore(%dma_wait3A_282 : memref<!tpu.dma_semaphore, #tpu.memory_space<semaphore_mem>>) src(%dma_wait3A_280 : memref<10000x128xf32, #tpu.memory_space<hbm>>) dst(%dma_wait3A_274 : memref<80x128xf32, #tpu.memory_space<vmem>>)
      %dma_start3A_283 = arith.constant 0 : i32
      %dma_start3A_284 = arith.constant 0 : i32
      %dma_start3A_285 = arith.constant 0 : i32
      %dma_start3A_286 = arith.constant 0 : i32
      %dma_start3A_287 = arith.constant 0 : i32
      %dma_start3A_288 = tpu.memref_slice %arg9[%dma_start3A_283, %dma_start3A_286, %dma_start3A_287] : memref<3x80x128xf32, #tpu.memory_space<vmem>> -> memref<1x80x128xf32, #tpu.memory_space<vmem>>
      %dma_start3A_289 = tpu.memref_squeeze %dma_start3A_288 : memref<1x80x128xf32, #tpu.memory_space<vmem>> -> memref<80x128xf32, #tpu.memory_space<vmem>>
      %dma_start3A_290 = arith.constant 0 : i32
      %dma_start3A_291 = tpu.memref_slice %arg8[%dma_start3A_284, %dma_start3A_290] : memref<3x80xi32, #tpu.memory_space<vmem>> -> memref<1x80xi32, #tpu.memory_space<vmem>>
      %dma_start3A_292 = tpu.memref_squeeze %dma_start3A_291 : memref<1x80xi32, #tpu.memory_space<vmem>> -> memref<80xi32, #tpu.memory_space<vmem>>
      %dma_start3A_293 = arith.constant 0 : i32
      %dma_start3A_294 = arith.constant 0 : i32
      %dma_start3A_295 = tpu.memref_slice %arg10[%dma_start3A_293, %dma_start3A_294] : memref<10000x128xf32, #tpu.memory_space<vmem_shared>> -> memref<10000x128xf32, #tpu.memory_space<vmem_shared>>
      %dma_start3A_296 = tpu.memref_slice %arg13[%dma_start3A_285] : memref<3x!tpu.dma_semaphore, #tpu.memory_space<semaphore_mem>> -> memref<1x!tpu.dma_semaphore, #tpu.memory_space<semaphore_mem>>
      %dma_start3A_297 = tpu.memref_squeeze %dma_start3A_296 : memref<1x!tpu.dma_semaphore, #tpu.memory_space<semaphore_mem>> -> memref<!tpu.dma_semaphore, #tpu.memory_space<semaphore_mem>>
      tpu.enqueue_indirect_dma source(%dma_start3A_289 : memref<80x128xf32, #tpu.memory_space<vmem>>) target(%dma_start3A_295 : memref<10000x128xf32, #tpu.memory_space<vmem_shared>>) offsets(%dma_start3A_292 : memref<80xi32, #tpu.memory_space<vmem>>) semaphore(%dma_start3A_297 : memref<!tpu.dma_semaphore, #tpu.memory_space<semaphore_mem>>) {add = true}
      %add3A_298 = arith.constant 1 : i32
      %add3A_299 = arith.addi %mul3A_252, %add3A_298 : i32
      %dma_wait3A_300 = arith.constant 1 : i32
      %dma_wait3A_301 = arith.constant 1 : i32
      %dma_wait3A_302 = arith.constant 0 : i32
      %dma_wait3A_303 = tpu.memref_slice %arg8[%dma_wait3A_300, %dma_wait3A_302] : memref<3x80xi32, #tpu.memory_space<vmem>> -> memref<1x80xi32, #tpu.memory_space<vmem>>
      %dma_wait3A_304 = tpu.memref_squeeze %dma_wait3A_303 : memref<1x80xi32, #tpu.memory_space<vmem>> -> memref<80xi32, #tpu.memory_space<vmem>>
      %dma_wait3A_305 = arith.constant 0 : i32
      %dma_wait3A_306 = tpu.memref_slice %arg4[%dma_wait3A_305] : memref<320000xi32, #tpu.memory_space<hbm>> -> memref<80xi32, #tpu.memory_space<hbm>>
      %dma_wait3A_307 = tpu.memref_slice %arg11[%dma_wait3A_301] : memref<3x!tpu.dma_semaphore, #tpu.memory_space<semaphore_mem>> -> memref<1x!tpu.dma_semaphore, #tpu.memory_space<semaphore_mem>>
      %dma_wait3A_308 = tpu.memref_squeeze %dma_wait3A_307 : memref<1x!tpu.dma_semaphore, #tpu.memory_space<semaphore_mem>> -> memref<!tpu.dma_semaphore, #tpu.memory_space<semaphore_mem>>
      %dma_wait3A_309 = arith.constant 0 : i32
      %dma_wait3A_310 = tpu.memref_slice %arg8[%dma_wait3A_300, %dma_wait3A_309] : memref<3x80xi32, #tpu.memory_space<vmem>> -> memref<1x80xi32, #tpu.memory_space<vmem>>
      %dma_wait3A_311 = tpu.memref_squeeze %dma_wait3A_310 : memref<1x80xi32, #tpu.memory_space<vmem>> -> memref<80xi32, #tpu.memory_space<vmem>>
      %dma_wait3A_312 = arith.constant 0 : i32
      %dma_wait3A_313 = tpu.memref_slice %arg4[%dma_wait3A_312] : memref<320000xi32, #tpu.memory_space<hbm>> -> memref<80xi32, #tpu.memory_space<hbm>>
      tpu.wait_dma2 semaphore(%dma_wait3A_308 : memref<!tpu.dma_semaphore, #tpu.memory_space<semaphore_mem>>) src(%dma_wait3A_313 : memref<80xi32, #tpu.memory_space<hbm>>) dst(%dma_wait3A_311 : memref<80xi32, #tpu.memory_space<vmem>>)
      %dma_wait3A_314 = arith.constant 1 : i32
      %dma_wait3A_315 = arith.constant 1 : i32
      %dma_wait3A_316 = arith.constant 0 : i32
      %dma_wait3A_317 = arith.constant 0 : i32
      %dma_wait3A_318 = tpu.memref_slice %arg9[%dma_wait3A_314, %dma_wait3A_316, %dma_wait3A_317] : memref<3x80x128xf32, #tpu.memory_space<vmem>> -> memref<1x80x128xf32, #tpu.memory_space<vmem>>
      %dma_wait3A_319 = tpu.memref_squeeze %dma_wait3A_318 : memref<1x80x128xf32, #tpu.memory_space<vmem>> -> memref<80x128xf32, #tpu.memory_space<vmem>>
      %dma_wait3A_320 = arith.constant 0 : i32
      %dma_wait3A_321 = tpu.memref_slice %arg7[%add3A_299, %dma_wait3A_320] : memref<125x80xi32, #tpu.memory_space<vmem>> -> memref<1x80xi32, #tpu.memory_space<vmem>>
      %dma_wait3A_322 = tpu.memref_squeeze %dma_wait3A_321 : memref<1x80xi32, #tpu.memory_space<vmem>> -> memref<80xi32, #tpu.memory_space<vmem>>
      %dma_wait3A_323 = arith.constant 0 : i32
      %dma_wait3A_324 = arith.constant 0 : i32
      %dma_wait3A_325 = tpu.memref_slice %arg2[%dma_wait3A_323, %dma_wait3A_324] : memref<10000x128xf32, #tpu.memory_space<hbm>> -> memref<10000x128xf32, #tpu.memory_space<hbm>>
      %dma_wait3A_326 = tpu.memref_slice %arg12[%dma_wait3A_315] : memref<3x!tpu.dma_semaphore, #tpu.memory_space<semaphore_mem>> -> memref<1x!tpu.dma_semaphore, #tpu.memory_space<semaphore_mem>>
      %dma_wait3A_327 = tpu.memref_squeeze %dma_wait3A_326 : memref<1x!tpu.dma_semaphore, #tpu.memory_space<semaphore_mem>> -> memref<!tpu.dma_semaphore, #tpu.memory_space<semaphore_mem>>
      tpu.wait_indirect_dma semaphore(%dma_wait3A_327 : memref<!tpu.dma_semaphore, #tpu.memory_space<semaphore_mem>>) src(%dma_wait3A_325 : memref<10000x128xf32, #tpu.memory_space<hbm>>) dst(%dma_wait3A_319 : memref<80x128xf32, #tpu.memory_space<vmem>>)
      %dma_start3A_328 = arith.constant 1 : i32
      %dma_start3A_329 = arith.constant 1 : i32
      %dma_start3A_330 = arith.constant 1 : i32
      %dma_start3A_331 = arith.constant 0 : i32
      %dma_start3A_332 = arith.constant 0 : i32
      %dma_start3A_333 = tpu.memref_slice %arg9[%dma_start3A_328, %dma_start3A_331, %dma_start3A_332] : memref<3x80x128xf32, #tpu.memory_space<vmem>> -> memref<1x80x128xf32, #tpu.memory_space<vmem>>
      %dma_start3A_334 = tpu.memref_squeeze %dma_start3A_333 : memref<1x80x128xf32, #tpu.memory_space<vmem>> -> memref<80x128xf32, #tpu.memory_space<vmem>>
      %dma_start3A_335 = arith.constant 0 : i32
      %dma_start3A_336 = tpu.memref_slice %arg8[%dma_start3A_329, %dma_start3A_335] : memref<3x80xi32, #tpu.memory_space<vmem>> -> memref<1x80xi32, #tpu.memory_space<vmem>>
      %dma_start3A_337 = tpu.memref_squeeze %dma_start3A_336 : memref<1x80xi32, #tpu.memory_space<vmem>> -> memref<80xi32, #tpu.memory_space<vmem>>
      %dma_start3A_338 = arith.constant 0 : i32
      %dma_start3A_339 = arith.constant 0 : i32
      %dma_start3A_340 = tpu.memref_slice %arg10[%dma_start3A_338, %dma_start3A_339] : memref<10000x128xf32, #tpu.memory_space<vmem_shared>> -> memref<10000x128xf32, #tpu.memory_space<vmem_shared>>
      %dma_start3A_341 = tpu.memref_slice %arg13[%dma_start3A_330] : memref<3x!tpu.dma_semaphore, #tpu.memory_space<semaphore_mem>> -> memref<1x!tpu.dma_semaphore, #tpu.memory_space<semaphore_mem>>
      %dma_start3A_342 = tpu.memref_squeeze %dma_start3A_341 : memref<1x!tpu.dma_semaphore, #tpu.memory_space<semaphore_mem>> -> memref<!tpu.dma_semaphore, #tpu.memory_space<semaphore_mem>>
      tpu.enqueue_indirect_dma source(%dma_start3A_334 : memref<80x128xf32, #tpu.memory_space<vmem>>) target(%dma_start3A_340 : memref<10000x128xf32, #tpu.memory_space<vmem_shared>>) offsets(%dma_start3A_337 : memref<80xi32, #tpu.memory_space<vmem>>) semaphore(%dma_start3A_342 : memref<!tpu.dma_semaphore, #tpu.memory_space<semaphore_mem>>) {add = true}
      %add3A_343 = arith.constant 2 : i32
      %add3A_344 = arith.addi %mul3A_252, %add3A_343 : i32
      %dma_wait3A_345 = arith.constant 2 : i32
      %dma_wait3A_346 = arith.constant 2 : i32
      %dma_wait3A_347 = arith.constant 0 : i32
      %dma_wait3A_348 = tpu.memref_slice %arg8[%dma_wait3A_345, %dma_wait3A_347] : memref<3x80xi32, #tpu.memory_space<vmem>> -> memref<1x80xi32, #tpu.memory_space<vmem>>
      %dma_wait3A_349 = tpu.memref_squeeze %dma_wait3A_348 : memref<1x80xi32, #tpu.memory_space<vmem>> -> memref<80xi32, #tpu.memory_space<vmem>>
      %dma_wait3A_350 = arith.constant 0 : i32
      %dma_wait3A_351 = tpu.memref_slice %arg4[%dma_wait3A_350] : memref<320000xi32, #tpu.memory_space<hbm>> -> memref<80xi32, #tpu.memory_space<hbm>>
      %dma_wait3A_352 = tpu.memref_slice %arg11[%dma_wait3A_346] : memref<3x!tpu.dma_semaphore, #tpu.memory_space<semaphore_mem>> -> memref<1x!tpu.dma_semaphore, #tpu.memory_space<semaphore_mem>>
      %dma_wait3A_353 = tpu.memref_squeeze %dma_wait3A_352 : memref<1x!tpu.dma_semaphore, #tpu.memory_space<semaphore_mem>> -> memref<!tpu.dma_semaphore, #tpu.memory_space<semaphore_mem>>
      %dma_wait3A_354 = arith.constant 0 : i32
      %dma_wait3A_355 = tpu.memref_slice %arg8[%dma_wait3A_345, %dma_wait3A_354] : memref<3x80xi32, #tpu.memory_space<vmem>> -> memref<1x80xi32, #tpu.memory_space<vmem>>
      %dma_wait3A_356 = tpu.memref_squeeze %dma_wait3A_355 : memref<1x80xi32, #tpu.memory_space<vmem>> -> memref<80xi32, #tpu.memory_space<vmem>>
      %dma_wait3A_357 = arith.constant 0 : i32
      %dma_wait3A_358 = tpu.memref_slice %arg4[%dma_wait3A_357] : memref<320000xi32, #tpu.memory_space<hbm>> -> memref<80xi32, #tpu.memory_space<hbm>>
      tpu.wait_dma2 semaphore(%dma_wait3A_353 : memref<!tpu.dma_semaphore, #tpu.memory_space<semaphore_mem>>) src(%dma_wait3A_358 : memref<80xi32, #tpu.memory_space<hbm>>) dst(%dma_wait3A_356 : memref<80xi32, #tpu.memory_space<vmem>>)
      %dma_wait3A_359 = arith.constant 2 : i32
      %dma_wait3A_360 = arith.constant 2 : i32
      %dma_wait3A_361 = arith.constant 0 : i32
      %dma_wait3A_362 = arith.constant 0 : i32
      %dma_wait3A_363 = tpu.memref_slice %arg9[%dma_wait3A_359, %dma_wait3A_361, %dma_wait3A_362] : memref<3x80x128xf32, #tpu.memory_space<vmem>> -> memref<1x80x128xf32, #tpu.memory_space<vmem>>
      %dma_wait3A_364 = tpu.memref_squeeze %dma_wait3A_363 : memref<1x80x128xf32, #tpu.memory_space<vmem>> -> memref<80x128xf32, #tpu.memory_space<vmem>>
      %dma_wait3A_365 = arith.constant 0 : i32
      %dma_wait3A_366 = tpu.memref_slice %arg7[%add3A_344, %dma_wait3A_365] : memref<125x80xi32, #tpu.memory_space<vmem>> -> memref<1x80xi32, #tpu.memory_space<vmem>>
      %dma_wait3A_367 = tpu.memref_squeeze %dma_wait3A_366 : memref<1x80xi32, #tpu.memory_space<vmem>> -> memref<80xi32, #tpu.memory_space<vmem>>
      %dma_wait3A_368 = arith.constant 0 : i32
      %dma_wait3A_369 = arith.constant 0 : i32
      %dma_wait3A_370 = tpu.memref_slice %arg2[%dma_wait3A_368, %dma_wait3A_369] : memref<10000x128xf32, #tpu.memory_space<hbm>> -> memref<10000x128xf32, #tpu.memory_space<hbm>>
      %dma_wait3A_371 = tpu.memref_slice %arg12[%dma_wait3A_360] : memref<3x!tpu.dma_semaphore, #tpu.memory_space<semaphore_mem>> -> memref<1x!tpu.dma_semaphore, #tpu.memory_space<semaphore_mem>>
      %dma_wait3A_372 = tpu.memref_squeeze %dma_wait3A_371 : memref<1x!tpu.dma_semaphore, #tpu.memory_space<semaphore_mem>> -> memref<!tpu.dma_semaphore, #tpu.memory_space<semaphore_mem>>
      tpu.wait_indirect_dma semaphore(%dma_wait3A_372 : memref<!tpu.dma_semaphore, #tpu.memory_space<semaphore_mem>>) src(%dma_wait3A_370 : memref<10000x128xf32, #tpu.memory_space<hbm>>) dst(%dma_wait3A_364 : memref<80x128xf32, #tpu.memory_space<vmem>>)
      %dma_start3A_373 = arith.constant 2 : i32
      %dma_start3A_374 = arith.constant 2 : i32
      %dma_start3A_375 = arith.constant 2 : i32
      %dma_start3A_376 = arith.constant 0 : i32
      %dma_start3A_377 = arith.constant 0 : i32
      %dma_start3A_378 = tpu.memref_slice %arg9[%dma_start3A_373, %dma_start3A_376, %dma_start3A_377] : memref<3x80x128xf32, #tpu.memory_space<vmem>> -> memref<1x80x128xf32, #tpu.memory_space<vmem>>
      %dma_start3A_379 = tpu.memref_squeeze %dma_start3A_378 : memref<1x80x128xf32, #tpu.memory_space<vmem>> -> memref<80x128xf32, #tpu.memory_space<vmem>>
      %dma_start3A_380 = arith.constant 0 : i32
      %dma_start3A_381 = tpu.memref_slice %arg8[%dma_start3A_374, %dma_start3A_380] : memref<3x80xi32, #tpu.memory_space<vmem>> -> memref<1x80xi32, #tpu.memory_space<vmem>>
      %dma_start3A_382 = tpu.memref_squeeze %dma_start3A_381 : memref<1x80xi32, #tpu.memory_space<vmem>> -> memref<80xi32, #tpu.memory_space<vmem>>
      %dma_start3A_383 = arith.constant 0 : i32
      %dma_start3A_384 = arith.constant 0 : i32
      %dma_start3A_385 = tpu.memref_slice %arg10[%dma_start3A_383, %dma_start3A_384] : memref<10000x128xf32, #tpu.memory_space<vmem_shared>> -> memref<10000x128xf32, #tpu.memory_space<vmem_shared>>
      %dma_start3A_386 = tpu.memref_slice %arg13[%dma_start3A_375] : memref<3x!tpu.dma_semaphore, #tpu.memory_space<semaphore_mem>> -> memref<1x!tpu.dma_semaphore, #tpu.memory_space<semaphore_mem>>
      %dma_start3A_387 = tpu.memref_squeeze %dma_start3A_386 : memref<1x!tpu.dma_semaphore, #tpu.memory_space<semaphore_mem>> -> memref<!tpu.dma_semaphore, #tpu.memory_space<semaphore_mem>>
      tpu.enqueue_indirect_dma source(%dma_start3A_379 : memref<80x128xf32, #tpu.memory_space<vmem>>) target(%dma_start3A_385 : memref<10000x128xf32, #tpu.memory_space<vmem_shared>>) offsets(%dma_start3A_382 : memref<80xi32, #tpu.memory_space<vmem>>) semaphore(%dma_start3A_387 : memref<!tpu.dma_semaphore, #tpu.memory_space<semaphore_mem>>) {add = true}
      %dma_wait3A_388 = arith.constant 0 : i32
      %dma_wait3A_389 = arith.constant 0 : i32
      %dma_wait3A_390 = arith.constant 0 : i32
      %dma_wait3A_391 = arith.constant 0 : i32
      %dma_wait3A_392 = arith.constant 0 : i32
      %dma_wait3A_393 = tpu.memref_slice %arg9[%dma_wait3A_388, %dma_wait3A_391, %dma_wait3A_392] : memref<3x80x128xf32, #tpu.memory_space<vmem>> -> memref<1x80x128xf32, #tpu.memory_space<vmem>>
      %dma_wait3A_394 = tpu.memref_squeeze %dma_wait3A_393 : memref<1x80x128xf32, #tpu.memory_space<vmem>> -> memref<80x128xf32, #tpu.memory_space<vmem>>
      %dma_wait3A_395 = arith.constant 0 : i32
      %dma_wait3A_396 = tpu.memref_slice %arg8[%dma_wait3A_389, %dma_wait3A_395] : memref<3x80xi32, #tpu.memory_space<vmem>> -> memref<1x80xi32, #tpu.memory_space<vmem>>
      %dma_wait3A_397 = tpu.memref_squeeze %dma_wait3A_396 : memref<1x80xi32, #tpu.memory_space<vmem>> -> memref<80xi32, #tpu.memory_space<vmem>>
      %dma_wait3A_398 = arith.constant 0 : i32
      %dma_wait3A_399 = arith.constant 0 : i32
      %dma_wait3A_400 = tpu.memref_slice %arg10[%dma_wait3A_398, %dma_wait3A_399] : memref<10000x128xf32, #tpu.memory_space<vmem_shared>> -> memref<10000x128xf32, #tpu.memory_space<vmem_shared>>
      %dma_wait3A_401 = tpu.memref_slice %arg13[%dma_wait3A_390] : memref<3x!tpu.dma_semaphore, #tpu.memory_space<semaphore_mem>> -> memref<1x!tpu.dma_semaphore, #tpu.memory_space<semaphore_mem>>
      %dma_wait3A_402 = tpu.memref_squeeze %dma_wait3A_401 : memref<1x!tpu.dma_semaphore, #tpu.memory_space<semaphore_mem>> -> memref<!tpu.dma_semaphore, #tpu.memory_space<semaphore_mem>>
      tpu.wait_indirect_dma semaphore(%dma_wait3A_402 : memref<!tpu.dma_semaphore, #tpu.memory_space<semaphore_mem>>) src(%dma_wait3A_394 : memref<80x128xf32, #tpu.memory_space<vmem>>) dst(%dma_wait3A_400 : memref<10000x128xf32, #tpu.memory_space<vmem_shared>>)
      %add3A_403 = arith.constant 0 : i32
      %add3A_404 = arith.addi %mul3A_252, %add3A_403 : i32
      %add3A_405 = arith.constant 3 : i32
      %add3A_406 = arith.addi %add3A_404, %add3A_405 : i32
      %lt3A_407 = arith.constant 125 : i32
      %lt3A_408 = arith.cmpi slt, %add3A_406, %lt3A_407 : i32
      %convert_element_type3A_409 = arith.extui %lt3A_408 : i1 to i32
      %cond3A_410 = arith.constant 0 : i32
      %cond3A_411 = arith.cmpi ne, %convert_element_type3A_409, %cond3A_410 : i32
      scf.if %cond3A_411 {
        %mul3A_460 = arith.constant 10000 : i32
        %mul3A_461 = arith.muli %add3A, %mul3A_460 : i32
        %mul3A_462 = arith.constant 80 : i32
        %mul3A_463 = arith.muli %add3A_406, %mul3A_462 : i32
        %add3A_464 = arith.addi %mul3A_461, %mul3A_463 : i32
        %dma_start3A_465 = arith.constant 0 : i32
        %dma_start3A_466 = arith.constant 0 : i32
        %dma_start3A_467 = arith.constant 0 : i32
        %dma_start3A_468 = tpu.memref_slice %arg8[%dma_start3A_465, %dma_start3A_467] : memref<3x80xi32, #tpu.memory_space<vmem>> -> memref<1x80xi32, #tpu.memory_space<vmem>>
        %dma_start3A_469 = tpu.memref_squeeze %dma_start3A_468 : memref<1x80xi32, #tpu.memory_space<vmem>> -> memref<80xi32, #tpu.memory_space<vmem>>
        %dma_start3A_470 = tpu.memref_slice %arg4[%add3A_464] : memref<320000xi32, #tpu.memory_space<hbm>> -> memref<80xi32, #tpu.memory_space<hbm>>
        %dma_start3A_471 = tpu.memref_slice %arg11[%dma_start3A_466] : memref<3x!tpu.dma_semaphore, #tpu.memory_space<semaphore_mem>> -> memref<1x!tpu.dma_semaphore, #tpu.memory_space<semaphore_mem>>
        %dma_start3A_472 = tpu.memref_squeeze %dma_start3A_471 : memref<1x!tpu.dma_semaphore, #tpu.memory_space<semaphore_mem>> -> memref<!tpu.dma_semaphore, #tpu.memory_space<semaphore_mem>>
        %dma_start3A_473 = arith.constant 0 : i32
        %dma_start3A_474 = tpu.memref_slice %arg8[%dma_start3A_465, %dma_start3A_473] : memref<3x80xi32, #tpu.memory_space<vmem>> -> memref<1x80xi32, #tpu.memory_space<vmem>>
        %dma_start3A_475 = tpu.memref_squeeze %dma_start3A_474 : memref<1x80xi32, #tpu.memory_space<vmem>> -> memref<80xi32, #tpu.memory_space<vmem>>
        %dma_start3A_476 = tpu.memref_slice %arg4[%add3A_464] : memref<320000xi32, #tpu.memory_space<hbm>> -> memref<80xi32, #tpu.memory_space<hbm>>
        tpu.enqueue_dma source(%dma_start3A_476 : memref<80xi32, #tpu.memory_space<hbm>>) target(%dma_start3A_475 : memref<80xi32, #tpu.memory_space<vmem>>) target_semaphore(%dma_start3A_472 : memref<!tpu.dma_semaphore, #tpu.memory_space<semaphore_mem>>)
        %dma_start3A_477 = arith.constant 0 : i32
        %dma_start3A_478 = arith.constant 0 : i32
        %dma_start3A_479 = arith.constant 0 : i32
        %dma_start3A_480 = arith.constant 0 : i32
        %dma_start3A_481 = tpu.memref_slice %arg9[%dma_start3A_477, %dma_start3A_479, %dma_start3A_480] : memref<3x80x128xf32, #tpu.memory_space<vmem>> -> memref<1x80x128xf32, #tpu.memory_space<vmem>>
        %dma_start3A_482 = tpu.memref_squeeze %dma_start3A_481 : memref<1x80x128xf32, #tpu.memory_space<vmem>> -> memref<80x128xf32, #tpu.memory_space<vmem>>
        %dma_start3A_483 = arith.constant 0 : i32
        %dma_start3A_484 = tpu.memref_slice %arg7[%add3A_406, %dma_start3A_483] : memref<125x80xi32, #tpu.memory_space<vmem>> -> memref<1x80xi32, #tpu.memory_space<vmem>>
        %dma_start3A_485 = tpu.memref_squeeze %dma_start3A_484 : memref<1x80xi32, #tpu.memory_space<vmem>> -> memref<80xi32, #tpu.memory_space<vmem>>
        %dma_start3A_486 = arith.constant 0 : i32
        %dma_start3A_487 = arith.constant 0 : i32
        %dma_start3A_488 = tpu.memref_slice %arg2[%dma_start3A_486, %dma_start3A_487] : memref<10000x128xf32, #tpu.memory_space<hbm>> -> memref<10000x128xf32, #tpu.memory_space<hbm>>
        %dma_start3A_489 = tpu.memref_slice %arg12[%dma_start3A_478] : memref<3x!tpu.dma_semaphore, #tpu.memory_space<semaphore_mem>> -> memref<1x!tpu.dma_semaphore, #tpu.memory_space<semaphore_mem>>
        %dma_start3A_490 = tpu.memref_squeeze %dma_start3A_489 : memref<1x!tpu.dma_semaphore, #tpu.memory_space<semaphore_mem>> -> memref<!tpu.dma_semaphore, #tpu.memory_space<semaphore_mem>>
        tpu.enqueue_indirect_dma source(%dma_start3A_488 : memref<10000x128xf32, #tpu.memory_space<hbm>>) target(%dma_start3A_482 : memref<80x128xf32, #tpu.memory_space<vmem>>) offsets(%dma_start3A_485 : memref<80xi32, #tpu.memory_space<vmem>>) semaphore(%dma_start3A_490 : memref<!tpu.dma_semaphore, #tpu.memory_space<semaphore_mem>>)
      } else {
      }
      %dma_wait3A_412 = arith.constant 1 : i32
      %dma_wait3A_413 = arith.constant 1 : i32
      %dma_wait3A_414 = arith.constant 1 : i32
      %dma_wait3A_415 = arith.constant 0 : i32
      %dma_wait3A_416 = arith.constant 0 : i32
      %dma_wait3A_417 = tpu.memref_slice %arg9[%dma_wait3A_412, %dma_wait3A_415, %dma_wait3A_416] : memref<3x80x128xf32, #tpu.memory_space<vmem>> -> memref<1x80x128xf32, #tpu.memory_space<vmem>>
      %dma_wait3A_418 = tpu.memref_squeeze %dma_wait3A_417 : memref<1x80x128xf32, #tpu.memory_space<vmem>> -> memref<80x128xf32, #tpu.memory_space<vmem>>
      %dma_wait3A_419 = arith.constant 0 : i32
      %dma_wait3A_420 = tpu.memref_slice %arg8[%dma_wait3A_413, %dma_wait3A_419] : memref<3x80xi32, #tpu.memory_space<vmem>> -> memref<1x80xi32, #tpu.memory_space<vmem>>
      %dma_wait3A_421 = tpu.memref_squeeze %dma_wait3A_420 : memref<1x80xi32, #tpu.memory_space<vmem>> -> memref<80xi32, #tpu.memory_space<vmem>>
      %dma_wait3A_422 = arith.constant 0 : i32
      %dma_wait3A_423 = arith.constant 0 : i32
      %dma_wait3A_424 = tpu.memref_slice %arg10[%dma_wait3A_422, %dma_wait3A_423] : memref<10000x128xf32, #tpu.memory_space<vmem_shared>> -> memref<10000x128xf32, #tpu.memory_space<vmem_shared>>
      %dma_wait3A_425 = tpu.memref_slice %arg13[%dma_wait3A_414] : memref<3x!tpu.dma_semaphore, #tpu.memory_space<semaphore_mem>> -> memref<1x!tpu.dma_semaphore, #tpu.memory_space<semaphore_mem>>
      %dma_wait3A_426 = tpu.memref_squeeze %dma_wait3A_425 : memref<1x!tpu.dma_semaphore, #tpu.memory_space<semaphore_mem>> -> memref<!tpu.dma_semaphore, #tpu.memory_space<semaphore_mem>>
      tpu.wait_indirect_dma semaphore(%dma_wait3A_426 : memref<!tpu.dma_semaphore, #tpu.memory_space<semaphore_mem>>) src(%dma_wait3A_418 : memref<80x128xf32, #tpu.memory_space<vmem>>) dst(%dma_wait3A_424 : memref<10000x128xf32, #tpu.memory_space<vmem_shared>>)
      %add3A_427 = arith.constant 1 : i32
      %add3A_428 = arith.addi %mul3A_252, %add3A_427 : i32
      %add3A_429 = arith.constant 3 : i32
      %add3A_430 = arith.addi %add3A_428, %add3A_429 : i32
      %lt3A_431 = arith.constant 125 : i32
      %lt3A_432 = arith.cmpi slt, %add3A_430, %lt3A_431 : i32
      %convert_element_type3A_433 = arith.extui %lt3A_432 : i1 to i32
      %cond3A_434 = arith.constant 0 : i32
      %cond3A_435 = arith.cmpi ne, %convert_element_type3A_433, %cond3A_434 : i32
      scf.if %cond3A_435 {
        %mul3A_460 = arith.constant 10000 : i32
        %mul3A_461 = arith.muli %add3A, %mul3A_460 : i32
        %mul3A_462 = arith.constant 80 : i32
        %mul3A_463 = arith.muli %add3A_430, %mul3A_462 : i32
        %add3A_464 = arith.addi %mul3A_461, %mul3A_463 : i32
        %dma_start3A_465 = arith.constant 1 : i32
        %dma_start3A_466 = arith.constant 1 : i32
        %dma_start3A_467 = arith.constant 0 : i32
        %dma_start3A_468 = tpu.memref_slice %arg8[%dma_start3A_465, %dma_start3A_467] : memref<3x80xi32, #tpu.memory_space<vmem>> -> memref<1x80xi32, #tpu.memory_space<vmem>>
        %dma_start3A_469 = tpu.memref_squeeze %dma_start3A_468 : memref<1x80xi32, #tpu.memory_space<vmem>> -> memref<80xi32, #tpu.memory_space<vmem>>
        %dma_start3A_470 = tpu.memref_slice %arg4[%add3A_464] : memref<320000xi32, #tpu.memory_space<hbm>> -> memref<80xi32, #tpu.memory_space<hbm>>
        %dma_start3A_471 = tpu.memref_slice %arg11[%dma_start3A_466] : memref<3x!tpu.dma_semaphore, #tpu.memory_space<semaphore_mem>> -> memref<1x!tpu.dma_semaphore, #tpu.memory_space<semaphore_mem>>
        %dma_start3A_472 = tpu.memref_squeeze %dma_start3A_471 : memref<1x!tpu.dma_semaphore, #tpu.memory_space<semaphore_mem>> -> memref<!tpu.dma_semaphore, #tpu.memory_space<semaphore_mem>>
        %dma_start3A_473 = arith.constant 0 : i32
        %dma_start3A_474 = tpu.memref_slice %arg8[%dma_start3A_465, %dma_start3A_473] : memref<3x80xi32, #tpu.memory_space<vmem>> -> memref<1x80xi32, #tpu.memory_space<vmem>>
        %dma_start3A_475 = tpu.memref_squeeze %dma_start3A_474 : memref<1x80xi32, #tpu.memory_space<vmem>> -> memref<80xi32, #tpu.memory_space<vmem>>
        %dma_start3A_476 = tpu.memref_slice %arg4[%add3A_464] : memref<320000xi32, #tpu.memory_space<hbm>> -> memref<80xi32, #tpu.memory_space<hbm>>
        tpu.enqueue_dma source(%dma_start3A_476 : memref<80xi32, #tpu.memory_space<hbm>>) target(%dma_start3A_475 : memref<80xi32, #tpu.memory_space<vmem>>) target_semaphore(%dma_start3A_472 : memref<!tpu.dma_semaphore, #tpu.memory_space<semaphore_mem>>)
        %dma_start3A_477 = arith.constant 1 : i32
        %dma_start3A_478 = arith.constant 1 : i32
        %dma_start3A_479 = arith.constant 0 : i32
        %dma_start3A_480 = arith.constant 0 : i32
        %dma_start3A_481 = tpu.memref_slice %arg9[%dma_start3A_477, %dma_start3A_479, %dma_start3A_480] : memref<3x80x128xf32, #tpu.memory_space<vmem>> -> memref<1x80x128xf32, #tpu.memory_space<vmem>>
        %dma_start3A_482 = tpu.memref_squeeze %dma_start3A_481 : memref<1x80x128xf32, #tpu.memory_space<vmem>> -> memref<80x128xf32, #tpu.memory_space<vmem>>
        %dma_start3A_483 = arith.constant 0 : i32
        %dma_start3A_484 = tpu.memref_slice %arg7[%add3A_430, %dma_start3A_483] : memref<125x80xi32, #tpu.memory_space<vmem>> -> memref<1x80xi32, #tpu.memory_space<vmem>>
        %dma_start3A_485 = tpu.memref_squeeze %dma_start3A_484 : memref<1x80xi32, #tpu.memory_space<vmem>> -> memref<80xi32, #tpu.memory_space<vmem>>
        %dma_start3A_486 = arith.constant 0 : i32
        %dma_start3A_487 = arith.constant 0 : i32
        %dma_start3A_488 = tpu.memref_slice %arg2[%dma_start3A_486, %dma_start3A_487] : memref<10000x128xf32, #tpu.memory_space<hbm>> -> memref<10000x128xf32, #tpu.memory_space<hbm>>
        %dma_start3A_489 = tpu.memref_slice %arg12[%dma_start3A_478] : memref<3x!tpu.dma_semaphore, #tpu.memory_space<semaphore_mem>> -> memref<1x!tpu.dma_semaphore, #tpu.memory_space<semaphore_mem>>
        %dma_start3A_490 = tpu.memref_squeeze %dma_start3A_489 : memref<1x!tpu.dma_semaphore, #tpu.memory_space<semaphore_mem>> -> memref<!tpu.dma_semaphore, #tpu.memory_space<semaphore_mem>>
        tpu.enqueue_indirect_dma source(%dma_start3A_488 : memref<10000x128xf32, #tpu.memory_space<hbm>>) target(%dma_start3A_482 : memref<80x128xf32, #tpu.memory_space<vmem>>) offsets(%dma_start3A_485 : memref<80xi32, #tpu.memory_space<vmem>>) semaphore(%dma_start3A_490 : memref<!tpu.dma_semaphore, #tpu.memory_space<semaphore_mem>>)
      } else {
      }
      %dma_wait3A_436 = arith.constant 2 : i32
      %dma_wait3A_437 = arith.constant 2 : i32
      %dma_wait3A_438 = arith.constant 2 : i32
      %dma_wait3A_439 = arith.constant 0 : i32
      %dma_wait3A_440 = arith.constant 0 : i32
      %dma_wait3A_441 = tpu.memref_slice %arg9[%dma_wait3A_436, %dma_wait3A_439, %dma_wait3A_440] : memref<3x80x128xf32, #tpu.memory_space<vmem>> -> memref<1x80x128xf32, #tpu.memory_space<vmem>>
      %dma_wait3A_442 = tpu.memref_squeeze %dma_wait3A_441 : memref<1x80x128xf32, #tpu.memory_space<vmem>> -> memref<80x128xf32, #tpu.memory_space<vmem>>
      %dma_wait3A_443 = arith.constant 0 : i32
      %dma_wait3A_444 = tpu.memref_slice %arg8[%dma_wait3A_437, %dma_wait3A_443] : memref<3x80xi32, #tpu.memory_space<vmem>> -> memref<1x80xi32, #tpu.memory_space<vmem>>
      %dma_wait3A_445 = tpu.memref_squeeze %dma_wait3A_444 : memref<1x80xi32, #tpu.memory_space<vmem>> -> memref<80xi32, #tpu.memory_space<vmem>>
      %dma_wait3A_446 = arith.constant 0 : i32
      %dma_wait3A_447 = arith.constant 0 : i32
      %dma_wait3A_448 = tpu.memref_slice %arg10[%dma_wait3A_446, %dma_wait3A_447] : memref<10000x128xf32, #tpu.memory_space<vmem_shared>> -> memref<10000x128xf32, #tpu.memory_space<vmem_shared>>
      %dma_wait3A_449 = tpu.memref_slice %arg13[%dma_wait3A_438] : memref<3x!tpu.dma_semaphore, #tpu.memory_space<semaphore_mem>> -> memref<1x!tpu.dma_semaphore, #tpu.memory_space<semaphore_mem>>
      %dma_wait3A_450 = tpu.memref_squeeze %dma_wait3A_449 : memref<1x!tpu.dma_semaphore, #tpu.memory_space<semaphore_mem>> -> memref<!tpu.dma_semaphore, #tpu.memory_space<semaphore_mem>>
      tpu.wait_indirect_dma semaphore(%dma_wait3A_450 : memref<!tpu.dma_semaphore, #tpu.memory_space<semaphore_mem>>) src(%dma_wait3A_442 : memref<80x128xf32, #tpu.memory_space<vmem>>) dst(%dma_wait3A_448 : memref<10000x128xf32, #tpu.memory_space<vmem_shared>>)
      %add3A_451 = arith.constant 2 : i32
      %add3A_452 = arith.addi %mul3A_252, %add3A_451 : i32
      %add3A_453 = arith.constant 3 : i32
      %add3A_454 = arith.addi %add3A_452, %add3A_453 : i32
      %lt3A_455 = arith.constant 125 : i32
      %lt3A_456 = arith.cmpi slt, %add3A_454, %lt3A_455 : i32
      %convert_element_type3A_457 = arith.extui %lt3A_456 : i1 to i32
      %cond3A_458 = arith.constant 0 : i32
      %cond3A_459 = arith.cmpi ne, %convert_element_type3A_457, %cond3A_458 : i32
      scf.if %cond3A_459 {
        %mul3A_460 = arith.constant 10000 : i32
        %mul3A_461 = arith.muli %add3A, %mul3A_460 : i32
        %mul3A_462 = arith.constant 80 : i32
        %mul3A_463 = arith.muli %add3A_454, %mul3A_462 : i32
        %add3A_464 = arith.addi %mul3A_461, %mul3A_463 : i32
        %dma_start3A_465 = arith.constant 2 : i32
        %dma_start3A_466 = arith.constant 2 : i32
        %dma_start3A_467 = arith.constant 0 : i32
        %dma_start3A_468 = tpu.memref_slice %arg8[%dma_start3A_465, %dma_start3A_467] : memref<3x80xi32, #tpu.memory_space<vmem>> -> memref<1x80xi32, #tpu.memory_space<vmem>>
        %dma_start3A_469 = tpu.memref_squeeze %dma_start3A_468 : memref<1x80xi32, #tpu.memory_space<vmem>> -> memref<80xi32, #tpu.memory_space<vmem>>
        %dma_start3A_470 = tpu.memref_slice %arg4[%add3A_464] : memref<320000xi32, #tpu.memory_space<hbm>> -> memref<80xi32, #tpu.memory_space<hbm>>
        %dma_start3A_471 = tpu.memref_slice %arg11[%dma_start3A_466] : memref<3x!tpu.dma_semaphore, #tpu.memory_space<semaphore_mem>> -> memref<1x!tpu.dma_semaphore, #tpu.memory_space<semaphore_mem>>
        %dma_start3A_472 = tpu.memref_squeeze %dma_start3A_471 : memref<1x!tpu.dma_semaphore, #tpu.memory_space<semaphore_mem>> -> memref<!tpu.dma_semaphore, #tpu.memory_space<semaphore_mem>>
        %dma_start3A_473 = arith.constant 0 : i32
        %dma_start3A_474 = tpu.memref_slice %arg8[%dma_start3A_465, %dma_start3A_473] : memref<3x80xi32, #tpu.memory_space<vmem>> -> memref<1x80xi32, #tpu.memory_space<vmem>>
        %dma_start3A_475 = tpu.memref_squeeze %dma_start3A_474 : memref<1x80xi32, #tpu.memory_space<vmem>> -> memref<80xi32, #tpu.memory_space<vmem>>
        %dma_start3A_476 = tpu.memref_slice %arg4[%add3A_464] : memref<320000xi32, #tpu.memory_space<hbm>> -> memref<80xi32, #tpu.memory_space<hbm>>
        tpu.enqueue_dma source(%dma_start3A_476 : memref<80xi32, #tpu.memory_space<hbm>>) target(%dma_start3A_475 : memref<80xi32, #tpu.memory_space<vmem>>) target_semaphore(%dma_start3A_472 : memref<!tpu.dma_semaphore, #tpu.memory_space<semaphore_mem>>)
        %dma_start3A_477 = arith.constant 2 : i32
        %dma_start3A_478 = arith.constant 2 : i32
        %dma_start3A_479 = arith.constant 0 : i32
        %dma_start3A_480 = arith.constant 0 : i32
        %dma_start3A_481 = tpu.memref_slice %arg9[%dma_start3A_477, %dma_start3A_479, %dma_start3A_480] : memref<3x80x128xf32, #tpu.memory_space<vmem>> -> memref<1x80x128xf32, #tpu.memory_space<vmem>>
        %dma_start3A_482 = tpu.memref_squeeze %dma_start3A_481 : memref<1x80x128xf32, #tpu.memory_space<vmem>> -> memref<80x128xf32, #tpu.memory_space<vmem>>
        %dma_start3A_483 = arith.constant 0 : i32
        %dma_start3A_484 = tpu.memref_slice %arg7[%add3A_454, %dma_start3A_483] : memref<125x80xi32, #tpu.memory_space<vmem>> -> memref<1x80xi32, #tpu.memory_space<vmem>>
        %dma_start3A_485 = tpu.memref_squeeze %dma_start3A_484 : memref<1x80xi32, #tpu.memory_space<vmem>> -> memref<80xi32, #tpu.memory_space<vmem>>
        %dma_start3A_486 = arith.constant 0 : i32
        %dma_start3A_487 = arith.constant 0 : i32
        %dma_start3A_488 = tpu.memref_slice %arg2[%dma_start3A_486, %dma_start3A_487] : memref<10000x128xf32, #tpu.memory_space<hbm>> -> memref<10000x128xf32, #tpu.memory_space<hbm>>
        %dma_start3A_489 = tpu.memref_slice %arg12[%dma_start3A_478] : memref<3x!tpu.dma_semaphore, #tpu.memory_space<semaphore_mem>> -> memref<1x!tpu.dma_semaphore, #tpu.memory_space<semaphore_mem>>
        %dma_start3A_490 = tpu.memref_squeeze %dma_start3A_489 : memref<1x!tpu.dma_semaphore, #tpu.memory_space<semaphore_mem>> -> memref<!tpu.dma_semaphore, #tpu.memory_space<semaphore_mem>>
        tpu.enqueue_indirect_dma source(%dma_start3A_488 : memref<10000x128xf32, #tpu.memory_space<hbm>>) target(%dma_start3A_482 : memref<80x128xf32, #tpu.memory_space<vmem>>) offsets(%dma_start3A_485 : memref<80xi32, #tpu.memory_space<vmem>>) semaphore(%dma_start3A_490 : memref<!tpu.dma_semaphore, #tpu.memory_space<semaphore_mem>>)
      } else {
      }
    }
    %scan3A_125 = arith.constant 41 : i32
    %dma_wait3A_126 = arith.constant 0 : i32
    %dma_wait3A_127 = arith.constant 0 : i32
    %dma_wait3A_128 = arith.constant 0 : i32
    %dma_wait3A_129 = tpu.memref_slice %arg8[%dma_wait3A_126, %dma_wait3A_128] : memref<3x80xi32, #tpu.memory_space<vmem>> -> memref<1x80xi32, #tpu.memory_space<vmem>>
    %dma_wait3A_130 = tpu.memref_squeeze %dma_wait3A_129 : memref<1x80xi32, #tpu.memory_space<vmem>> -> memref<80xi32, #tpu.memory_space<vmem>>
    %dma_wait3A_131 = arith.constant 0 : i32
    %dma_wait3A_132 = tpu.memref_slice %arg4[%dma_wait3A_131] : memref<320000xi32, #tpu.memory_space<hbm>> -> memref<80xi32, #tpu.memory_space<hbm>>
    %dma_wait3A_133 = tpu.memref_slice %arg11[%dma_wait3A_127] : memref<3x!tpu.dma_semaphore, #tpu.memory_space<semaphore_mem>> -> memref<1x!tpu.dma_semaphore, #tpu.memory_space<semaphore_mem>>
    %dma_wait3A_134 = tpu.memref_squeeze %dma_wait3A_133 : memref<1x!tpu.dma_semaphore, #tpu.memory_space<semaphore_mem>> -> memref<!tpu.dma_semaphore, #tpu.memory_space<semaphore_mem>>
    %dma_wait3A_135 = arith.constant 0 : i32
    %dma_wait3A_136 = tpu.memref_slice %arg8[%dma_wait3A_126, %dma_wait3A_135] : memref<3x80xi32, #tpu.memory_space<vmem>> -> memref<1x80xi32, #tpu.memory_space<vmem>>
    %dma_wait3A_137 = tpu.memref_squeeze %dma_wait3A_136 : memref<1x80xi32, #tpu.memory_space<vmem>> -> memref<80xi32, #tpu.memory_space<vmem>>
    %dma_wait3A_138 = arith.constant 0 : i32
    %dma_wait3A_139 = tpu.memref_slice %arg4[%dma_wait3A_138] : memref<320000xi32, #tpu.memory_space<hbm>> -> memref<80xi32, #tpu.memory_space<hbm>>
    tpu.wait_dma2 semaphore(%dma_wait3A_134 : memref<!tpu.dma_semaphore, #tpu.memory_space<semaphore_mem>>) src(%dma_wait3A_139 : memref<80xi32, #tpu.memory_space<hbm>>) dst(%dma_wait3A_137 : memref<80xi32, #tpu.memory_space<vmem>>)
    %dma_wait3A_140 = arith.constant 123 : i32
    %dma_wait3A_141 = arith.constant 0 : i32
    %dma_wait3A_142 = arith.constant 0 : i32
    %dma_wait3A_143 = arith.constant 0 : i32
    %dma_wait3A_144 = arith.constant 0 : i32
    %dma_wait3A_145 = tpu.memref_slice %arg9[%dma_wait3A_141, %dma_wait3A_143, %dma_wait3A_144] : memref<3x80x128xf32, #tpu.memory_space<vmem>> -> memref<1x80x128xf32, #tpu.memory_space<vmem>>
    %dma_wait3A_146 = tpu.memref_squeeze %dma_wait3A_145 : memref<1x80x128xf32, #tpu.memory_space<vmem>> -> memref<80x128xf32, #tpu.memory_space<vmem>>
    %dma_wait3A_147 = arith.constant 0 : i32
    %dma_wait3A_148 = tpu.memref_slice %arg7[%dma_wait3A_140, %dma_wait3A_147] : memref<125x80xi32, #tpu.memory_space<vmem>> -> memref<1x80xi32, #tpu.memory_space<vmem>>
    %dma_wait3A_149 = tpu.memref_squeeze %dma_wait3A_148 : memref<1x80xi32, #tpu.memory_space<vmem>> -> memref<80xi32, #tpu.memory_space<vmem>>
    %dma_wait3A_150 = arith.constant 0 : i32
    %dma_wait3A_151 = arith.constant 0 : i32
    %dma_wait3A_152 = tpu.memref_slice %arg2[%dma_wait3A_150, %dma_wait3A_151] : memref<10000x128xf32, #tpu.memory_space<hbm>> -> memref<10000x128xf32, #tpu.memory_space<hbm>>
    %dma_wait3A_153 = tpu.memref_slice %arg12[%dma_wait3A_142] : memref<3x!tpu.dma_semaphore, #tpu.memory_space<semaphore_mem>> -> memref<1x!tpu.dma_semaphore, #tpu.memory_space<semaphore_mem>>
    %dma_wait3A_154 = tpu.memref_squeeze %dma_wait3A_153 : memref<1x!tpu.dma_semaphore, #tpu.memory_space<semaphore_mem>> -> memref<!tpu.dma_semaphore, #tpu.memory_space<semaphore_mem>>
    tpu.wait_indirect_dma semaphore(%dma_wait3A_154 : memref<!tpu.dma_semaphore, #tpu.memory_space<semaphore_mem>>) src(%dma_wait3A_152 : memref<10000x128xf32, #tpu.memory_space<hbm>>) dst(%dma_wait3A_146 : memref<80x128xf32, #tpu.memory_space<vmem>>)
    %dma_start3A_155 = arith.constant 0 : i32
    %dma_start3A_156 = arith.constant 0 : i32
    %dma_start3A_157 = arith.constant 0 : i32
    %dma_start3A_158 = arith.constant 0 : i32
    %dma_start3A_159 = arith.constant 0 : i32
    %dma_start3A_160 = tpu.memref_slice %arg9[%dma_start3A_155, %dma_start3A_158, %dma_start3A_159] : memref<3x80x128xf32, #tpu.memory_space<vmem>> -> memref<1x80x128xf32, #tpu.memory_space<vmem>>
    %dma_start3A_161 = tpu.memref_squeeze %dma_start3A_160 : memref<1x80x128xf32, #tpu.memory_space<vmem>> -> memref<80x128xf32, #tpu.memory_space<vmem>>
    %dma_start3A_162 = arith.constant 0 : i32
    %dma_start3A_163 = tpu.memref_slice %arg8[%dma_start3A_156, %dma_start3A_162] : memref<3x80xi32, #tpu.memory_space<vmem>> -> memref<1x80xi32, #tpu.memory_space<vmem>>
    %dma_start3A_164 = tpu.memref_squeeze %dma_start3A_163 : memref<1x80xi32, #tpu.memory_space<vmem>> -> memref<80xi32, #tpu.memory_space<vmem>>
    %dma_start3A_165 = arith.constant 0 : i32
    %dma_start3A_166 = arith.constant 0 : i32
    %dma_start3A_167 = tpu.memref_slice %arg10[%dma_start3A_165, %dma_start3A_166] : memref<10000x128xf32, #tpu.memory_space<vmem_shared>> -> memref<10000x128xf32, #tpu.memory_space<vmem_shared>>
    %dma_start3A_168 = tpu.memref_slice %arg13[%dma_start3A_157] : memref<3x!tpu.dma_semaphore, #tpu.memory_space<semaphore_mem>> -> memref<1x!tpu.dma_semaphore, #tpu.memory_space<semaphore_mem>>
    %dma_start3A_169 = tpu.memref_squeeze %dma_start3A_168 : memref<1x!tpu.dma_semaphore, #tpu.memory_space<semaphore_mem>> -> memref<!tpu.dma_semaphore, #tpu.memory_space<semaphore_mem>>
    tpu.enqueue_indirect_dma source(%dma_start3A_161 : memref<80x128xf32, #tpu.memory_space<vmem>>) target(%dma_start3A_167 : memref<10000x128xf32, #tpu.memory_space<vmem_shared>>) offsets(%dma_start3A_164 : memref<80xi32, #tpu.memory_space<vmem>>) semaphore(%dma_start3A_169 : memref<!tpu.dma_semaphore, #tpu.memory_space<semaphore_mem>>) {add = true}
    %dma_wait3A_170 = arith.constant 1 : i32
    %dma_wait3A_171 = arith.constant 1 : i32
    %dma_wait3A_172 = arith.constant 0 : i32
    %dma_wait3A_173 = tpu.memref_slice %arg8[%dma_wait3A_170, %dma_wait3A_172] : memref<3x80xi32, #tpu.memory_space<vmem>> -> memref<1x80xi32, #tpu.memory_space<vmem>>
    %dma_wait3A_174 = tpu.memref_squeeze %dma_wait3A_173 : memref<1x80xi32, #tpu.memory_space<vmem>> -> memref<80xi32, #tpu.memory_space<vmem>>
    %dma_wait3A_175 = arith.constant 0 : i32
    %dma_wait3A_176 = tpu.memref_slice %arg4[%dma_wait3A_175] : memref<320000xi32, #tpu.memory_space<hbm>> -> memref<80xi32, #tpu.memory_space<hbm>>
    %dma_wait3A_177 = tpu.memref_slice %arg11[%dma_wait3A_171] : memref<3x!tpu.dma_semaphore, #tpu.memory_space<semaphore_mem>> -> memref<1x!tpu.dma_semaphore, #tpu.memory_space<semaphore_mem>>
    %dma_wait3A_178 = tpu.memref_squeeze %dma_wait3A_177 : memref<1x!tpu.dma_semaphore, #tpu.memory_space<semaphore_mem>> -> memref<!tpu.dma_semaphore, #tpu.memory_space<semaphore_mem>>
    %dma_wait3A_179 = arith.constant 0 : i32
    %dma_wait3A_180 = tpu.memref_slice %arg8[%dma_wait3A_170, %dma_wait3A_179] : memref<3x80xi32, #tpu.memory_space<vmem>> -> memref<1x80xi32, #tpu.memory_space<vmem>>
    %dma_wait3A_181 = tpu.memref_squeeze %dma_wait3A_180 : memref<1x80xi32, #tpu.memory_space<vmem>> -> memref<80xi32, #tpu.memory_space<vmem>>
    %dma_wait3A_182 = arith.constant 0 : i32
    %dma_wait3A_183 = tpu.memref_slice %arg4[%dma_wait3A_182] : memref<320000xi32, #tpu.memory_space<hbm>> -> memref<80xi32, #tpu.memory_space<hbm>>
    tpu.wait_dma2 semaphore(%dma_wait3A_178 : memref<!tpu.dma_semaphore, #tpu.memory_space<semaphore_mem>>) src(%dma_wait3A_183 : memref<80xi32, #tpu.memory_space<hbm>>) dst(%dma_wait3A_181 : memref<80xi32, #tpu.memory_space<vmem>>)
    %dma_wait3A_184 = arith.constant 124 : i32
    %dma_wait3A_185 = arith.constant 1 : i32
    %dma_wait3A_186 = arith.constant 1 : i32
    %dma_wait3A_187 = arith.constant 0 : i32
    %dma_wait3A_188 = arith.constant 0 : i32
    %dma_wait3A_189 = tpu.memref_slice %arg9[%dma_wait3A_185, %dma_wait3A_187, %dma_wait3A_188] : memref<3x80x128xf32, #tpu.memory_space<vmem>> -> memref<1x80x128xf32, #tpu.memory_space<vmem>>
    %dma_wait3A_190 = tpu.memref_squeeze %dma_wait3A_189 : memref<1x80x128xf32, #tpu.memory_space<vmem>> -> memref<80x128xf32, #tpu.memory_space<vmem>>
    %dma_wait3A_191 = arith.constant 0 : i32
    %dma_wait3A_192 = tpu.memref_slice %arg7[%dma_wait3A_184, %dma_wait3A_191] : memref<125x80xi32, #tpu.memory_space<vmem>> -> memref<1x80xi32, #tpu.memory_space<vmem>>
    %dma_wait3A_193 = tpu.memref_squeeze %dma_wait3A_192 : memref<1x80xi32, #tpu.memory_space<vmem>> -> memref<80xi32, #tpu.memory_space<vmem>>
    %dma_wait3A_194 = arith.constant 0 : i32
    %dma_wait3A_195 = arith.constant 0 : i32
    %dma_wait3A_196 = tpu.memref_slice %arg2[%dma_wait3A_194, %dma_wait3A_195] : memref<10000x128xf32, #tpu.memory_space<hbm>> -> memref<10000x128xf32, #tpu.memory_space<hbm>>
    %dma_wait3A_197 = tpu.memref_slice %arg12[%dma_wait3A_186] : memref<3x!tpu.dma_semaphore, #tpu.memory_space<semaphore_mem>> -> memref<1x!tpu.dma_semaphore, #tpu.memory_space<semaphore_mem>>
    %dma_wait3A_198 = tpu.memref_squeeze %dma_wait3A_197 : memref<1x!tpu.dma_semaphore, #tpu.memory_space<semaphore_mem>> -> memref<!tpu.dma_semaphore, #tpu.memory_space<semaphore_mem>>
    tpu.wait_indirect_dma semaphore(%dma_wait3A_198 : memref<!tpu.dma_semaphore, #tpu.memory_space<semaphore_mem>>) src(%dma_wait3A_196 : memref<10000x128xf32, #tpu.memory_space<hbm>>) dst(%dma_wait3A_190 : memref<80x128xf32, #tpu.memory_space<vmem>>)
    %dma_start3A_199 = arith.constant 1 : i32
    %dma_start3A_200 = arith.constant 1 : i32
    %dma_start3A_201 = arith.constant 1 : i32
    %dma_start3A_202 = arith.constant 0 : i32
    %dma_start3A_203 = arith.constant 0 : i32
    %dma_start3A_204 = tpu.memref_slice %arg9[%dma_start3A_199, %dma_start3A_202, %dma_start3A_203] : memref<3x80x128xf32, #tpu.memory_space<vmem>> -> memref<1x80x128xf32, #tpu.memory_space<vmem>>
    %dma_start3A_205 = tpu.memref_squeeze %dma_start3A_204 : memref<1x80x128xf32, #tpu.memory_space<vmem>> -> memref<80x128xf32, #tpu.memory_space<vmem>>
    %dma_start3A_206 = arith.constant 0 : i32
    %dma_start3A_207 = tpu.memref_slice %arg8[%dma_start3A_200, %dma_start3A_206] : memref<3x80xi32, #tpu.memory_space<vmem>> -> memref<1x80xi32, #tpu.memory_space<vmem>>
    %dma_start3A_208 = tpu.memref_squeeze %dma_start3A_207 : memref<1x80xi32, #tpu.memory_space<vmem>> -> memref<80xi32, #tpu.memory_space<vmem>>
    %dma_start3A_209 = arith.constant 0 : i32
    %dma_start3A_210 = arith.constant 0 : i32
    %dma_start3A_211 = tpu.memref_slice %arg10[%dma_start3A_209, %dma_start3A_210] : memref<10000x128xf32, #tpu.memory_space<vmem_shared>> -> memref<10000x128xf32, #tpu.memory_space<vmem_shared>>
    %dma_start3A_212 = tpu.memref_slice %arg13[%dma_start3A_201] : memref<3x!tpu.dma_semaphore, #tpu.memory_space<semaphore_mem>> -> memref<1x!tpu.dma_semaphore, #tpu.memory_space<semaphore_mem>>
    %dma_start3A_213 = tpu.memref_squeeze %dma_start3A_212 : memref<1x!tpu.dma_semaphore, #tpu.memory_space<semaphore_mem>> -> memref<!tpu.dma_semaphore, #tpu.memory_space<semaphore_mem>>
    tpu.enqueue_indirect_dma source(%dma_start3A_205 : memref<80x128xf32, #tpu.memory_space<vmem>>) target(%dma_start3A_211 : memref<10000x128xf32, #tpu.memory_space<vmem_shared>>) offsets(%dma_start3A_208 : memref<80xi32, #tpu.memory_space<vmem>>) semaphore(%dma_start3A_213 : memref<!tpu.dma_semaphore, #tpu.memory_space<semaphore_mem>>) {add = true}
    %dma_wait3A_214 = arith.constant 0 : i32
    %dma_wait3A_215 = arith.constant 0 : i32
    %dma_wait3A_216 = arith.constant 0 : i32
    %dma_wait3A_217 = arith.constant 0 : i32
    %dma_wait3A_218 = arith.constant 0 : i32
    %dma_wait3A_219 = tpu.memref_slice %arg9[%dma_wait3A_214, %dma_wait3A_217, %dma_wait3A_218] : memref<3x80x128xf32, #tpu.memory_space<vmem>> -> memref<1x80x128xf32, #tpu.memory_space<vmem>>
    %dma_wait3A_220 = tpu.memref_squeeze %dma_wait3A_219 : memref<1x80x128xf32, #tpu.memory_space<vmem>> -> memref<80x128xf32, #tpu.memory_space<vmem>>
    %dma_wait3A_221 = arith.constant 0 : i32
    %dma_wait3A_222 = tpu.memref_slice %arg8[%dma_wait3A_215, %dma_wait3A_221] : memref<3x80xi32, #tpu.memory_space<vmem>> -> memref<1x80xi32, #tpu.memory_space<vmem>>
    %dma_wait3A_223 = tpu.memref_squeeze %dma_wait3A_222 : memref<1x80xi32, #tpu.memory_space<vmem>> -> memref<80xi32, #tpu.memory_space<vmem>>
    %dma_wait3A_224 = arith.constant 0 : i32
    %dma_wait3A_225 = arith.constant 0 : i32
    %dma_wait3A_226 = tpu.memref_slice %arg10[%dma_wait3A_224, %dma_wait3A_225] : memref<10000x128xf32, #tpu.memory_space<vmem_shared>> -> memref<10000x128xf32, #tpu.memory_space<vmem_shared>>
    %dma_wait3A_227 = tpu.memref_slice %arg13[%dma_wait3A_216] : memref<3x!tpu.dma_semaphore, #tpu.memory_space<semaphore_mem>> -> memref<1x!tpu.dma_semaphore, #tpu.memory_space<semaphore_mem>>
    %dma_wait3A_228 = tpu.memref_squeeze %dma_wait3A_227 : memref<1x!tpu.dma_semaphore, #tpu.memory_space<semaphore_mem>> -> memref<!tpu.dma_semaphore, #tpu.memory_space<semaphore_mem>>
    tpu.wait_indirect_dma semaphore(%dma_wait3A_228 : memref<!tpu.dma_semaphore, #tpu.memory_space<semaphore_mem>>) src(%dma_wait3A_220 : memref<80x128xf32, #tpu.memory_space<vmem>>) dst(%dma_wait3A_226 : memref<10000x128xf32, #tpu.memory_space<vmem_shared>>)
    %dma_wait3A_229 = arith.constant 1 : i32
    %dma_wait3A_230 = arith.constant 1 : i32
    %dma_wait3A_231 = arith.constant 1 : i32
    %dma_wait3A_232 = arith.constant 0 : i32
    %dma_wait3A_233 = arith.constant 0 : i32
    %dma_wait3A_234 = tpu.memref_slice %arg9[%dma_wait3A_229, %dma_wait3A_232, %dma_wait3A_233] : memref<3x80x128xf32, #tpu.memory_space<vmem>> -> memref<1x80x128xf32, #tpu.memory_space<vmem>>
    %dma_wait3A_235 = tpu.memref_squeeze %dma_wait3A_234 : memref<1x80x128xf32, #tpu.memory_space<vmem>> -> memref<80x128xf32, #tpu.memory_space<vmem>>
    %dma_wait3A_236 = arith.constant 0 : i32
    %dma_wait3A_237 = tpu.memref_slice %arg8[%dma_wait3A_230, %dma_wait3A_236] : memref<3x80xi32, #tpu.memory_space<vmem>> -> memref<1x80xi32, #tpu.memory_space<vmem>>
    %dma_wait3A_238 = tpu.memref_squeeze %dma_wait3A_237 : memref<1x80xi32, #tpu.memory_space<vmem>> -> memref<80xi32, #tpu.memory_space<vmem>>
    %dma_wait3A_239 = arith.constant 0 : i32
    %dma_wait3A_240 = arith.constant 0 : i32
    %dma_wait3A_241 = tpu.memref_slice %arg10[%dma_wait3A_239, %dma_wait3A_240] : memref<10000x128xf32, #tpu.memory_space<vmem_shared>> -> memref<10000x128xf32, #tpu.memory_space<vmem_shared>>
    %dma_wait3A_242 = tpu.memref_slice %arg13[%dma_wait3A_231] : memref<3x!tpu.dma_semaphore, #tpu.memory_space<semaphore_mem>> -> memref<1x!tpu.dma_semaphore, #tpu.memory_space<semaphore_mem>>
    %dma_wait3A_243 = tpu.memref_squeeze %dma_wait3A_242 : memref<1x!tpu.dma_semaphore, #tpu.memory_space<semaphore_mem>> -> memref<!tpu.dma_semaphore, #tpu.memory_space<semaphore_mem>>
    tpu.wait_indirect_dma semaphore(%dma_wait3A_243 : memref<!tpu.dma_semaphore, #tpu.memory_space<semaphore_mem>>) src(%dma_wait3A_235 : memref<80x128xf32, #tpu.memory_space<vmem>>) dst(%dma_wait3A_241 : memref<10000x128xf32, #tpu.memory_space<vmem_shared>>)
    %barrier3A_244 = arith.constant 0 : index
    tpu.barrier barrier_id(%barrier3A_244)
    %lt3A_245 = arith.constant 10 : i32
    %lt3A_246 = arith.cmpi slt, %arg1, %lt3A_245 : i32
    %convert_element_type3A_247 = arith.extui %lt3A_246 : i1 to i32
    %cond3A_248 = arith.constant 0 : i32
    %cond3A_249 = arith.cmpi ne, %convert_element_type3A_247, %cond3A_248 : i32
    scf.if %cond3A_249 {
      %mul3A_250 = arith.constant 1000 : i32
      %mul3A_251 = arith.muli %arg1, %mul3A_250 : i32
      %mul3A_252 = arith.constant 1000 : i32
      %mul3A_253 = arith.muli %arg1, %mul3A_252 : i32
      "tpu.region"() ({
        %run_scoped3A = tpu.sem_alloc : memref<!tpu.dma_semaphore, #tpu.memory_space<semaphore_mem>>
        %dma_start3A_254 = arith.constant 0 : i32
        %dma_start3A_255 = tpu.memref_slice %arg6[%arg0, %mul3A_253, %dma_start3A_254] : memref<2x10000x128xf32, #tpu.memory_space<hbm>> -> memref<1x1000x128xf32, #tpu.memory_space<hbm>>
        %dma_start3A_256 = tpu.memref_squeeze %dma_start3A_255 : memref<1x1000x128xf32, #tpu.memory_space<hbm>> -> memref<1000x128xf32, #tpu.memory_space<hbm>>
        %dma_start3A_257 = arith.constant 0 : i32
        %dma_start3A_258 = tpu.memref_slice %arg10[%mul3A_251, %dma_start3A_257] : memref<10000x128xf32, #tpu.memory_space<vmem_shared>> -> memref<1000x128xf32, #tpu.memory_space<vmem_shared>>
        tpu.enqueue_dma source(%dma_start3A_258 : memref<1000x128xf32, #tpu.memory_space<vmem_shared>>) target(%dma_start3A_256 : memref<1000x128xf32, #tpu.memory_space<hbm>>) target_semaphore(%run_scoped3A : memref<!tpu.dma_semaphore, #tpu.memory_space<semaphore_mem>>)
        %dma_wait3A_259 = arith.constant 0 : i32
        %dma_wait3A_260 = tpu.memref_slice %arg6[%arg0, %mul3A_253, %dma_wait3A_259] : memref<2x10000x128xf32, #tpu.memory_space<hbm>> -> memref<1x1000x128xf32, #tpu.memory_space<hbm>>
        %dma_wait3A_261 = tpu.memref_squeeze %dma_wait3A_260 : memref<1x1000x128xf32, #tpu.memory_space<hbm>> -> memref<1000x128xf32, #tpu.memory_space<hbm>>
        %dma_wait3A_262 = arith.constant 0 : i32
        %dma_wait3A_263 = tpu.memref_slice %arg10[%mul3A_251, %dma_wait3A_262] : memref<10000x128xf32, #tpu.memory_space<vmem_shared>> -> memref<1000x128xf32, #tpu.memory_space<vmem_shared>>
        tpu.wait_dma2 semaphore(%run_scoped3A : memref<!tpu.dma_semaphore, #tpu.memory_space<semaphore_mem>>) src(%dma_wait3A_263 : memref<1000x128xf32, #tpu.memory_space<vmem_shared>>) dst(%dma_wait3A_261 : memref<1000x128xf32, #tpu.memory_space<hbm>>)
        tpu.yield
      }) : () -> ()
    } else {
    }
    return
  }
}

#map = affine_map<(d0, d1) -> (0)>
module attributes {stable_mosaic.version = 14 : i64} {
  func.func @_deg_body(%arg0: i32, %arg1: i32, %arg2: memref<320000xi32, #tpu.memory_space<hbm>>, %arg3: memref<320000xf32, #tpu.memory_space<hbm>>, %arg4: memref<10000xi32, #tpu.memory_space<vmem>>, %arg5: memref<10000xf32, #tpu.memory_space<vmem>>, %arg6: memref<!tpu.dma_semaphore, #tpu.memory_space<semaphore_mem>>) attributes {dimension_semantics = [#tpu.dimension_semantics<core_parallel>, #tpu.dimension_semantics<subcore_parallel>], iteration_bounds = array<i64: 2, 16>, scalar_prefetch = 0 : i64, scratch_operands = 3 : i64, tpu.core_type = #tpu.core_type<sc_vector_subcore>, window_params = [{transform_indices = #map}, {transform_indices = #map}]} {
    %mul3A = arith.constant 16 : i32
    %mul3A_0 = arith.muli %arg0, %mul3A : i32
    %add3A = arith.addi %mul3A_0, %arg1 : i32
    %mul3A_1 = arith.constant 10000 : i32
    %mul3A_2 = arith.muli %add3A, %mul3A_1 : i32
    "tpu.region"() ({
      %run_scoped3A = tpu.sem_alloc : memref<!tpu.dma_semaphore, #tpu.memory_space<semaphore_mem>>
      %dma_start3A = tpu.memref_slice %arg2[%mul3A_2] : memref<320000xi32, #tpu.memory_space<hbm>> -> memref<10000xi32, #tpu.memory_space<hbm>>
      %dma_start3A_17 = tpu.memref_slice %arg2[%mul3A_2] : memref<320000xi32, #tpu.memory_space<hbm>> -> memref<10000xi32, #tpu.memory_space<hbm>>
      tpu.enqueue_dma source(%dma_start3A_17 : memref<10000xi32, #tpu.memory_space<hbm>>) target(%arg4 : memref<10000xi32, #tpu.memory_space<vmem>>) target_semaphore(%run_scoped3A : memref<!tpu.dma_semaphore, #tpu.memory_space<semaphore_mem>>)
      %dma_wait3A = tpu.memref_slice %arg2[%mul3A_2] : memref<320000xi32, #tpu.memory_space<hbm>> -> memref<10000xi32, #tpu.memory_space<hbm>>
      %dma_wait3A_18 = tpu.memref_slice %arg2[%mul3A_2] : memref<320000xi32, #tpu.memory_space<hbm>> -> memref<10000xi32, #tpu.memory_space<hbm>>
      tpu.wait_dma2 semaphore(%run_scoped3A : memref<!tpu.dma_semaphore, #tpu.memory_space<semaphore_mem>>) src(%dma_wait3A_18 : memref<10000xi32, #tpu.memory_space<hbm>>) dst(%arg4 : memref<10000xi32, #tpu.memory_space<vmem>>)
      tpu.yield
    }) : () -> ()
    %scan3A = arith.constant 0 : i32
    %scan3A_3 = arith.constant 0 : i32
    %scan3A_4 = arith.constant 625 : i32
    %scan3A_5 = arith.addi %scan3A_3, %scan3A_4 : i32
    %scan3A_6 = arith.constant 1 : i32
    scf.for %scan3A_17 = %scan3A_3 to %scan3A_5 step %scan3A_6  : i32 {
      %broadcast_in_dim3A_18 = arith.constant 0.000000e+00 : f32
      %broadcast_in_dim3A_19 = vector.broadcast %broadcast_in_dim3A_18 : f32 to vector<16xf32>
      %mul3A_20 = arith.constant 16 : i32
      %mul3A_21 = arith.muli %scan3A_17, %mul3A_20 : i32
      %swap3A = arith.index_cast %mul3A_21 : i32 to index
      %swap3A_22 = tpu.vector_load %arg5[%swap3A] {strides = array<i32>} : memref<10000xf32, #tpu.memory_space<vmem>>, vector<16xf32>,
      tpu.vector_store %arg5[%swap3A], %broadcast_in_dim3A_19 {strides = array<i32>} : memref<10000xf32, #tpu.memory_space<vmem>>, vector<16xf32>,
    }
    %scan3A_7 = arith.constant 625 : i32
    %broadcast_in_dim3A = arith.constant 1.000000e+00 : f32
    %broadcast_in_dim3A_8 = vector.broadcast %broadcast_in_dim3A : f32 to vector<16xf32>
    %scan3A_9 = arith.constant 0 : i32
    %scan3A_10 = arith.constant 0 : i32
    %scan3A_11 = arith.constant 625 : i32
    %scan3A_12 = arith.addi %scan3A_10, %scan3A_11 : i32
    %scan3A_13 = arith.constant 1 : i32
    scf.for %scan3A_17 = %scan3A_10 to %scan3A_12 step %scan3A_13  : i32 {
      %mul3A_18 = arith.constant 16 : i32
      %mul3A_19 = arith.muli %scan3A_17, %mul3A_18 : i32
      %get3A = arith.index_cast %mul3A_19 : i32 to index
      %get3A_20 = tpu.vector_load %arg4[%get3A] {strides = array<i32>} : memref<10000xi32, #tpu.memory_space<vmem>>, vector<16xi32>,
      tpu.vector_store_idx %arg5[%get3A_20], %broadcast_in_dim3A_8 {add = true} : memref<10000xf32, #tpu.memory_space<vmem>>[vector<16xi32>], vector<16xf32>,
    }
    %scan3A_14 = arith.constant 625 : i32
    %mul3A_15 = arith.constant 10000 : i32
    %mul3A_16 = arith.muli %add3A, %mul3A_15 : i32
    "tpu.region"() ({
      %run_scoped3A = tpu.sem_alloc : memref<!tpu.dma_semaphore, #tpu.memory_space<semaphore_mem>>
      %dma_start3A = tpu.memref_slice %arg3[%mul3A_16] : memref<320000xf32, #tpu.memory_space<hbm>> -> memref<10000xf32, #tpu.memory_space<hbm>>
      %dma_start3A_17 = tpu.memref_slice %arg3[%mul3A_16] : memref<320000xf32, #tpu.memory_space<hbm>> -> memref<10000xf32, #tpu.memory_space<hbm>>
      tpu.enqueue_dma source(%arg5 : memref<10000xf32, #tpu.memory_space<vmem>>) target(%dma_start3A_17 : memref<10000xf32, #tpu.memory_space<hbm>>) target_semaphore(%run_scoped3A : memref<!tpu.dma_semaphore, #tpu.memory_space<semaphore_mem>>)
      %dma_wait3A = tpu.memref_slice %arg3[%mul3A_16] : memref<320000xf32, #tpu.memory_space<hbm>> -> memref<10000xf32, #tpu.memory_space<hbm>>
      %dma_wait3A_18 = tpu.memref_slice %arg3[%mul3A_16] : memref<320000xf32, #tpu.memory_space<hbm>> -> memref<10000xf32, #tpu.memory_space<hbm>>
      tpu.wait_dma2 semaphore(%run_scoped3A : memref<!tpu.dma_semaphore, #tpu.memory_space<semaphore_mem>>) src(%arg5 : memref<10000xf32, #tpu.memory_space<vmem>>) dst(%dma_wait3A_18 : memref<10000xf32, #tpu.memory_space<hbm>>)
      tpu.yield
    }) : () -> ()
    return
  }
}

module attributes {stable_mosaic.version = 14 : i64} {
  func.func @_tc1_body(%arg0: i32, %arg1: memref<1000x128xf32, #tpu.memory_space<vmem>>, %arg2: memref<128x128xf32, #tpu.memory_space<vmem>>, %arg3: memref<1x1000x32xf32, #tpu.memory_space<vmem>>, %arg4: memref<1000x128xf32, #tpu.memory_space<vmem>>) attributes {dimension_semantics = [#tpu.dimension_semantics<arbitrary>], iteration_bounds = array<i64: 10>, scalar_prefetch = 0 : i64, scratch_operands = 0 : i64, tpu.core_type = #tpu.core_type<tc>, window_params = [{transform_indices = @transform_0, window_bounds = array<i64: 1000, 128>}, {pipeline_mode = #tpu.pipeline_mode<synchronous>, transform_indices = @transform_1, window_bounds = array<i64: 128, 128>}, {transform_indices = @transform_2, window_bounds = array<i64: 1, 1000, 32>}, {transform_indices = @transform_3, window_bounds = array<i64: 1000, 128>}]} {
    %get3A = arith.constant 0 : index
    %get3A_0 = arith.constant 0 : index
    %get3A_1 = arith.constant 0 : index
    %get3A_2 = vector.load %arg3[%get3A, %get3A_0, %get3A_1] : memref<1x1000x32xf32, #tpu.memory_space<vmem>>, vector<1x1000x32xf32>
    %get3A_3 = vector.shape_cast %get3A_2 : vector<1x1000x32xf32> to vector<1000x32xf32>
    %reduce_sum3A = arith.constant dense<0.000000e+00> : vector<1000xf32>
    %reduce_sum3A_4 = vector.multi_reduction <add>, %get3A_3, %reduce_sum3A [1] : vector<1000x32xf32> to vector<1000xf32>
    %broadcast_in_dim3A = vector.shape_cast %reduce_sum3A_4 : vector<1000xf32> to vector<1000x1xf32>
    %add3A = arith.constant 1.000000e+00 : f32
    %add3A_5 = vector.broadcast %add3A : f32 to vector<1000x1xf32>
    %add3A_6 = arith.addf %add3A_5, %broadcast_in_dim3A : vector<1000x1xf32>
    %max3A = arith.constant 1.000000e+00 : f32
    %max3A_7 = vector.broadcast %max3A : f32 to vector<1000x1xf32>
    %max3A_8 = arith.maximumf %add3A_6, %max3A_7 : vector<1000x1xf32>
    %rsqrt3A = math.rsqrt %max3A_8 : vector<1000x1xf32>
    %get3A_9 = arith.constant 0 : index
    %get3A_10 = arith.constant 0 : index
    %get3A_11 = vector.load %arg1[%get3A_9, %get3A_10] : memref<1000x128xf32, #tpu.memory_space<vmem>>, vector<1000x128xf32>
    %get3A_12 = arith.constant 0 : index
    %get3A_13 = arith.constant 0 : index
    %get3A_14 = vector.load %arg2[%get3A_12, %get3A_13] : memref<128x128xf32, #tpu.memory_space<vmem>>, vector<128x128xf32>
    %dot_general3A = arith.constant dense<0.000000e+00> : vector<1000x128xf32>
    %dot_general3A_15 = tpu.matmul %get3A_11, %get3A_14, %dot_general3A {dimension_numbers = #tpu.dot_dimension_numbers<[1], [0], [0], [1], [0, 0, 1, 1], [], []>, transpose_lhs_hint = false} : vector<1000x128xf32>, vector<128x128xf32>, vector<1000x128xf32> -> vector<1000x128xf32>
    %mul3A = vector.broadcast %rsqrt3A : vector<1000x1xf32> to vector<1000x128xf32>
    %mul3A_16 = arith.mulf %dot_general3A_15, %mul3A : vector<1000x128xf32>
    %swap3A = arith.constant 0 : index
    %swap3A_17 = arith.constant 0 : index
    %swap3A_18 = vector.load %arg4[%swap3A, %swap3A_17] : memref<1000x128xf32, #tpu.memory_space<vmem>>, vector<1000x128xf32>
    tpu.vector_store %arg4[%swap3A, %swap3A_17], %mul3A_16 {strides = array<i32>} : memref<1000x128xf32, #tpu.memory_space<vmem>>, vector<1000x128xf32>,
    return
  }
  func.func @transform_0(%arg0: i32) -> (i32, i32) {
    %c0_i32 = arith.constant 0 : i32
    %c0_i32_0 = arith.constant 0 : i32
    return %arg0, %c0_i32 : i32, i32
  }
  func.func @transform_1(%arg0: i32) -> (i32, i32) {
    %c0_i32 = arith.constant 0 : i32
    %c0_i32_0 = arith.constant 0 : i32
    %c0_i32_1 = arith.constant 0 : i32
    return %c0_i32, %c0_i32_0 : i32, i32
  }
  func.func @transform_2(%arg0: i32) -> (i32, i32, i32) {
    %c0_i32 = arith.constant 0 : i32
    %c0_i32_0 = arith.constant 0 : i32
    %c0_i32_1 = arith.constant 0 : i32
    return %arg0, %c0_i32, %c0_i32_0 : i32, i32, i32
  }
  func.func @transform_3(%arg0: i32) -> (i32, i32) {
    %c0_i32 = arith.constant 0 : i32
    %c0_i32_0 = arith.constant 0 : i32
    return %arg0, %c0_i32 : i32, i32
  }
}

module attributes {stable_mosaic.version = 14 : i64} {
  func.func @_tc2_body(%arg0: i32, %arg1: memref<2x1000x128xf32, #tpu.memory_space<vmem>>, %arg2: memref<1000x128xf32, #tpu.memory_space<vmem>>, %arg3: memref<1x1000x32xf32, #tpu.memory_space<vmem>>, %arg4: memref<1x128xf32, #tpu.memory_space<vmem>>, %arg5: memref<128x128xf32, #tpu.memory_space<vmem>>, %arg6: memref<1000x128xf32, #tpu.memory_space<vmem>>) attributes {dimension_semantics = [#tpu.dimension_semantics<arbitrary>], iteration_bounds = array<i64: 10>, scalar_prefetch = 0 : i64, scratch_operands = 0 : i64, tpu.core_type = #tpu.core_type<tc>, window_params = [{transform_indices = @transform_0, window_bounds = array<i64: 2, 1000, 128>}, {transform_indices = @transform_1, window_bounds = array<i64: 1000, 128>}, {transform_indices = @transform_2, window_bounds = array<i64: 1, 1000, 32>}, {pipeline_mode = #tpu.pipeline_mode<synchronous>, transform_indices = @transform_3, window_bounds = array<i64: 1, 128>}, {pipeline_mode = #tpu.pipeline_mode<synchronous>, transform_indices = @transform_4, window_bounds = array<i64: 128, 128>}, {transform_indices = @transform_5, window_bounds = array<i64: 1000, 128>}]} {
    %get3A = arith.constant 0 : index
    %get3A_0 = arith.constant 0 : index
    %get3A_1 = arith.constant 0 : index
    %get3A_2 = vector.load %arg3[%get3A, %get3A_0, %get3A_1] : memref<1x1000x32xf32, #tpu.memory_space<vmem>>, vector<1x1000x32xf32>
    %get3A_3 = vector.shape_cast %get3A_2 : vector<1x1000x32xf32> to vector<1000x32xf32>
    %reduce_sum3A = arith.constant dense<0.000000e+00> : vector<1000xf32>
    %reduce_sum3A_4 = vector.multi_reduction <add>, %get3A_3, %reduce_sum3A [1] : vector<1000x32xf32> to vector<1000xf32>
    %broadcast_in_dim3A = vector.shape_cast %reduce_sum3A_4 : vector<1000xf32> to vector<1000x1xf32>
    %add3A = arith.constant 1.000000e+00 : f32
    %add3A_5 = vector.broadcast %add3A : f32 to vector<1000x1xf32>
    %add3A_6 = arith.addf %add3A_5, %broadcast_in_dim3A : vector<1000x1xf32>
    %max3A = arith.constant 1.000000e+00 : f32
    %max3A_7 = vector.broadcast %max3A : f32 to vector<1000x1xf32>
    %max3A_8 = arith.maximumf %add3A_6, %max3A_7 : vector<1000x1xf32>
    %rsqrt3A = math.rsqrt %max3A_8 : vector<1000x1xf32>
    %get3A_9 = arith.constant 0 : index
    %get3A_10 = arith.constant 0 : index
    %get3A_11 = arith.constant 0 : index
    %get3A_12 = vector.load %arg1[%get3A_9, %get3A_10, %get3A_11] : memref<2x1000x128xf32, #tpu.memory_space<vmem>>, vector<1x1000x128xf32>
    %get3A_13 = vector.shape_cast %get3A_12 : vector<1x1000x128xf32> to vector<1000x128xf32>
    %get3A_14 = arith.constant 1 : index
    %get3A_15 = arith.constant 0 : index
    %get3A_16 = arith.constant 0 : index
    %get3A_17 = vector.load %arg1[%get3A_14, %get3A_15, %get3A_16] : memref<2x1000x128xf32, #tpu.memory_space<vmem>>, vector<1x1000x128xf32>
    %get3A_18 = vector.shape_cast %get3A_17 : vector<1x1000x128xf32> to vector<1000x128xf32>
    %add3A_19 = arith.addf %get3A_13, %get3A_18 : vector<1000x128xf32>
    %get3A_20 = arith.constant 0 : index
    %get3A_21 = arith.constant 0 : index
    %get3A_22 = vector.load %arg2[%get3A_20, %get3A_21] : memref<1000x128xf32, #tpu.memory_space<vmem>>, vector<1000x128xf32>
    %add3A_23 = arith.addf %add3A_19, %get3A_22 : vector<1000x128xf32>
    %mul3A = vector.broadcast %rsqrt3A : vector<1000x1xf32> to vector<1000x128xf32>
    %mul3A_24 = arith.mulf %add3A_23, %mul3A : vector<1000x128xf32>
    %get3A_25 = arith.constant 0 : index
    %get3A_26 = arith.constant 0 : index
    %get3A_27 = vector.load %arg4[%get3A_25, %get3A_26] : memref<1x128xf32, #tpu.memory_space<vmem>>, vector<1x128xf32>
    %add3A_28 = vector.broadcast %get3A_27 : vector<1x128xf32> to vector<1000x128xf32>
    %add3A_29 = arith.addf %mul3A_24, %add3A_28 : vector<1000x128xf32>
    %max3A_30 = arith.constant 0.000000e+00 : f32
    %max3A_31 = vector.broadcast %max3A_30 : f32 to vector<1000x128xf32>
    %max3A_32 = arith.maximumf %add3A_29, %max3A_31 : vector<1000x128xf32>
    %get3A_33 = arith.constant 0 : index
    %get3A_34 = arith.constant 0 : index
    %get3A_35 = vector.load %arg5[%get3A_33, %get3A_34] : memref<128x128xf32, #tpu.memory_space<vmem>>, vector<128x128xf32>
    %dot_general3A = arith.constant dense<0.000000e+00> : vector<1000x128xf32>
    %dot_general3A_36 = tpu.matmul %max3A_32, %get3A_35, %dot_general3A {dimension_numbers = #tpu.dot_dimension_numbers<[1], [0], [0], [1], [0, 0, 1, 1], [], []>, transpose_lhs_hint = false} : vector<1000x128xf32>, vector<128x128xf32>, vector<1000x128xf32> -> vector<1000x128xf32>
    %mul3A_37 = vector.broadcast %rsqrt3A : vector<1000x1xf32> to vector<1000x128xf32>
    %mul3A_38 = arith.mulf %dot_general3A_36, %mul3A_37 : vector<1000x128xf32>
    %swap3A = arith.constant 0 : index
    %swap3A_39 = arith.constant 0 : index
    %swap3A_40 = vector.load %arg6[%swap3A, %swap3A_39] : memref<1000x128xf32, #tpu.memory_space<vmem>>, vector<1000x128xf32>
    tpu.vector_store %arg6[%swap3A, %swap3A_39], %mul3A_38 {strides = array<i32>} : memref<1000x128xf32, #tpu.memory_space<vmem>>, vector<1000x128xf32>,
    return
  }
  func.func @transform_0(%arg0: i32) -> (i32, i32, i32) {
    %c0_i32 = arith.constant 0 : i32
    %c0_i32_0 = arith.constant 0 : i32
    %c0_i32_1 = arith.constant 0 : i32
    return %c0_i32, %arg0, %c0_i32_0 : i32, i32, i32
  }
  func.func @transform_1(%arg0: i32) -> (i32, i32) {
    %c0_i32 = arith.constant 0 : i32
    %c0_i32_0 = arith.constant 0 : i32
    return %arg0, %c0_i32 : i32, i32
  }
  func.func @transform_2(%arg0: i32) -> (i32, i32, i32) {
    %c0_i32 = arith.constant 0 : i32
    %c0_i32_0 = arith.constant 0 : i32
    %c0_i32_1 = arith.constant 0 : i32
    return %arg0, %c0_i32, %c0_i32_0 : i32, i32, i32
  }
  func.func @transform_3(%arg0: i32) -> (i32, i32) {
    %c0_i32 = arith.constant 0 : i32
    %c0_i32_0 = arith.constant 0 : i32
    %c0_i32_1 = arith.constant 0 : i32
    return %c0_i32, %c0_i32_0 : i32, i32
  }
  func.func @transform_4(%arg0: i32) -> (i32, i32) {
    %c0_i32 = arith.constant 0 : i32
    %c0_i32_0 = arith.constant 0 : i32
    %c0_i32_1 = arith.constant 0 : i32
    return %c0_i32, %c0_i32_0 : i32, i32
  }
  func.func @transform_5(%arg0: i32) -> (i32, i32) {
    %c0_i32 = arith.constant 0 : i32
    %c0_i32_0 = arith.constant 0 : i32
    return %arg0, %c0_i32 : i32, i32
  }
}

module attributes {stable_mosaic.version = 14 : i64} {
  func.func @_tc3_body(%arg0: i32, %arg1: memref<2x1000x128xf32, #tpu.memory_space<vmem>>, %arg2: memref<1000x128xf32, #tpu.memory_space<vmem>>, %arg3: memref<1x1000x32xf32, #tpu.memory_space<vmem>>, %arg4: memref<1x128xf32, #tpu.memory_space<vmem>>, %arg5: memref<1x1x1000xi32, #tpu.memory_space<vmem>>, %arg6: memref<128x64xf32, #tpu.memory_space<vmem>>, %arg7: memref<1x64xf32, #tpu.memory_space<vmem>>, %arg8: memref<128x64xf32, #tpu.memory_space<vmem>>, %arg9: memref<1x64xf32, #tpu.memory_space<vmem>>, %arg10: memref<64x64xf32, #tpu.memory_space<vmem>>, %arg11: memref<64x64xf32, #tpu.memory_space<vmem>>, %arg12: memref<64x128xf32, #tpu.memory_space<vmem>>, %arg13: memref<64x128xf32, #tpu.memory_space<vmem>>) attributes {dimension_semantics = [#tpu.dimension_semantics<arbitrary>], iteration_bounds = array<i64: 10>, scalar_prefetch = 0 : i64, scratch_operands = 2 : i64, tpu.core_type = #tpu.core_type<tc>, window_params = [{transform_indices = @transform_0, window_bounds = array<i64: 2, 1000, 128>}, {transform_indices = @transform_1, window_bounds = array<i64: 1000, 128>}, {transform_indices = @transform_2, window_bounds = array<i64: 1, 1000, 32>}, {pipeline_mode = #tpu.pipeline_mode<synchronous>, transform_indices = @transform_3, window_bounds = array<i64: 1, 128>}, {transform_indices = @transform_4, window_bounds = array<i64: 1, 1, 1000>}, {pipeline_mode = #tpu.pipeline_mode<synchronous>, transform_indices = @transform_5, window_bounds = array<i64: 128, 64>}, {pipeline_mode = #tpu.pipeline_mode<synchronous>, transform_indices = @transform_6, window_bounds = array<i64: 1, 64>}, {pipeline_mode = #tpu.pipeline_mode<synchronous>, transform_indices = @transform_7, window_bounds = array<i64: 128, 64>}, {pipeline_mode = #tpu.pipeline_mode<synchronous>, transform_indices = @transform_8, window_bounds = array<i64: 1, 64>}, {pipeline_mode = #tpu.pipeline_mode<synchronous>, transform_indices = @transform_9, window_bounds = array<i64: 64, 64>}, {pipeline_mode = #tpu.pipeline_mode<synchronous>, transform_indices = @transform_10, window_bounds = array<i64: 64, 64>}]} {
    %get3A = arith.constant 0 : index
    %get3A_0 = arith.constant 0 : index
    %get3A_1 = arith.constant 0 : index
    %get3A_2 = vector.load %arg3[%get3A, %get3A_0, %get3A_1] : memref<1x1000x32xf32, #tpu.memory_space<vmem>>, vector<1x1000x32xf32>
    %get3A_3 = vector.shape_cast %get3A_2 : vector<1x1000x32xf32> to vector<1000x32xf32>
    %reduce_sum3A = arith.constant dense<0.000000e+00> : vector<1000xf32>
    %reduce_sum3A_4 = vector.multi_reduction <add>, %get3A_3, %reduce_sum3A [1] : vector<1000x32xf32> to vector<1000xf32>
    %broadcast_in_dim3A = vector.shape_cast %reduce_sum3A_4 : vector<1000xf32> to vector<1000x1xf32>
    %add3A = arith.constant 1.000000e+00 : f32
    %add3A_5 = vector.broadcast %add3A : f32 to vector<1000x1xf32>
    %add3A_6 = arith.addf %add3A_5, %broadcast_in_dim3A : vector<1000x1xf32>
    %max3A = arith.constant 1.000000e+00 : f32
    %max3A_7 = vector.broadcast %max3A : f32 to vector<1000x1xf32>
    %max3A_8 = arith.maximumf %add3A_6, %max3A_7 : vector<1000x1xf32>
    %rsqrt3A = math.rsqrt %max3A_8 : vector<1000x1xf32>
    %get3A_9 = arith.constant 0 : index
    %get3A_10 = arith.constant 0 : index
    %get3A_11 = arith.constant 0 : index
    %get3A_12 = vector.load %arg1[%get3A_9, %get3A_10, %get3A_11] : memref<2x1000x128xf32, #tpu.memory_space<vmem>>, vector<1x1000x128xf32>
    %get3A_13 = vector.shape_cast %get3A_12 : vector<1x1000x128xf32> to vector<1000x128xf32>
    %get3A_14 = arith.constant 1 : index
    %get3A_15 = arith.constant 0 : index
    %get3A_16 = arith.constant 0 : index
    %get3A_17 = vector.load %arg1[%get3A_14, %get3A_15, %get3A_16] : memref<2x1000x128xf32, #tpu.memory_space<vmem>>, vector<1x1000x128xf32>
    %get3A_18 = vector.shape_cast %get3A_17 : vector<1x1000x128xf32> to vector<1000x128xf32>
    %add3A_19 = arith.addf %get3A_13, %get3A_18 : vector<1000x128xf32>
    %get3A_20 = arith.constant 0 : index
    %get3A_21 = arith.constant 0 : index
    %get3A_22 = vector.load %arg2[%get3A_20, %get3A_21] : memref<1000x128xf32, #tpu.memory_space<vmem>>, vector<1000x128xf32>
    %add3A_23 = arith.addf %add3A_19, %get3A_22 : vector<1000x128xf32>
    %mul3A = vector.broadcast %rsqrt3A : vector<1000x1xf32> to vector<1000x128xf32>
    %mul3A_24 = arith.mulf %add3A_23, %mul3A : vector<1000x128xf32>
    %get3A_25 = arith.constant 0 : index
    %get3A_26 = arith.constant 0 : index
    %get3A_27 = vector.load %arg4[%get3A_25, %get3A_26] : memref<1x128xf32, #tpu.memory_space<vmem>>, vector<1x128xf32>
    %add3A_28 = vector.broadcast %get3A_27 : vector<1x128xf32> to vector<1000x128xf32>
    %add3A_29 = arith.addf %mul3A_24, %add3A_28 : vector<1000x128xf32>
    %max3A_30 = arith.constant 0.000000e+00 : f32
    %max3A_31 = vector.broadcast %max3A_30 : f32 to vector<1000x128xf32>
    %max3A_32 = arith.maximumf %add3A_29, %max3A_31 : vector<1000x128xf32>
    %get3A_33 = arith.constant 0 : index
    %get3A_34 = arith.constant 0 : index
    %get3A_35 = arith.constant 0 : index
    %get3A_36 = vector.load %arg5[%get3A_33, %get3A_34, %get3A_35] : memref<1x1x1000xi32, #tpu.memory_space<vmem>>, vector<1x1x1000xi32>
    %get3A_37 = vector.shape_cast %get3A_36 : vector<1x1x1000xi32> to vector<1000xi32>
    %iota3A = tpu.iota {dimensions = array<i32: 1>} : vector<1000x64xi32>
    %broadcast_in_dim3A_38 = vector.shape_cast %get3A_37 : vector<1000xi32> to vector<1000x1xi32>
    %eq3A = vector.broadcast %broadcast_in_dim3A_38 : vector<1000x1xi32> to vector<1000x64xi32>
    %eq3A_39 = arith.cmpi eq, %eq3A, %iota3A : vector<1000x64xi32>
    %convert_element_type3A = arith.extui %eq3A_39 : vector<1000x64xi1> to vector<1000x64xi32>
    %convert_element_type3A_40 = arith.sitofp %convert_element_type3A : vector<1000x64xi32> to vector<1000x64xf32>
    %eq3A_41 = arith.constant 0 : i32
    %eq3A_42 = arith.cmpi eq, %arg0, %eq3A_41 : i32
    %convert_element_type3A_43 = arith.extui %eq3A_42 : i1 to i32
    %cond3A = arith.constant 0 : i32
    %cond3A_44 = arith.cmpi ne, %convert_element_type3A_43, %cond3A : i32
    scf.if %cond3A_44 {
      %broadcast_in_dim3A_68 = arith.constant 0.000000e+00 : f32
      %broadcast_in_dim3A_69 = vector.broadcast %broadcast_in_dim3A_68 : f32 to vector<64x128xf32>
      %swap3A_70 = arith.constant 0 : index
      %swap3A_71 = arith.constant 0 : index
      %swap3A_72 = vector.load %arg12[%swap3A_70, %swap3A_71] : memref<64x128xf32, #tpu.memory_space<vmem>>, vector<64x128xf32>
      tpu.vector_store %arg12[%swap3A_70, %swap3A_71], %broadcast_in_dim3A_69 {strides = array<i32>} : memref<64x128xf32, #tpu.memory_space<vmem>>, vector<64x128xf32>,
      %broadcast_in_dim3A_73 = arith.constant 0.000000e+00 : f32
      %broadcast_in_dim3A_74 = vector.broadcast %broadcast_in_dim3A_73 : f32 to vector<64x128xf32>
      %swap3A_75 = arith.constant 0 : index
      %swap3A_76 = arith.constant 0 : index
      %swap3A_77 = vector.load %arg13[%swap3A_75, %swap3A_76] : memref<64x128xf32, #tpu.memory_space<vmem>>, vector<64x128xf32>
      tpu.vector_store %arg13[%swap3A_75, %swap3A_76], %broadcast_in_dim3A_74 {strides = array<i32>} : memref<64x128xf32, #tpu.memory_space<vmem>>, vector<64x128xf32>,
    } else {
    }
    %get3A_45 = arith.constant 0 : index
    %get3A_46 = arith.constant 0 : index
    %get3A_47 = vector.load %arg12[%get3A_45, %get3A_46] : memref<64x128xf32, #tpu.memory_space<vmem>>, vector<64x128xf32>
    %dot_general3A = arith.constant dense<0.000000e+00> : vector<64x128xf32>
    %dot_general3A_48 = tpu.matmul %convert_element_type3A_40, %max3A_32, %dot_general3A {dimension_numbers = #tpu.dot_dimension_numbers<[0], [0], [1], [1], [0, 1, 1, 1], [], []>, transpose_lhs_hint = false} : vector<1000x64xf32>, vector<1000x128xf32>, vector<64x128xf32> -> vector<64x128xf32>
    %add3A_49 = arith.addf %get3A_47, %dot_general3A_48 : vector<64x128xf32>
    %swap3A = arith.constant 0 : index
    %swap3A_50 = arith.constant 0 : index
    %swap3A_51 = vector.load %arg12[%swap3A, %swap3A_50] : memref<64x128xf32, #tpu.memory_space<vmem>>, vector<64x128xf32>
    tpu.vector_store %arg12[%swap3A, %swap3A_50], %add3A_49 {strides = array<i32>} : memref<64x128xf32, #tpu.memory_space<vmem>>, vector<64x128xf32>,
    %get3A_52 = arith.constant 0 : index
    %get3A_53 = arith.constant 0 : index
    %get3A_54 = vector.load %arg13[%get3A_52, %get3A_53] : memref<64x128xf32, #tpu.memory_space<vmem>>, vector<64x128xf32>
    %broadcast_in_dim3A_55 = arith.constant 1.000000e+00 : f32
    %broadcast_in_dim3A_56 = vector.broadcast %broadcast_in_dim3A_55 : f32 to vector<1000x128xf32>
    %dot_general3A_57 = arith.constant dense<0.000000e+00> : vector<64x128xf32>
    %dot_general3A_58 = tpu.matmul %convert_element_type3A_40, %broadcast_in_dim3A_56, %dot_general3A_57 {dimension_numbers = #tpu.dot_dimension_numbers<[0], [0], [1], [1], [0, 1, 1, 1], [], []>, transpose_lhs_hint = false} : vector<1000x64xf32>, vector<1000x128xf32>, vector<64x128xf32> -> vector<64x128xf32>
    %add3A_59 = arith.addf %get3A_54, %dot_general3A_58 : vector<64x128xf32>
    %swap3A_60 = arith.constant 0 : index
    %swap3A_61 = arith.constant 0 : index
    %swap3A_62 = vector.load %arg13[%swap3A_60, %swap3A_61] : memref<64x128xf32, #tpu.memory_space<vmem>>, vector<64x128xf32>
    tpu.vector_store %arg13[%swap3A_60, %swap3A_61], %add3A_59 {strides = array<i32>} : memref<64x128xf32, #tpu.memory_space<vmem>>, vector<64x128xf32>,
    %eq3A_63 = arith.constant 9 : i32
    %eq3A_64 = arith.cmpi eq, %arg0, %eq3A_63 : i32
    %convert_element_type3A_65 = arith.extui %eq3A_64 : i1 to i32
    %cond3A_66 = arith.constant 0 : i32
    %cond3A_67 = arith.cmpi ne, %convert_element_type3A_65, %cond3A_66 : i32
    scf.if %cond3A_67 {
      %get3A_68 = arith.constant 0 : index
      %get3A_69 = arith.constant 0 : index
      %get3A_70 = vector.load %arg12[%get3A_68, %get3A_69] : memref<64x128xf32, #tpu.memory_space<vmem>>, vector<64x128xf32>
      %get3A_71 = arith.constant 0 : index
      %get3A_72 = arith.constant 0 : index
      %get3A_73 = vector.load %arg13[%get3A_71, %get3A_72] : memref<64x128xf32, #tpu.memory_space<vmem>>, vector<64x128xf32>
      %max3A_74 = arith.constant 1.000000e+00 : f32
      %max3A_75 = vector.broadcast %max3A_74 : f32 to vector<64x128xf32>
      %max3A_76 = arith.maximumf %get3A_73, %max3A_75 : vector<64x128xf32>
      %div3A = arith.divf %get3A_70, %max3A_76 : vector<64x128xf32>
      %get3A_77 = arith.constant 0 : index
      %get3A_78 = arith.constant 0 : index
      %get3A_79 = vector.load %arg6[%get3A_77, %get3A_78] : memref<128x64xf32, #tpu.memory_space<vmem>>, vector<128x64xf32>
      %dot_general3A_80 = arith.constant dense<0.000000e+00> : vector<64x64xf32>
      %dot_general3A_81 = tpu.matmul %div3A, %get3A_79, %dot_general3A_80 {dimension_numbers = #tpu.dot_dimension_numbers<[1], [0], [0], [1], [0, 0, 1, 1], [], []>, transpose_lhs_hint = false} : vector<64x128xf32>, vector<128x64xf32>, vector<64x64xf32> -> vector<64x64xf32>
      %get3A_82 = arith.constant 0 : index
      %get3A_83 = arith.constant 0 : index
      %get3A_84 = vector.load %arg7[%get3A_82, %get3A_83] : memref<1x64xf32, #tpu.memory_space<vmem>>, vector<1x64xf32>
      %add3A_85 = vector.broadcast %get3A_84 : vector<1x64xf32> to vector<64x64xf32>
      %add3A_86 = arith.addf %dot_general3A_81, %add3A_85 : vector<64x64xf32>
      %swap3A_87 = arith.constant 0 : index
      %swap3A_88 = arith.constant 0 : index
      %swap3A_89 = vector.load %arg10[%swap3A_87, %swap3A_88] : memref<64x64xf32, #tpu.memory_space<vmem>>, vector<64x64xf32>
      tpu.vector_store %arg10[%swap3A_87, %swap3A_88], %add3A_86 {strides = array<i32>} : memref<64x64xf32, #tpu.memory_space<vmem>>, vector<64x64xf32>,
      %get3A_90 = arith.constant 0 : index
      %get3A_91 = arith.constant 0 : index
      %get3A_92 = vector.load %arg8[%get3A_90, %get3A_91] : memref<128x64xf32, #tpu.memory_space<vmem>>, vector<128x64xf32>
      %dot_general3A_93 = arith.constant dense<0.000000e+00> : vector<64x64xf32>
      %dot_general3A_94 = tpu.matmul %div3A, %get3A_92, %dot_general3A_93 {dimension_numbers = #tpu.dot_dimension_numbers<[1], [0], [0], [1], [0, 0, 1, 1], [], []>, transpose_lhs_hint = false} : vector<64x128xf32>, vector<128x64xf32>, vector<64x64xf32> -> vector<64x64xf32>
      %get3A_95 = arith.constant 0 : index
      %get3A_96 = arith.constant 0 : index
      %get3A_97 = vector.load %arg9[%get3A_95, %get3A_96] : memref<1x64xf32, #tpu.memory_space<vmem>>, vector<1x64xf32>
      %add3A_98 = vector.broadcast %get3A_97 : vector<1x64xf32> to vector<64x64xf32>
      %add3A_99 = arith.addf %dot_general3A_94, %add3A_98 : vector<64x64xf32>
      %swap3A_100 = arith.constant 0 : index
      %swap3A_101 = arith.constant 0 : index
      %swap3A_102 = vector.load %arg11[%swap3A_100, %swap3A_101] : memref<64x64xf32, #tpu.memory_space<vmem>>, vector<64x64xf32>
      tpu.vector_store %arg11[%swap3A_100, %swap3A_101], %add3A_99 {strides = array<i32>} : memref<64x64xf32, #tpu.memory_space<vmem>>, vector<64x64xf32>,
    } else {
    }
    return
  }
  func.func @transform_0(%arg0: i32) -> (i32, i32, i32) {
    %c0_i32 = arith.constant 0 : i32
    %c0_i32_0 = arith.constant 0 : i32
    %c0_i32_1 = arith.constant 0 : i32
    return %c0_i32, %arg0, %c0_i32_0 : i32, i32, i32
  }
  func.func @transform_1(%arg0: i32) -> (i32, i32) {
    %c0_i32 = arith.constant 0 : i32
    %c0_i32_0 = arith.constant 0 : i32
    return %arg0, %c0_i32 : i32, i32
  }
  func.func @transform_2(%arg0: i32) -> (i32, i32, i32) {
    %c0_i32 = arith.constant 0 : i32
    %c0_i32_0 = arith.constant 0 : i32
    %c0_i32_1 = arith.constant 0 : i32
    return %arg0, %c0_i32, %c0_i32_0 : i32, i32, i32
  }
  func.func @transform_3(%arg0: i32) -> (i32, i32) {
    %c0_i32 = arith.constant 0 : i32
    %c0_i32_0 = arith.constant 0 : i32
    %c0_i32_1 = arith.constant 0 : i32
    return %c0_i32, %c0_i32_0 : i32, i32
  }
  func.func @transform_4(%arg0: i32) -> (i32, i32, i32) {
    %c0_i32 = arith.constant 0 : i32
    %c0_i32_0 = arith.constant 0 : i32
    %c0_i32_1 = arith.constant 0 : i32
    return %arg0, %c0_i32, %c0_i32_0 : i32, i32, i32
  }
  func.func @transform_5(%arg0: i32) -> (i32, i32) {
    %c0_i32 = arith.constant 0 : i32
    %c0_i32_0 = arith.constant 0 : i32
    %c0_i32_1 = arith.constant 0 : i32
    return %c0_i32, %c0_i32_0 : i32, i32
  }
  func.func @transform_6(%arg0: i32) -> (i32, i32) {
    %c0_i32 = arith.constant 0 : i32
    %c0_i32_0 = arith.constant 0 : i32
    %c0_i32_1 = arith.constant 0 : i32
    return %c0_i32, %c0_i32_0 : i32, i32
  }
  func.func @transform_7(%arg0: i32) -> (i32, i32) {
    %c0_i32 = arith.constant 0 : i32
    %c0_i32_0 = arith.constant 0 : i32
    %c0_i32_1 = arith.constant 0 : i32
    return %c0_i32, %c0_i32_0 : i32, i32
  }
  func.func @transform_8(%arg0: i32) -> (i32, i32) {
    %c0_i32 = arith.constant 0 : i32
    %c0_i32_0 = arith.constant 0 : i32
    %c0_i32_1 = arith.constant 0 : i32
    return %c0_i32, %c0_i32_0 : i32, i32
  }
  func.func @transform_9(%arg0: i32) -> (i32, i32) {
    %c0_i32 = arith.constant 0 : i32
    %c0_i32_0 = arith.constant 0 : i32
    %c0_i32_1 = arith.constant 0 : i32
    return %c0_i32, %c0_i32_0 : i32, i32
  }
  func.func @transform_10(%arg0: i32) -> (i32, i32) {
    %c0_i32 = arith.constant 0 : i32
    %c0_i32_0 = arith.constant 0 : i32
    %c0_i32_1 = arith.constant 0 : i32
    return %c0_i32, %c0_i32_0 : i32, i32
  }
}

</mosaic_0001>

<sc_bundles>
// kernel: kernel.11.cloned.1.call-start
scs
__scs_entry_jumppad:
0x0: {  	(pc) =	sbr.rel $0x88, $3  }
0x1: {  	(tag) =	ssettag $0x0;
	lr =	simm.s32 $0x1  }
0x2: {  	[smem:$0x3F96] =	sst lr;
	_ =	strace $0xD0000000  }
0x3: {  	_ = 	snop  }
0x4: {  	_ = 	snop  }
0x5: {  	_ = 	snop  }
0x6: {  	_ = 	snop  }
0x7: {  	_ = 	snop  }
__scs_overlays_trampoline_lowered:
0x8: {  	[smem:$0x3FA5] =	sst s0  }
0x9: {  	[smem:$0x3FA6] =	sst s1  }
0xa: {  	[smem:$0x3FA7] =	sst s2  }
0xb: {  	[smem:$0x3FA8] =	sst s3  }
0xc: {  	[smem:$0x3FA9] =	sst s4  }
0xd: {  	[smem:$0x3FAA] =	sst s5  }
0xe: {  	[smem:$0x3FAB] =	sst s6  }
0xf: {  	[smem:$0x3FAC] =	sst s7  }
0x10: {  	[smem:$0x3FAD] =	sst s8  }
0x11: {  	[smem:$0x3FAE] =	sst s9;
	s0 =	simm.s32 @!p0 $0x0  }
0x12: {  	s1 =	sld [smem:$0x3F94];
	s0 =	simm.s32 @p0 $0x1  }
0x13: {  	[smem:$0x3FAF] =	sst s0;
	s0 =	simm.s32 @!p1 $0x0  }
0x14: {  	s2 =	sld [smem:$0x3F93];
	s0 =	simm.s32 @p1 $0x1  }
0x15: {  	[smem:$0x3FB0] =	sst s0;
	s0 =	simm.s32 @!p2 $0x0  }
0x16: {  	s3 =	sld [smem:$0x3FDB];
	s0 =	simm.s32 @p2 $0x1  }
0x17: {  	s4 =	simm.s32 $0x1BF5;
	[smem:$0x3FB2] =	sst s0  }
0x18: {  	s0 =	sld [smem:$0x3F95];
	_ =	swait.ge [sflag:s4], $0x0  }
0x19: {  	s7 =	sld [smem:$0x3F96]  }
0x1a: {  	s8 =	sadd.s32 $0xFFFFE003, lr  }
0x1b: {  	s9 =	sadd.s32 $0xFFFFFEF7, lr;
	s5 =	simm.s32 $0xFFFFFFFF;
	p2 =	slt.u32 s8, $0xFFFFF086  }
0x1c: {  	p1 =	slt.u32 s9, $0xF7A;
	s5 =	simm.s32 @!p2 $0x0  }
0x1d: {  	s5 =	simm.s32 @p1 $0x1;
	p0 =	seq.s32 s7, s2  }
0x1e: {  	s7 =	smul.u32 @!p0 $0xF7A, s2;
	p2 =	seq.s32 @!p0 s5, $0x0  }
0x1f: {  	s9 =	smul.u32 $0xF7A, s1;
	s8 =	simm.s32 @!p0 $0x1BF5;
	p2 =	por !p2, p0  }
0x20: {  	[sflag:s8] =	ssyncset.s32 @!p0 $0xFFFFF086;
	s6 =	sadd.s32 @!p0 s3, s7;
	s7 =	simm.s32 @!p0 $0x108  }
0x21: {  	s3 =	sadd.s32 s3, s9;
	s6 =	sadd.s32 @!p0 $0x88, s6;
	s7 =	simm.s32 @p2 $0x1082  }
0x22: {  	[simem:s7], [sflag:s8] =	dma.local @!p0 [hbm:s6], $0xF7A  }
0x23: {  	s9 =	sor.u32 $0xD0000000, s2;
	s6 =	simm.s32 $0x108;
	_ =	swait.ge @!p0 [sflag:s8], $0x0  }
0x24: {  	s3 =	sadd.s32 $0x88, s3;
	s6 =	simm.s32 @!p1 $0x1082;
	[sflag:s4] =	ssyncset.s32 $0xFFFFF086  }
0x25: {  	[simem:s6], [sflag:s4] =	dma.local [hbm:s3], $0xF7A  }
0x26: {  	[smem:$0x3F96] =	sst s1;
	(tag) =	ssettag s2;
	_ =	strace s9  }
0x27: {  	s1 =	sld [smem:$0x3FA6]  }
0x28: {  	s2 =	sld [smem:$0x3FA7]  }
0x29: {  	s4 =	sld [smem:$0x3FA9]  }
0x2a: {  	p0 =	seq.s32 s5, $0x0;
	s5 =	sld [smem:$0x3FAA]  }
0x2b: {  	s6 =	sld [smem:$0x3FAB]  }
0x2c: {  	s7 =	sld [smem:$0x3FAC]  }
0x2d: {  	s3 =	simm.s32 $0x108;
	s8 =	sld [smem:$0x3FAD]  }
0x2e: {  	s3 =	simm.s32 @!p0 $0x1082;
	s9 =	sld [smem:$0x3FAE]  }
0x2f: {  	lr =	sadd.s32 s0, s3;
	s0 =	sld [smem:$0x3FA5]  }
0x30: {  	s3 =	sld [smem:$0x3FA8]  }
0x31: {  	[smem:$0x3FB1] =	sst s10  }
0x32: {  	s10 =	sld [smem:$0x3FAF];
	_ =	sdelay $0x3  }
0x33: {  	p0 =	seq.s32 s10, $0x1;
	s10 =	sld [smem:$0x3FB1];
	_ =	sdelay $0x3  }
0x34: {  	[smem:$0x3FB1] =	sst s10  }
0x35: {  	s10 =	sld [smem:$0x3FB0];
	_ =	sdelay $0x3  }
0x36: {  	p1 =	seq.s32 s10, $0x1;
	s10 =	sld [smem:$0x3FB1];
	_ =	sdelay $0x3  }
0x37: {  	[smem:$0x3FB1] =	sst s10  }
0x38: {  	s10 =	sld [smem:$0x3FB2]  }
0x39: {  	_ = 	snop;
	(pc) =	sbr.ind lr, $3  }
0x3a: {  	_ = 	snop  }
0x3b: {  	_ = 	snop  }
0x3c: {  	p2 =	seq.s32 s10, $0x1;
	s10 =	sld [smem:$0x3FB1]  }
0x3d: {  	_ =	shalt  }
0x3e: {  	_ =	shalt  }
0x3f: {  	_ =	shalt  }
0x40: {  	_ =	shalt  }
0x41: {  	_ =	shalt  }
0x42: {  	_ =	shalt  }
0x43: {  	_ =	shalt  }
0x44: {  	_ =	shalt  }
0x45: {  	_ =	shalt  }
0x46: {  	_ =	shalt  }
0x47: {  	_ =	shalt  }
0x48: {  	_ =	shalt  }
0x49: {  	_ =	shalt  }
0x4a: {  	_ =	shalt  }
0x4b: {  	_ =	shalt  }
0x4c: {  	_ =	shalt  }
0x4d: {  	_ =	shalt  }
0x4e: {  	_ =	shalt  }
0x4f: {  	_ =	shalt  }
0x50: {  	_ =	shalt  }
0x51: {  	_ =	shalt  }
0x52: {  	_ =	shalt  }
0x53: {  	_ =	shalt  }
0x54: {  	_ =	shalt  }
0x55: {  	_ =	shalt  }
0x56: {  	_ =	shalt  }
0x57: {  	_ =	shalt  }
0x58: {  	_ =	shalt  }
0x59: {  	_ =	shalt  }
0x5a: {  	_ =	shalt  }
0x5b: {  	_ =	shalt  }
0x5c: {  	_ =	shalt  }
0x5d: {  	_ =	shalt  }
0x5e: {  	_ =	shalt  }
0x5f: {  	_ =	shalt  }
0x60: {  	_ =	shalt  }
0x61: {  	_ =	shalt  }
0x62: {  	_ =	shalt  }
0x63: {  	_ =	shalt  }
0x64: {  	_ =	shalt  }
0x65: {  	_ =	shalt  }
0x66: {  	_ =	shalt  }
0x67: {  	_ =	shalt  }
0x68: {  	_ =	shalt  }
0x69: {  	_ =	shalt  }
0x6a: {  	_ =	shalt  }
0x6b: {  	_ =	shalt  }
0x6c: {  	_ =	shalt  }
0x6d: {  	_ =	shalt  }
0x6e: {  	_ =	shalt  }
0x6f: {  	_ =	shalt  }
0x70: {  	_ =	shalt  }
0x71: {  	_ =	shalt  }
0x72: {  	_ =	shalt  }
0x73: {  	_ =	shalt  }
0x74: {  	_ =	shalt  }
0x75: {  	_ =	shalt  }
0x76: {  	_ =	shalt  }
0x77: {  	_ =	shalt  }
0x78: {  	_ =	shalt  }
0x79: {  	_ =	shalt  }
0x7a: {  	_ =	shalt  }
0x7b: {  	_ =	shalt  }
0x7c: {  	_ =	shalt  }
0x7d: {  	_ =	shalt  }
0x7e: {  	_ =	shalt  }
0x7f: {  	_ =	shalt  }
0x80: {  	_ =	shalt  }
0x81: {  	_ =	shalt  }
0x82: {  	_ =	shalt  }
0x83: {  	_ =	shalt  }
0x84: {  	_ =	shalt  }
0x85: {  	_ =	shalt  }
0x86: {  	_ =	shalt  }
0x87: {  	_ =	shalt  }
.Lfunc_end0:
.L_simem_size_0:
called_computation.1_lowered:
.L_overlay_start_0:
0x88: {  	s2 =	sld [smem:$0x3FD9]  }
0x89: {  	s3 =	sld [smem:$0x3FFE];
	_ =	sdelay $0x1  }
0x8a: {  	s1 =	srdreg.scid  }
0x8b: {  	s0 =	sand.u32 $0x1, s1  }
0x8c: {  	s16 =	sshll.u32 s0, $0xA;
	s2 =	sadd.s32 s3, s2  }
0x8d: {  	s2 =	sadd.s32 s2, s16  }
0x8e: {  	[smem:$0x3FBD] =	sst s2  }
0x8f: {  	_ = 	snop  }
0x90: {  	(tm) =	ssettm $0x1  }
0x91: {  	s17 =	sld [smem:$0x3FFB];
	_ =	sdelay $0x3  }
0x92: {  	_ =	strace s17  }
0x93: {  	s2 =	sld [smem:$0x3FFC];
	_ =	sdelay $0x3  }
0x94: {  	_ =	strace s2  }
0x95: {  	s2 =	sld [smem:$0x3FFD];
	_ =	sdelay $0x3  }
0x96: {  	_ =	strace s2  }
0x97: {  	_ =	strace $0x8FFFFFFF  }
0x98: {  	s18 =	sld [smem:$0x3FDB];
	_ =	sdelay $0x1  }
0x99: {  	s19 =	simm.s32 $_scs_section_size  }
0x9a: {  	s4 =	simm.s32 $_size__tile_overlayer_lowered;
	s5 =	simm.s32 $_tile_overlayer_lowered  }
0x9b: {  	s22 =	simm.s32 $0x1BFF;
	s21 =	sshll.u32 s5, $0x1;
	s2 =	sadd.s32 s19, s18  }
0x9c: {  	s6 =	simm.s32 $0x0;
	s20 =	sshll.u32 s4, $0x1;
	s4 =	sadd.s32 s21, s2  }
0x9d: {  	[timem:s6], [sflag:s22] =	dma.local [hbm:s4], s20  }
0x9e: {  	_ =	swait.ge [sflag:s22], s20  }
0x9f: {  	s3 =	ssub.s32 $0x0, s20;
	[sflag:s22] =	ssyncset.done $0x0  }
0xa0: {  	[sflag:s22] =	ssyncadd.s32 s3;
	_ =	sdelay $0x1  }
0xa1: {  	s23 =	simm.s32 $0x1B8B  }
0xa2: {  	_ =	swait.ge [sflag:s23], $0x1  }
0xa3: {  	[sflag:s23] =	ssyncset.done $0x0  }
0xa4: {  	s25 =	simm.s32 $0x1B8E;
	s24 =	sld [smem:$0x3FFE];
	[sflag:s23] =	ssyncadd.s32 $0xFFFFFFFF  }
0xa5: {  	s26 =	simm.s32 $execute0_lowered;
	[smem:$0x3FD2] =	sst s25  }
0xa6: {  	s4 =	sshll.u32 s26, $0x1;
	_ =	strace $0x80000049;
	[dreg:$0x1] =	wrdreg $0xFFFFFFFF  }
0xa7: {  	s28 =	simm.s32 $_size_execute0_lowered;
	s2 =	sadd.s32 s2, s4;
	[dreg:$0x0] =	wrdreg $0x0  }
0xa8: {  	s4 =	sshll.u32 s28, $0x1;
	[dreg:$0x2] =	wrdreg s2  }
0xa9: {  	[dreg:$0x3] =	wrdreg s4  }
0xaa: {  	[dreg:$0x4] =	wrdreg $0xC0  }
0xab: {  	_ =	task [dreg:s6], $0x5FFFF  }
0xac: {  	[dreg:$0x1] =	wrdreg $0xFFFFFFFF  }
0xad: {  	[dreg:$0x0] =	wrdreg $0x60  }
0xae: {  	[dreg:$0x2] =	wrdreg s24  }
0xaf: {  	[dreg:$0x3] =	wrdreg $0xBA000  }
0xb0: {  	[dreg:$0x4] =	wrdreg $0x9  }
0xb1: {  	_ =	task.clear_ibuf [dreg:s6], $0x5FFFF;
	_ =	strace $0x90000049  }
0xb2: {  	s29 =	simm.s32 $0x9;
	_ =	strace $0x8000004B  }
0xb3: {  	_ =	swait.ge [sflag:s29], $0x1  }
0xb4: {  	[sflag:s29] =	ssyncadd.s32 $0xFFFFFFFF  }
0xb5: {  	_ =	strace $0x9000004B  }
0xb6: {  	_ =	sfence  }
0xb7: {  	s30 =	sld [smem:$0x0];
	_ =	sdelay $0x2  }
0xb8: {  	s31 =	sshll.u32 s1, $0xD;
	s1 =	sshrl.u32 s1, $0x2  }
0xb9: {  	s3 =	sand.u32 $0x4000, s31;
	s1 =	sadd.s32 s1, s30  }
0xba: {  	s0 =	sor.u32 s3, s0;
	s1 =	sshll.u32 s1, $0x11  }
0xbb: {  	s0 =	sor.u32 s1, s0  }
0xbc: {  	s0 =	sadd.s32 $0x8F2B, s0  }
0xbd: {  	[sflag:s0] =	ssyncadd.remote.s32 $0x1  }
0xbe: {  	_ =	sfence.sel $0xFFFF  }
0xbf: {  	[dreg:$0x0] =	wrdreg $0xFFFFFFFF;
	(pc) =	sbr.abs _section_cstart, $3  }
0xc0: {  	[dreg:$0x1] =	wrdreg $0xFFFFFFFF  }
0xc1: {  	_ =	task.clear_ibuf [dreg:s6], $0x2FFFF;
	_ =	strace $0x9FFFFFFF  }
0xc2: {  	(tm) =	ssettm $0x7FFFFFFF  }
0xc3: {  	_ =	shalt  }
tec
execute0_lowered:
.L_overlay_start_1:
0x0: {  	(tag) =	ssettag $0x1  }
0x1: {  	s0 =	rddreg [dreg:$0x0]  }
0x2: {  	s1 =	srdreg.scid;
	s2 =	rddreg [dreg:$0x1]  }
0x3: {  	s11 =	stileid.u32;
	s3 =	simm.s32 $0x0;
	s28 =	simm.s32 $0x6A00  }
0x4: {  	s29 =	simm.s32 $0x4100;
	s31 =	simm.s32 $0x9200;
	s8 =	smul.u32 $0x1F400, s11  }
0x5: {  	s30 =	simm.s32 $0x5;
	s1 =	sand.u32 $0x1, s1;
	s14 =	smul.u32 $0x7D000, s11  }
0x6: {  	[smem:$0x7FF] =	sst s3;
	s10 =	sadd.s32 $0xCC00, s0;
	s16 =	smul.u32 $0x2710, s11  }
0x7: {  	p0 =	sgt.u32 s11, $0x9;
	s4 =	sshll.u32 s1, $0x4;
	s7 =	smul.u32 $0x138800, s1  }
0x8: {  	_ =	strace $0x8000004A;
	[dreg:$0x3] =	wrdreg s10;
	s12 =	ssub.s32 $0x2, s1  }
0x9: {  	s1 =	smul.u32 $0x27100, s1;
	s6 =	sor.u32 s11, s4;
	s4 =	sadd.s32 $0x26A00, s0  }
0xa: {  	s13 =	sshrl.u32 s12, $0x1;
	s15 =	sshrl.u32 s14, $0x2;
	s5 =	sshll.u32 s6, $0xB  }
0xb: {  	s7 =	sadd.s32 s8, s7;
	s6 =	smul.u32 $0x2710, s6;
	s10 =	sadd.s32 s15, s2  }
0xc: {  	s20 =	sadd.s32 s16, s1;
	s9 =	sadd.s32 s5, s0;
	s5 =	sadd.s32 $0x2E00, s0  }
0xd: {  	s7 =	sshrl.u32 s7, $0x3;
	s23 =	sadd.s32 $0x190, s20;
	s25 =	sadd.s32 $0x140, s20  }
0xe: {  	s0 =	sadd.s32 s7, s0;
	s7 =	ssub.s32 s12, s13;
	s6 =	sshrl.u32 s6, $0x3  }
0xf: {  	s17 =	sadd.s32 $0x16A00, s9;
	s1 =	sshrl.u32 s23, $0x3;
	s26 =	sshrl.u32 s25, $0x3  }
0x10: {  	s23 =	simm.s32 $0x50;
	s25 =	simm.s32 $0x4080;
	s9 =	simm.s32 $0x6  }
0x11: {  	s13 =	simm.s32 $0x0;
	s12 =	sadd.s32 s5, s6;
	[dreg:$0x5] =	wrdreg s17  }
0x12: {  	s0 =	sadd.s32 $0x4DC00, s0;
	s21 =	smax.u32 s7, $0x1;
	s15 =	sadd.s32 s1, s5  }
0x13: {  	s16 =	sadd.s32 s26, s5;
	s17 =	sadd.s32 $0xF0, s20;
	[dreg:$0x8] =	wrdreg s0  }
0x14: {  	s20 =	sshrl.u32 @!p0 s10, $0x3;
	s1 =	simm.s32 $0x4;
	[dreg:$0x9] =	wrdreg s21  }
0x15: {  	s26 =	simm.s32 $0x2;
	s18 =	sadd.s32 $0xA, s12;
	[dreg:$0x4] =	wrdreg s12  }
0x16: {  	s6 =	simm.s32 $0x3;
	s19 =	sadd.s32 $0x14, s12;
	[dreg:$0x6] =	wrdreg s18  }
0x17: {  	s10 =	simm.s32 $0x7;
	s22 =	sadd.s32 $0x4CE, s12;
	[dreg:$0x7] =	wrdreg s19  }
0x18: {  	s24 =	sadd.s32 $0x4D8, s12;
	s0 =	sshll.u32 @!p0 s11, $0x6;
	[dreg:$0xa] =	wrdreg s22  }
0x19: {  	s11 =	simm.s32 $0x8;
	s12 =	simm.s32 $0x9;
	[dreg:$0xb] =	wrdreg s24  }
0x1a: {  	[dreg:$0xc] =	wrdreg s0;
	s0 =	sor.u32 @!p0 $0x1C0A, s0;
	s22 =	simm.s32 $0x4000  }
0x1b: {  	s24 =	simm.s32 $0x4200;
	[dreg:$0xd] =	wrdreg s0;
	s0 =	simm.s32 $0x1  }
.LBB2_1:
0x1c: {  	s8 =	rddreg [dreg:$0x5]  }
0x1d: {  	s7 =	simm.s32 @p0 $0x0;
	s14 =	rddreg [dreg:$0xd]  }
0x1e: {  	[tilespmem:s7], [sflag:$0xB] =	stream.linear.gather @p0 [hbm4b:s8+s7], $0x3E80, $0x38;
	[tilespmem:$0x1F280] =	vst v63  }
0x1f: {  	s7 =	rddreg [dreg:$0x3]  }
0x20: {  	[spmem:s20], [sflag:s14] =	dma.local @!p0 [hbm:s7], $0x3E80  }
0x21: {  	s7 =	simm.s32 @!p0 $0x0  }
0x22: {  	[tilespmem:s7], [sflag:$0xB] =	stream.linear.gather @!p0 [hbm4b:s8+s7], $0x3E80, $0x38;
	[tilespmem:$0x1F280] =	vst v63  }
0x23: {  	s7 =	simm.s32 @!p0 $0xA  }
0x24: {  	_ =	swait.ge @!p0 [sflag:s7], $0x3E80  }
0x25: {  	[sflag:s7] =	ssyncset.done @!p0 $0x0  }
0x26: {  	s14 =	simm.s32 $0xB;
	[sflag:s7] =	ssyncadd.s32 @!p0 $0xFFFFC180  }
0x27: {  	_ =	swait.ge [sflag:s14], $0x3E80  }
0x28: {  	[sflag:s14] =	ssyncset.done $0x0  }
0x29: {  	[sflag:s14] =	ssyncadd.s32 $0xFFFFC180  }
0x2a: {  	[bflag:$0x0] =	sbarrier.arrive $0xFFFF  }
0x2b: {  	s18 =	rddreg [dreg:$0x4]  }
0x2c: {  	[tilespmem:s22], [sflag:$0x1] =	stream.linear.gather [hbm4b:s18+s3], $0x50, $0x38;
	[tilespmem:$0x1F280] =	vst v63  }
0x2d: {  	_ = 	snop  }
0x2e: {  	[tilespmem:s24], [sflag:$0x4] =	stream.indirect.gather [hbm4b:s4+s23], $0x80, s3, s23, $0xb8;
	[tilespmem:$0x1F280] =	vst v63  }
0x2f: {  	s19 =	rddreg [dreg:$0x6]  }
0x30: {  	[tilespmem:s25], [sflag:$0x2] =	stream.linear.gather [hbm4b:s19+s3], $0x50, $0x38;
	[tilespmem:$0x1F280] =	vst v63  }
0x31: {  	s21 =	simm.s32 $0x80  }
0x32: {  	[tilespmem:s28], [sflag:$0x5] =	stream.indirect.gather [hbm4b:s4+s23], $0x80, s21, s23, $0xb8;
	[tilespmem:$0x1F280] =	vst v63  }
0x33: {  	s8 =	rddreg [dreg:$0x7]  }
0x34: {  	[tilespmem:s29], [sflag:$0x3] =	stream.linear.gather [hbm4b:s8+s3], $0x50, $0x38;
	[tilespmem:$0x1F280] =	vst v63  }
0x35: {  	s14 =	simm.s32 $0x100  }
0x36: {  	[tilespmem:s31], [sflag:$0x6] =	stream.indirect.gather [hbm4b:s4+s23], $0x80, s14, s23, $0xb8;
	[tilespmem:$0x1F280] =	vst v63  }
0x37: {  	_ =	swait.ge [sflag:s0], $0x50  }
0x38: {  	[sflag:s0] =	ssyncset.done $0x0  }
0x39: {  	[sflag:s0] =	ssyncadd.s32 $0xFFFFFFB0  }
0x3a: {  	_ =	swait.ge [sflag:s1], $0x2800  }
0x3b: {  	[sflag:s1] =	ssyncset.done $0x0  }
0x3c: {  	[sflag:s1] =	ssyncadd.s32 $0xFFFFD800  }
0x3d: {  	[spmem:s2] =	stream.indirect.scatter.add.f32 [tilespmem:s24], [sflag:$0x7], $0x80, s22, s23, $0xb8;
	[tilespmem:$0x1F280] =	vst v63  }
0x3e: {  	_ =	swait.ge [sflag:s26], $0x50  }
0x3f: {  	[sflag:s26] =	ssyncset.done $0x0  }
0x40: {  	[sflag:s26] =	ssyncadd.s32 $0xFFFFFFB0  }
0x41: {  	_ =	swait.ge [sflag:s30], $0x2800  }
0x42: {  	[sflag:s30] =	ssyncset.done $0x0  }
0x43: {  	[sflag:s30] =	ssyncadd.s32 $0xFFFFD800  }
0x44: {  	[spmem:s2] =	stream.indirect.scatter.add.f32 [tilespmem:s28], [sflag:$0x8], $0x80, s25, s23, $0xb8;
	[tilespmem:$0x1F280] =	vst v63  }
0x45: {  	_ =	swait.ge [sflag:s6], $0x50  }
0x46: {  	[sflag:s6] =	ssyncset.done $0x0  }
0x47: {  	[sflag:s6] =	ssyncadd.s32 $0xFFFFFFB0  }
0x48: {  	_ =	swait.ge [sflag:s9], $0x2800  }
0x49: {  	[sflag:s9] =	ssyncset.done $0x0  }
0x4a: {  	[sflag:s9] =	ssyncadd.s32 $0xFFFFD800  }
0x4b: {  	[spmem:s2] =	stream.indirect.scatter.add.f32 [tilespmem:s31], [sflag:$0x9], $0x80, s29, s23, $0xb8;
	[tilespmem:$0x1F280] =	vst v63  }
0x4c: {  	_ =	swait.ge [sflag:s10], $0x2800  }
0x4d: {  	s18 =	sshrl.u32 s17, $0x3;
	[sflag:s10] =	ssyncset.done $0x0  }
0x4e: {  	s7 =	sadd.s32 s5, s18;
	[sflag:s10] =	ssyncadd.s32 $0xFFFFD800  }
0x4f: {  	[tilespmem:s22], [sflag:$0x1] =	stream.linear.gather [hbm4b:s7+s3], $0x50, $0x38;
	[tilespmem:$0x1F280] =	vst v63  }
0x50: {  	s19 =	simm.s32 $0x180  }
0x51: {  	[tilespmem:s24], [sflag:$0x4] =	stream.indirect.gather [hbm4b:s4+s23], $0x80, s19, s23, $0xb8;
	[tilespmem:$0x1F280] =	vst v63  }
0x52: {  	_ =	swait.ge [sflag:s11], $0x2800  }
0x53: {  	[sflag:s11] =	ssyncset.done $0x0  }
0x54: {  	[sflag:s11] =	ssyncadd.s32 $0xFFFFD800  }
0x55: {  	[tilespmem:s25], [sflag:$0x2] =	stream.linear.gather [hbm4b:s16+s3], $0x50, $0x38;
	[tilespmem:$0x1F280] =	vst v63  }
0x56: {  	s21 =	simm.s32 $0x200  }
0x57: {  	[tilespmem:s28], [sflag:$0x5] =	stream.indirect.gather [hbm4b:s4+s23], $0x80, s21, s23, $0xb8;
	[tilespmem:$0x1F280] =	vst v63  }
0x58: {  	s18 =	sadd.s32 $0x1E, s15;
	_ =	swait.ge [sflag:s12], $0x2800  }
0x59: {  	s14 =	simm.s32 $0x600;
	s7 =	sadd.s32 $0x1E, s16;
	[sflag:s12] =	ssyncset.done $0x0  }
0x5a: {  	s19 =	sadd.s32 $0xF0, s17;
	s21 =	simm.s32 $0x280;
	[sflag:s12] =	ssyncadd.s32 $0xFFFFD800  }
0x5b: {  	[tilespmem:s29], [sflag:$0x3] =	stream.linear.gather [hbm4b:s15+s3], $0x50, $0x38;
	[tilespmem:$0x1F280] =	vst v63  }
.LBB2_2:
0x5c: {  	[tilespmem:s31], [sflag:$0x6] =	stream.indirect.gather [hbm4b:s4+s23], $0x80, s21, s23, $0xb8;
	[tilespmem:$0x1F280] =	vst v63  }
0x5d: {  	s21 =	smov.u32 s14  }
0x5e: {  	p1 =	sne.s32 s14, $0xEA00;
	s14 =	sadd.s32 $0x600, s14;
	_ =	swait.ge [sflag:s0], $0x50  }
0x5f: {  	[sflag:s0] =	ssyncset.done $0x0  }
0x60: {  	[sflag:s0] =	ssyncadd.s32 $0xFFFFFFB0  }
0x61: {  	_ =	swait.ge [sflag:s1], $0x2800  }
0x62: {  	[sflag:s1] =	ssyncset.done $0x0  }
0x63: {  	[sflag:s1] =	ssyncadd.s32 $0xFFFFD800  }
0x64: {  	[spmem:s2] =	stream.indirect.scatter.add.f32 [tilespmem:s24], [sflag:$0x7], $0x80, s22, s23, $0xb8;
	[tilespmem:$0x1F280] =	vst v63  }
0x65: {  	_ =	swait.ge [sflag:s26], $0x50  }
0x66: {  	[sflag:s26] =	ssyncset.done $0x0  }
0x67: {  	[sflag:s26] =	ssyncadd.s32 $0xFFFFFFB0  }
0x68: {  	_ =	swait.ge [sflag:s30], $0x2800  }
0x69: {  	[sflag:s30] =	ssyncset.done $0x0  }
0x6a: {  	[sflag:s30] =	ssyncadd.s32 $0xFFFFD800  }
0x6b: {  	[spmem:s2] =	stream.indirect.scatter.add.f32 [tilespmem:s28], [sflag:$0x8], $0x80, s25, s23, $0xb8;
	[tilespmem:$0x1F280] =	vst v63  }
0x6c: {  	_ =	swait.ge [sflag:s6], $0x50  }
0x6d: {  	[sflag:s6] =	ssyncset.done $0x0  }
0x6e: {  	[sflag:s6] =	ssyncadd.s32 $0xFFFFFFB0  }
0x6f: {  	_ =	swait.ge [sflag:s9], $0x2800  }
0x70: {  	[sflag:s9] =	ssyncset.done $0x0  }
0x71: {  	[sflag:s9] =	ssyncadd.s32 $0xFFFFD800  }
0x72: {  	[spmem:s2] =	stream.indirect.scatter.add.f32 [tilespmem:s31], [sflag:$0x9], $0x80, s29, s23, $0xb8;
	[tilespmem:$0x1F280] =	vst v63  }
0x73: {  	_ =	swait.ge [sflag:s10], $0x2800  }
0x74: {  	s8 =	sshrl.u32 s19, $0x3;
	[sflag:s10] =	ssyncset.done $0x0  }
0x75: {  	s8 =	sadd.s32 s5, s8;
	s21 =	sshra.s32 s21, $0x2;
	[sflag:s10] =	ssyncadd.s32 $0xFFFFD800  }
0x76: {  	[tilespmem:s22], [sflag:$0x1] =	stream.linear.gather [hbm4b:s8+s3], $0x50, $0x38;
	[tilespmem:$0x1F280] =	vst v63  }
0x77: {  	s8 =	sadd.s32 $0x180, s21  }
0x78: {  	[tilespmem:s24], [sflag:$0x4] =	stream.indirect.gather [hbm4b:s4+s23], $0x80, s8, s23, $0xb8;
	[tilespmem:$0x1F280] =	vst v63  }
0x79: {  	_ =	swait.ge [sflag:s11], $0x2800  }
0x7a: {  	[sflag:s11] =	ssyncset.done $0x0  }
0x7b: {  	[sflag:s11] =	ssyncadd.s32 $0xFFFFD800  }
0x7c: {  	[tilespmem:s25], [sflag:$0x2] =	stream.linear.gather [hbm4b:s7+s3], $0x50, $0x38;
	[tilespmem:$0x1F280] =	vst v63  }
0x7d: {  	s8 =	sadd.s32 $0x200, s21  }
0x7e: {  	[tilespmem:s28], [sflag:$0x5] =	stream.indirect.gather [hbm4b:s4+s23], $0x80, s8, s23, $0xb8;
	[tilespmem:$0x1F280] =	vst v63  }
.Ltmp0:
0x7f: {  	_ =	swait.ge [sflag:s12], $0x2800;
	(pc) =	sbr.rel @p1 .LBB2_2-.Ltmp0, $4  }
0x80: {  	[sflag:s12] =	ssyncset.done $0x0  }
0x81: {  	s19 =	sadd.s32 $0xF0, s19;
	[sflag:s12] =	ssyncadd.s32 $0xFFFFD800  }
0x82: {  	[tilespmem:s29], [sflag:$0x3] =	stream.linear.gather [hbm4b:s18+s3], $0x50, $0x38;
	[tilespmem:$0x1F280] =	vst v63  }
0x83: {  	s21 =	sadd.s32 $0x280, s21;
	s7 =	sadd.s32 $0x1E, s7;
	s18 =	sadd.s32 $0x1E, s18  }
0x84: {  	[tilespmem:s31], [sflag:$0x6] =	stream.indirect.gather [hbm4b:s4+s23], $0x80, s21, s23, $0xb8;
	[tilespmem:$0x1F280] =	vst v63  }
0x85: {  	_ =	swait.ge [sflag:s0], $0x50  }
0x86: {  	[sflag:s0] =	ssyncset.done $0x0  }
0x87: {  	[sflag:s0] =	ssyncadd.s32 $0xFFFFFFB0  }
0x88: {  	_ =	swait.ge [sflag:s1], $0x2800  }
0x89: {  	[sflag:s1] =	ssyncset.done $0x0  }
0x8a: {  	[sflag:s1] =	ssyncadd.s32 $0xFFFFD800  }
0x8b: {  	[spmem:s2] =	stream.indirect.scatter.add.f32 [tilespmem:s24], [sflag:$0x7], $0x80, s22, s23, $0xb8;
	[tilespmem:$0x1F280] =	vst v63  }
0x8c: {  	_ =	swait.ge [sflag:s26], $0x50  }
0x8d: {  	[sflag:s26] =	ssyncset.done $0x0  }
0x8e: {  	[sflag:s26] =	ssyncadd.s32 $0xFFFFFFB0  }
0x8f: {  	_ =	swait.ge [sflag:s30], $0x2800  }
0x90: {  	[sflag:s30] =	ssyncset.done $0x0  }
0x91: {  	[sflag:s30] =	ssyncadd.s32 $0xFFFFD800  }
0x92: {  	[spmem:s2] =	stream.indirect.scatter.add.f32 [tilespmem:s28], [sflag:$0x8], $0x80, s25, s23, $0xb8;
	[tilespmem:$0x1F280] =	vst v63  }
0x93: {  	_ =	swait.ge [sflag:s6], $0x50  }
0x94: {  	[sflag:s6] =	ssyncset.done $0x0  }
0x95: {  	[sflag:s6] =	ssyncadd.s32 $0xFFFFFFB0  }
0x96: {  	_ =	swait.ge [sflag:s9], $0x2800  }
0x97: {  	[sflag:s9] =	ssyncset.done $0x0  }
0x98: {  	[sflag:s9] =	ssyncadd.s32 $0xFFFFD800  }
0x99: {  	[spmem:s2] =	stream.indirect.scatter.add.f32 [tilespmem:s31], [sflag:$0x9], $0x80, s29, s23, $0xb8;
	[tilespmem:$0x1F280] =	vst v63  }
0x9a: {  	_ =	swait.ge [sflag:s10], $0x2800  }
0x9b: {  	[sflag:s10] =	ssyncset.done $0x0  }
0x9c: {  	s7 =	rddreg [dreg:$0xa];
	[sflag:s10] =	ssyncadd.s32 $0xFFFFD800  }
0x9d: {  	[tilespmem:s22], [sflag:$0x1] =	stream.linear.gather [hbm4b:s7+s3], $0x50, $0x38;
	[tilespmem:$0x1F280] =	vst v63  }
0x9e: {  	s14 =	simm.s32 $0x3D80  }
0x9f: {  	[tilespmem:s24], [sflag:$0x4] =	stream.indirect.gather [hbm4b:s4+s23], $0x80, s14, s23, $0xb8;
	[tilespmem:$0x1F280] =	vst v63  }
0xa0: {  	_ =	swait.ge [sflag:s11], $0x2800  }
0xa1: {  	[sflag:s11] =	ssyncset.done $0x0  }
0xa2: {  	s18 =	rddreg [dreg:$0xb];
	[sflag:s11] =	ssyncadd.s32 $0xFFFFD800  }
0xa3: {  	[tilespmem:s25], [sflag:$0x2] =	stream.linear.gather [hbm4b:s18+s3], $0x50, $0x38;
	[tilespmem:$0x1F280] =	vst v63  }
0xa4: {  	s19 =	simm.s32 $0x3E00  }
0xa5: {  	[tilespmem:s28], [sflag:$0x5] =	stream.indirect.gather [hbm4b:s4+s23], $0x80, s19, s23, $0xb8;
	[tilespmem:$0x1F280] =	vst v63  }
0xa6: {  	_ =	swait.ge [sflag:s12], $0x2800  }
0xa7: {  	[sflag:s12] =	ssyncset.done $0x0  }
0xa8: {  	[sflag:s12] =	ssyncadd.s32 $0xFFFFD800  }
0xa9: {  	_ =	swait.ge [sflag:s0], $0x50  }
0xaa: {  	[sflag:s0] =	ssyncset.done $0x0  }
0xab: {  	[sflag:s0] =	ssyncadd.s32 $0xFFFFFFB0  }
0xac: {  	_ =	swait.ge [sflag:s1], $0x2800  }
0xad: {  	[sflag:s1] =	ssyncset.done $0x0  }
0xae: {  	[sflag:s1] =	ssyncadd.s32 $0xFFFFD800  }
0xaf: {  	[spmem:s2] =	stream.indirect.scatter.add.f32 [tilespmem:s24], [sflag:$0x7], $0x80, s22, s23, $0xb8;
	[tilespmem:$0x1F280] =	vst v63  }
0xb0: {  	_ =	swait.ge [sflag:s26], $0x50  }
0xb1: {  	[sflag:s26] =	ssyncset.done $0x0  }
0xb2: {  	[sflag:s26] =	ssyncadd.s32 $0xFFFFFFB0  }
0xb3: {  	_ =	swait.ge [sflag:s30], $0x2800  }
0xb4: {  	[sflag:s30] =	ssyncset.done $0x0  }
0xb5: {  	[sflag:s30] =	ssyncadd.s32 $0xFFFFD800  }
0xb6: {  	[spmem:s2] =	stream.indirect.scatter.add.f32 [tilespmem:s28], [sflag:$0x8], $0x80, s25, s23, $0xb8;
	[tilespmem:$0x1F280] =	vst v63  }
0xb7: {  	_ =	swait.ge [sflag:s10], $0x2800  }
0xb8: {  	[sflag:s10] =	ssyncset.done $0x0  }
0xb9: {  	[sflag:s10] =	ssyncadd.s32 $0xFFFFD800  }
0xba: {  	_ =	swait.ge [sflag:s11], $0x2800  }
0xbb: {  	[sflag:s11] =	ssyncset.done $0x0  }
0xbc: {  	[sflag:s11] =	ssyncadd.s32 $0xFFFFD800  }
0xbd: {  	[bflag:$0x0] =	sbarrier.arrive $0xFFFF  }
0xbe: {  	s7 =	rddreg [dreg:$0xc]  }
0xbf: {  	s8 =	rddreg [dreg:$0x8];
	s7 =	sor.u32 @!p0 $0x1C0C, s7  }
0xc0: {  	[hbm:s8], [sflag:s7] =	dma.local @!p0 [spmem:s20], $0x3E80  }
0xc1: {  	s7 =	simm.s32 @!p0 $0xC  }
0xc2: {  	_ =	swait.ge @!p0 [sflag:s7], $0x3E80  }
0xc3: {  	s13 =	sadd.s32 $0x1, s13;
	s21 =	rddreg [dreg:$0x9]  }
0xc4: {  	p1 =	sne.s32 s13, s21  }
.Ltmp1:
0xc5: {  	_ = 	snop;
	(pc) =	sbr.rel @p1 .LBB2_1-.Ltmp1, $3  }
0xc6: {  	_ =	sdelay $0x1  }
0xc7: {  	[sflag:s7] =	ssyncset.done @!p0 $0x0  }
0xc8: {  	[sflag:s7] =	ssyncadd.s32 @!p0 $0xFFFFC180  }
0xc9: {  	_ =	sfence.sel $0x180000  }
0xca: {  	[bflag:$0x0] =	sbarrier.arrive $0xFFFF  }
0xcb: {  	_ =	strace $0x9000004A  }
0xcc: {  	s0 =	stileid.u32;
	[bflag:$0x2] =	sbarrier.arrive $0xFFFF  }
0xcd: {  	p0 =	sne.s32 s0, $0x0;
	s0 =	rddreg [dreg:$0x2]  }
0xce: {  	s0 =	sadd.s32 @!p0 $0x100000, s0  }
0xcf: {  	[sflag:s0] =	ssyncadd.tile.s32 @!p0 $0x1;
	_ =	shalt  }
.Lfunc_end2:
_tile_overlayer_lowered:
.L_overlay_start_2:
0xd0: {  	(tag) =	ssettag $0x2  }
0xd1: {  	s0 =	rddreg [dreg:$0x0];
	s2 =	stileid.u32  }
0xd2: {  	s1 =	rddreg [dreg:$0x1];
	p0 =	sne.s32 s2, $0x0  }
0xd3: {  	s3 =	rddreg [dreg:$0x2];
	[bflag:$0x3] =	sbarrier.arrive $0xFFFF;
	s2 =	simm.s32 @!p0 $0x1C0C  }
0xd4: {  	[timem:s3], [sflag:s2] =	dma.local @!p0 [hbm:s0], s1  }
0xd5: {  	s0 =	simm.s32 @!p0 $0xC  }
0xd6: {  	_ =	swait.ge @!p0 [sflag:s0], s1  }
0xd7: {  	s1 =	ssub.s32 @!p0 $0x0, s1;
	[sflag:s0] =	ssyncset.done @!p0 $0x0  }
0xd8: {  	[sflag:s0] =	ssyncadd.s32 @!p0 s1  }
0xd9: {  	[bflag:$0x3] =	sbarrier.arrive $0xFFFF  }
0xda: {  	_ =	shalt  }

// kernel: kernel.14.cloned.1.call-start
scs
__scs_entry_jumppad:
0x0: {  	(pc) =	sbr.rel $0x88, $3  }
0x1: {  	(tag) =	ssettag $0x0;
	lr =	simm.s32 $0x1  }
0x2: {  	[smem:$0x3F96] =	sst lr;
	_ =	strace $0xD0000000  }
0x3: {  	_ = 	snop  }
0x4: {  	_ = 	snop  }
0x5: {  	_ = 	snop  }
0x6: {  	_ = 	snop  }
0x7: {  	_ = 	snop  }
__scs_overlays_trampoline_lowered:
0x8: {  	[smem:$0x3FA5] =	sst s0  }
0x9: {  	[smem:$0x3FA6] =	sst s1  }
0xa: {  	[smem:$0x3FA7] =	sst s2  }
0xb: {  	[smem:$0x3FA8] =	sst s3  }
0xc: {  	[smem:$0x3FA9] =	sst s4  }
0xd: {  	[smem:$0x3FAA] =	sst s5  }
0xe: {  	[smem:$0x3FAB] =	sst s6  }
0xf: {  	[smem:$0x3FAC] =	sst s7  }
0x10: {  	[smem:$0x3FAD] =	sst s8  }
0x11: {  	[smem:$0x3FAE] =	sst s9;
	s0 =	simm.s32 @!p0 $0x0  }
0x12: {  	s1 =	sld [smem:$0x3F94];
	s0 =	simm.s32 @p0 $0x1  }
0x13: {  	[smem:$0x3FAF] =	sst s0;
	s0 =	simm.s32 @!p1 $0x0  }
0x14: {  	s2 =	sld [smem:$0x3F93];
	s0 =	simm.s32 @p1 $0x1  }
0x15: {  	[smem:$0x3FB0] =	sst s0;
	s0 =	simm.s32 @!p2 $0x0  }
0x16: {  	s3 =	sld [smem:$0x3FDB];
	s0 =	simm.s32 @p2 $0x1  }
0x17: {  	s4 =	simm.s32 $0x1BF5;
	[smem:$0x3FB2] =	sst s0  }
0x18: {  	s0 =	sld [smem:$0x3F95];
	_ =	swait.ge [sflag:s4], $0x0  }
0x19: {  	s7 =	sld [smem:$0x3F96]  }
0x1a: {  	s8 =	sadd.s32 $0xFFFFE003, lr  }
0x1b: {  	s9 =	sadd.s32 $0xFFFFFEF7, lr;
	s5 =	simm.s32 $0xFFFFFFFF;
	p2 =	slt.u32 s8, $0xFFFFF086  }
0x1c: {  	p1 =	slt.u32 s9, $0xF7A;
	s5 =	simm.s32 @!p2 $0x0  }
0x1d: {  	s5 =	simm.s32 @p1 $0x1;
	p0 =	seq.s32 s7, s2  }
0x1e: {  	s7 =	smul.u32 @!p0 $0xF7A, s2;
	p2 =	seq.s32 @!p0 s5, $0x0  }
0x1f: {  	s9 =	smul.u32 $0xF7A, s1;
	s8 =	simm.s32 @!p0 $0x1BF5;
	p2 =	por !p2, p0  }
0x20: {  	[sflag:s8] =	ssyncset.s32 @!p0 $0xFFFFF086;
	s6 =	sadd.s32 @!p0 s3, s7;
	s7 =	simm.s32 @!p0 $0x108  }
0x21: {  	s3 =	sadd.s32 s3, s9;
	s6 =	sadd.s32 @!p0 $0x88, s6;
	s7 =	simm.s32 @p2 $0x1082  }
0x22: {  	[simem:s7], [sflag:s8] =	dma.local @!p0 [hbm:s6], $0xF7A  }
0x23: {  	s9 =	sor.u32 $0xD0000000, s2;
	s6 =	simm.s32 $0x108;
	_ =	swait.ge @!p0 [sflag:s8], $0x0  }
0x24: {  	s3 =	sadd.s32 $0x88, s3;
	s6 =	simm.s32 @!p1 $0x1082;
	[sflag:s4] =	ssyncset.s32 $0xFFFFF086  }
0x25: {  	[simem:s6], [sflag:s4] =	dma.local [hbm:s3], $0xF7A  }
0x26: {  	[smem:$0x3F96] =	sst s1;
	(tag) =	ssettag s2;
	_ =	strace s9  }
0x27: {  	s1 =	sld [smem:$0x3FA6]  }
0x28: {  	s2 =	sld [smem:$0x3FA7]  }
0x29: {  	s4 =	sld [smem:$0x3FA9]  }
0x2a: {  	p0 =	seq.s32 s5, $0x0;
	s5 =	sld [smem:$0x3FAA]  }
0x2b: {  	s6 =	sld [smem:$0x3FAB]  }
0x2c: {  	s7 =	sld [smem:$0x3FAC]  }
0x2d: {  	s3 =	simm.s32 $0x108;
	s8 =	sld [smem:$0x3FAD]  }
0x2e: {  	s3 =	simm.s32 @!p0 $0x1082;
	s9 =	sld [smem:$0x3FAE]  }
0x2f: {  	lr =	sadd.s32 s0, s3;
	s0 =	sld [smem:$0x3FA5]  }
0x30: {  	s3 =	sld [smem:$0x3FA8]  }
0x31: {  	[smem:$0x3FB1] =	sst s10  }
0x32: {  	s10 =	sld [smem:$0x3FAF];
	_ =	sdelay $0x3  }
0x33: {  	p0 =	seq.s32 s10, $0x1;
	s10 =	sld [smem:$0x3FB1];
	_ =	sdelay $0x3  }
0x34: {  	[smem:$0x3FB1] =	sst s10  }
0x35: {  	s10 =	sld [smem:$0x3FB0];
	_ =	sdelay $0x3  }
0x36: {  	p1 =	seq.s32 s10, $0x1;
	s10 =	sld [smem:$0x3FB1];
	_ =	sdelay $0x3  }
0x37: {  	[smem:$0x3FB1] =	sst s10  }
0x38: {  	s10 =	sld [smem:$0x3FB2]  }
0x39: {  	_ = 	snop;
	(pc) =	sbr.ind lr, $3  }
0x3a: {  	_ = 	snop  }
0x3b: {  	_ = 	snop  }
0x3c: {  	p2 =	seq.s32 s10, $0x1;
	s10 =	sld [smem:$0x3FB1]  }
0x3d: {  	_ =	shalt  }
0x3e: {  	_ =	shalt  }
0x3f: {  	_ =	shalt  }
0x40: {  	_ =	shalt  }
0x41: {  	_ =	shalt  }
0x42: {  	_ =	shalt  }
0x43: {  	_ =	shalt  }
0x44: {  	_ =	shalt  }
0x45: {  	_ =	shalt  }
0x46: {  	_ =	shalt  }
0x47: {  	_ =	shalt  }
0x48: {  	_ =	shalt  }
0x49: {  	_ =	shalt  }
0x4a: {  	_ =	shalt  }
0x4b: {  	_ =	shalt  }
0x4c: {  	_ =	shalt  }
0x4d: {  	_ =	shalt  }
0x4e: {  	_ =	shalt  }
0x4f: {  	_ =	shalt  }
0x50: {  	_ =	shalt  }
0x51: {  	_ =	shalt  }
0x52: {  	_ =	shalt  }
0x53: {  	_ =	shalt  }
0x54: {  	_ =	shalt  }
0x55: {  	_ =	shalt  }
0x56: {  	_ =	shalt  }
0x57: {  	_ =	shalt  }
0x58: {  	_ =	shalt  }
0x59: {  	_ =	shalt  }
0x5a: {  	_ =	shalt  }
0x5b: {  	_ =	shalt  }
0x5c: {  	_ =	shalt  }
0x5d: {  	_ =	shalt  }
0x5e: {  	_ =	shalt  }
0x5f: {  	_ =	shalt  }
0x60: {  	_ =	shalt  }
0x61: {  	_ =	shalt  }
0x62: {  	_ =	shalt  }
0x63: {  	_ =	shalt  }
0x64: {  	_ =	shalt  }
0x65: {  	_ =	shalt  }
0x66: {  	_ =	shalt  }
0x67: {  	_ =	shalt  }
0x68: {  	_ =	shalt  }
0x69: {  	_ =	shalt  }
0x6a: {  	_ =	shalt  }
0x6b: {  	_ =	shalt  }
0x6c: {  	_ =	shalt  }
0x6d: {  	_ =	shalt  }
0x6e: {  	_ =	shalt  }
0x6f: {  	_ =	shalt  }
0x70: {  	_ =	shalt  }
0x71: {  	_ =	shalt  }
0x72: {  	_ =	shalt  }
0x73: {  	_ =	shalt  }
0x74: {  	_ =	shalt  }
0x75: {  	_ =	shalt  }
0x76: {  	_ =	shalt  }
0x77: {  	_ =	shalt  }
0x78: {  	_ =	shalt  }
0x79: {  	_ =	shalt  }
0x7a: {  	_ =	shalt  }
0x7b: {  	_ =	shalt  }
0x7c: {  	_ =	shalt  }
0x7d: {  	_ =	shalt  }
0x7e: {  	_ =	shalt  }
0x7f: {  	_ =	shalt  }
0x80: {  	_ =	shalt  }
0x81: {  	_ =	shalt  }
0x82: {  	_ =	shalt  }
0x83: {  	_ =	shalt  }
0x84: {  	_ =	shalt  }
0x85: {  	_ =	shalt  }
0x86: {  	_ =	shalt  }
0x87: {  	_ =	shalt  }
.Lfunc_end0:
.L_simem_size_0:
called_computation.2_lowered:
.L_overlay_start_0:
0x88: {  	s2 =	sld [smem:$0x3FD9]  }
0x89: {  	s3 =	sld [smem:$0x3FFE];
	_ =	sdelay $0x1  }
0x8a: {  	s1 =	srdreg.scid  }
0x8b: {  	s0 =	sand.u32 $0x1, s1  }
0x8c: {  	s16 =	sshll.u32 s0, $0xA;
	s2 =	sadd.s32 s3, s2  }
0x8d: {  	s2 =	sadd.s32 s2, s16  }
0x8e: {  	[smem:$0x3FBD] =	sst s2  }
0x8f: {  	_ = 	snop  }
0x90: {  	(tm) =	ssettm $0x1  }
0x91: {  	s17 =	sld [smem:$0x3FFB];
	_ =	sdelay $0x3  }
0x92: {  	_ =	strace s17  }
0x93: {  	s2 =	sld [smem:$0x3FFC];
	_ =	sdelay $0x3  }
0x94: {  	_ =	strace s2  }
0x95: {  	s2 =	sld [smem:$0x3FFD];
	_ =	sdelay $0x3  }
0x96: {  	_ =	strace s2  }
0x97: {  	_ =	strace $0x8FFFFFFF  }
0x98: {  	s18 =	sld [smem:$0x3FDB];
	_ =	sdelay $0x1  }
0x99: {  	s19 =	simm.s32 $_scs_section_size  }
0x9a: {  	s4 =	simm.s32 $_size__tile_overlayer_lowered;
	s5 =	simm.s32 $_tile_overlayer_lowered  }
0x9b: {  	s22 =	simm.s32 $0x1BFF;
	s21 =	sshll.u32 s5, $0x1;
	s2 =	sadd.s32 s19, s18  }
0x9c: {  	s6 =	simm.s32 $0x0;
	s20 =	sshll.u32 s4, $0x1;
	s4 =	sadd.s32 s21, s2  }
0x9d: {  	[timem:s6], [sflag:s22] =	dma.local [hbm:s4], s20  }
0x9e: {  	_ =	swait.ge [sflag:s22], s20  }
0x9f: {  	s3 =	ssub.s32 $0x0, s20;
	[sflag:s22] =	ssyncset.done $0x0  }
0xa0: {  	[sflag:s22] =	ssyncadd.s32 s3;
	_ =	sdelay $0x1  }
0xa1: {  	s23 =	simm.s32 $0x1B8B  }
0xa2: {  	_ =	swait.ge [sflag:s23], $0x1  }
0xa3: {  	[sflag:s23] =	ssyncset.done $0x0  }
0xa4: {  	s25 =	simm.s32 $0x1B8E;
	s24 =	sld [smem:$0x3FFE];
	[sflag:s23] =	ssyncadd.s32 $0xFFFFFFFF  }
0xa5: {  	s26 =	simm.s32 $execute0_lowered;
	[smem:$0x3FD2] =	sst s25  }
0xa6: {  	s4 =	sshll.u32 s26, $0x1;
	_ =	strace $0x8000004C;
	[dreg:$0x1] =	wrdreg $0xFFFFFFFF  }
0xa7: {  	s28 =	simm.s32 $_size_execute0_lowered;
	s2 =	sadd.s32 s2, s4;
	[dreg:$0x0] =	wrdreg $0x0  }
0xa8: {  	s4 =	sshll.u32 s28, $0x1;
	[dreg:$0x2] =	wrdreg s2  }
0xa9: {  	[dreg:$0x3] =	wrdreg s4  }
0xaa: {  	[dreg:$0x4] =	wrdreg $0xC0  }
0xab: {  	_ =	task [dreg:s6], $0x5FFFF  }
0xac: {  	[dreg:$0x1] =	wrdreg $0xFFFFFFFF  }
0xad: {  	[dreg:$0x0] =	wrdreg $0x60  }
0xae: {  	[dreg:$0x2] =	wrdreg s24  }
0xaf: {  	[dreg:$0x3] =	wrdreg $0xBA000  }
0xb0: {  	[dreg:$0x4] =	wrdreg $0x9  }
0xb1: {  	_ =	task.clear_ibuf [dreg:s6], $0x5FFFF;
	_ =	strace $0x9000004C  }
0xb2: {  	s29 =	simm.s32 $0x9;
	_ =	strace $0x8000004E  }
0xb3: {  	_ =	swait.ge [sflag:s29], $0x1  }
0xb4: {  	[sflag:s29] =	ssyncadd.s32 $0xFFFFFFFF  }
0xb5: {  	_ =	strace $0x9000004E  }
0xb6: {  	_ =	sfence  }
0xb7: {  	s30 =	sld [smem:$0x0];
	_ =	sdelay $0x2  }
0xb8: {  	s31 =	sshll.u32 s1, $0xD;
	s1 =	sshrl.u32 s1, $0x2  }
0xb9: {  	s3 =	sand.u32 $0x4000, s31;
	s1 =	sadd.s32 s1, s30  }
0xba: {  	s0 =	sor.u32 s3, s0;
	s1 =	sshll.u32 s1, $0x11  }
0xbb: {  	s0 =	sor.u32 s1, s0  }
0xbc: {  	s0 =	sadd.s32 $0x8F2B, s0  }
0xbd: {  	[sflag:s0] =	ssyncadd.remote.s32 $0x1  }
0xbe: {  	_ =	sfence.sel $0xFFFF  }
0xbf: {  	[dreg:$0x0] =	wrdreg $0xFFFFFFFF;
	(pc) =	sbr.abs _section_cstart, $3  }
0xc0: {  	[dreg:$0x1] =	wrdreg $0xFFFFFFFF  }
0xc1: {  	_ =	task.clear_ibuf [dreg:s6], $0x2FFFF;
	_ =	strace $0x9FFFFFFF  }
0xc2: {  	(tm) =	ssettm $0x7FFFFFFF  }
0xc3: {  	_ =	shalt  }
tec
execute0_lowered:
.L_overlay_start_1:
0x0: {  	(tag) =	ssettag $0x1  }
0x1: {  	s0 =	rddreg [dreg:$0x0]  }
0x2: {  	s1 =	srdreg.scid;
	s2 =	rddreg [dreg:$0x1]  }
0x3: {  	s11 =	stileid.u32;
	s3 =	simm.s32 $0x0;
	s28 =	simm.s32 $0x6A00  }
0x4: {  	s29 =	simm.s32 $0x4100;
	s31 =	simm.s32 $0x9200;
	s8 =	smul.u32 $0x1F400, s11  }
0x5: {  	s30 =	simm.s32 $0x5;
	s1 =	sand.u32 $0x1, s1;
	s14 =	smul.u32 $0x7D000, s11  }
0x6: {  	[smem:$0x7FF] =	sst s3;
	s10 =	sadd.s32 $0xCC00, s0;
	s16 =	smul.u32 $0x2710, s11  }
0x7: {  	p0 =	sgt.u32 s11, $0x9;
	s4 =	sshll.u32 s1, $0x4;
	s7 =	smul.u32 $0x138800, s1  }
0x8: {  	_ =	strace $0x8000004D;
	[dreg:$0x3] =	wrdreg s10;
	s12 =	ssub.s32 $0x2, s1  }
0x9: {  	s1 =	smul.u32 $0x27100, s1;
	s6 =	sor.u32 s11, s4;
	s4 =	sadd.s32 $0x26A00, s0  }
0xa: {  	s13 =	sshrl.u32 s12, $0x1;
	s15 =	sshrl.u32 s14, $0x2;
	s5 =	sshll.u32 s6, $0xB  }
0xb: {  	s7 =	sadd.s32 s8, s7;
	s6 =	smul.u32 $0x2710, s6;
	s10 =	sadd.s32 s15, s2  }
0xc: {  	s20 =	sadd.s32 s16, s1;
	s9 =	sadd.s32 s5, s0;
	s5 =	sadd.s32 $0x2E00, s0  }
0xd: {  	s7 =	sshrl.u32 s7, $0x3;
	s23 =	sadd.s32 $0x190, s20;
	s25 =	sadd.s32 $0x140, s20  }
0xe: {  	s0 =	sadd.s32 s7, s0;
	s7 =	ssub.s32 s12, s13;
	s6 =	sshrl.u32 s6, $0x3  }
0xf: {  	s17 =	sadd.s32 $0x16A00, s9;
	s1 =	sshrl.u32 s23, $0x3;
	s26 =	sshrl.u32 s25, $0x3  }
0x10: {  	s23 =	simm.s32 $0x50;
	s25 =	simm.s32 $0x4080;
	s9 =	simm.s32 $0x6  }
0x11: {  	s13 =	simm.s32 $0x0;
	s12 =	sadd.s32 s5, s6;
	[dreg:$0x5] =	wrdreg s17  }
0x12: {  	s0 =	sadd.s32 $0x4DC00, s0;
	s21 =	smax.u32 s7, $0x1;
	s15 =	sadd.s32 s1, s5  }
0x13: {  	s16 =	sadd.s32 s26, s5;
	s17 =	sadd.s32 $0xF0, s20;
	[dreg:$0x8] =	wrdreg s0  }
0x14: {  	s20 =	sshrl.u32 @!p0 s10, $0x3;
	s1 =	simm.s32 $0x4;
	[dreg:$0x9] =	wrdreg s21  }
0x15: {  	s26 =	simm.s32 $0x2;
	s18 =	sadd.s32 $0xA, s12;
	[dreg:$0x4] =	wrdreg s12  }
0x16: {  	s6 =	simm.s32 $0x3;
	s19 =	sadd.s32 $0x14, s12;
	[dreg:$0x6] =	wrdreg s18  }
0x17: {  	s10 =	simm.s32 $0x7;
	s22 =	sadd.s32 $0x4CE, s12;
	[dreg:$0x7] =	wrdreg s19  }
0x18: {  	s24 =	sadd.s32 $0x4D8, s12;
	s0 =	sshll.u32 @!p0 s11, $0x6;
	[dreg:$0xa] =	wrdreg s22  }
0x19: {  	s11 =	simm.s32 $0x8;
	s12 =	simm.s32 $0x9;
	[dreg:$0xb] =	wrdreg s24  }
0x1a: {  	[dreg:$0xc] =	wrdreg s0;
	s0 =	sor.u32 @!p0 $0x1C0A, s0;
	s22 =	simm.s32 $0x4000  }
0x1b: {  	s24 =	simm.s32 $0x4200;
	[dreg:$0xd] =	wrdreg s0;
	s0 =	simm.s32 $0x1  }
.LBB2_1:
0x1c: {  	s8 =	rddreg [dreg:$0x5]  }
0x1d: {  	s7 =	simm.s32 @p0 $0x0;
	s14 =	rddreg [dreg:$0xd]  }
0x1e: {  	[tilespmem:s7], [sflag:$0xB] =	stream.linear.gather @p0 [hbm4b:s8+s7], $0x3E80, $0x38;
	[tilespmem:$0x1F280] =	vst v63  }
0x1f: {  	s7 =	rddreg [dreg:$0x3]  }
0x20: {  	[spmem:s20], [sflag:s14] =	dma.local @!p0 [hbm:s7], $0x3E80  }
0x21: {  	s7 =	simm.s32 @!p0 $0x0  }
0x22: {  	[tilespmem:s7], [sflag:$0xB] =	stream.linear.gather @!p0 [hbm4b:s8+s7], $0x3E80, $0x38;
	[tilespmem:$0x1F280] =	vst v63  }
0x23: {  	s7 =	simm.s32 @!p0 $0xA  }
0x24: {  	_ =	swait.ge @!p0 [sflag:s7], $0x3E80  }
0x25: {  	[sflag:s7] =	ssyncset.done @!p0 $0x0  }
0x26: {  	s14 =	simm.s32 $0xB;
	[sflag:s7] =	ssyncadd.s32 @!p0 $0xFFFFC180  }
0x27: {  	_ =	swait.ge [sflag:s14], $0x3E80  }
0x28: {  	[sflag:s14] =	ssyncset.done $0x0  }
0x29: {  	[sflag:s14] =	ssyncadd.s32 $0xFFFFC180  }
0x2a: {  	[bflag:$0x0] =	sbarrier.arrive $0xFFFF  }
0x2b: {  	s18 =	rddreg [dreg:$0x4]  }
0x2c: {  	[tilespmem:s22], [sflag:$0x1] =	stream.linear.gather [hbm4b:s18+s3], $0x50, $0x38;
	[tilespmem:$0x1F280] =	vst v63  }
0x2d: {  	_ = 	snop  }
0x2e: {  	[tilespmem:s24], [sflag:$0x4] =	stream.indirect.gather [hbm4b:s4+s23], $0x80, s3, s23, $0xb8;
	[tilespmem:$0x1F280] =	vst v63  }
0x2f: {  	s19 =	rddreg [dreg:$0x6]  }
0x30: {  	[tilespmem:s25], [sflag:$0x2] =	stream.linear.gather [hbm4b:s19+s3], $0x50, $0x38;
	[tilespmem:$0x1F280] =	vst v63  }
0x31: {  	s21 =	simm.s32 $0x80  }
0x32: {  	[tilespmem:s28], [sflag:$0x5] =	stream.indirect.gather [hbm4b:s4+s23], $0x80, s21, s23, $0xb8;
	[tilespmem:$0x1F280] =	vst v63  }
0x33: {  	s8 =	rddreg [dreg:$0x7]  }
0x34: {  	[tilespmem:s29], [sflag:$0x3] =	stream.linear.gather [hbm4b:s8+s3], $0x50, $0x38;
	[tilespmem:$0x1F280] =	vst v63  }
0x35: {  	s14 =	simm.s32 $0x100  }
0x36: {  	[tilespmem:s31], [sflag:$0x6] =	stream.indirect.gather [hbm4b:s4+s23], $0x80, s14, s23, $0xb8;
	[tilespmem:$0x1F280] =	vst v63  }
0x37: {  	_ =	swait.ge [sflag:s0], $0x50  }
0x38: {  	[sflag:s0] =	ssyncset.done $0x0  }
0x39: {  	[sflag:s0] =	ssyncadd.s32 $0xFFFFFFB0  }
0x3a: {  	_ =	swait.ge [sflag:s1], $0x2800  }
0x3b: {  	[sflag:s1] =	ssyncset.done $0x0  }
0x3c: {  	[sflag:s1] =	ssyncadd.s32 $0xFFFFD800  }
0x3d: {  	[spmem:s2] =	stream.indirect.scatter.add.f32 [tilespmem:s24], [sflag:$0x7], $0x80, s22, s23, $0xb8;
	[tilespmem:$0x1F280] =	vst v63  }
0x3e: {  	_ =	swait.ge [sflag:s26], $0x50  }
0x3f: {  	[sflag:s26] =	ssyncset.done $0x0  }
0x40: {  	[sflag:s26] =	ssyncadd.s32 $0xFFFFFFB0  }
0x41: {  	_ =	swait.ge [sflag:s30], $0x2800  }
0x42: {  	[sflag:s30] =	ssyncset.done $0x0  }
0x43: {  	[sflag:s30] =	ssyncadd.s32 $0xFFFFD800  }
0x44: {  	[spmem:s2] =	stream.indirect.scatter.add.f32 [tilespmem:s28], [sflag:$0x8], $0x80, s25, s23, $0xb8;
	[tilespmem:$0x1F280] =	vst v63  }
0x45: {  	_ =	swait.ge [sflag:s6], $0x50  }
0x46: {  	[sflag:s6] =	ssyncset.done $0x0  }
0x47: {  	[sflag:s6] =	ssyncadd.s32 $0xFFFFFFB0  }
0x48: {  	_ =	swait.ge [sflag:s9], $0x2800  }
0x49: {  	[sflag:s9] =	ssyncset.done $0x0  }
0x4a: {  	[sflag:s9] =	ssyncadd.s32 $0xFFFFD800  }
0x4b: {  	[spmem:s2] =	stream.indirect.scatter.add.f32 [tilespmem:s31], [sflag:$0x9], $0x80, s29, s23, $0xb8;
	[tilespmem:$0x1F280] =	vst v63  }
0x4c: {  	_ =	swait.ge [sflag:s10], $0x2800  }
0x4d: {  	s18 =	sshrl.u32 s17, $0x3;
	[sflag:s10] =	ssyncset.done $0x0  }
0x4e: {  	s7 =	sadd.s32 s5, s18;
	[sflag:s10] =	ssyncadd.s32 $0xFFFFD800  }
0x4f: {  	[tilespmem:s22], [sflag:$0x1] =	stream.linear.gather [hbm4b:s7+s3], $0x50, $0x38;
	[tilespmem:$0x1F280] =	vst v63  }
0x50: {  	s19 =	simm.s32 $0x180  }
0x51: {  	[tilespmem:s24], [sflag:$0x4] =	stream.indirect.gather [hbm4b:s4+s23], $0x80, s19, s23, $0xb8;
	[tilespmem:$0x1F280] =	vst v63  }
0x52: {  	_ =	swait.ge [sflag:s11], $0x2800  }
0x53: {  	[sflag:s11] =	ssyncset.done $0x0  }
0x54: {  	[sflag:s11] =	ssyncadd.s32 $0xFFFFD800  }
0x55: {  	[tilespmem:s25], [sflag:$0x2] =	stream.linear.gather [hbm4b:s16+s3], $0x50, $0x38;
	[tilespmem:$0x1F280] =	vst v63  }
0x56: {  	s21 =	simm.s32 $0x200  }
0x57: {  	[tilespmem:s28], [sflag:$0x5] =	stream.indirect.gather [hbm4b:s4+s23], $0x80, s21, s23, $0xb8;
	[tilespmem:$0x1F280] =	vst v63  }
0x58: {  	s18 =	sadd.s32 $0x1E, s15;
	_ =	swait.ge [sflag:s12], $0x2800  }
0x59: {  	s14 =	simm.s32 $0x600;
	s7 =	sadd.s32 $0x1E, s16;
	[sflag:s12] =	ssyncset.done $0x0  }
0x5a: {  	s19 =	sadd.s32 $0xF0, s17;
	s21 =	simm.s32 $0x280;
	[sflag:s12] =	ssyncadd.s32 $0xFFFFD800  }
0x5b: {  	[tilespmem:s29], [sflag:$0x3] =	stream.linear.gather [hbm4b:s15+s3], $0x50, $0x38;
	[tilespmem:$0x1F280] =	vst v63  }
.LBB2_2:
0x5c: {  	[tilespmem:s31], [sflag:$0x6] =	stream.indirect.gather [hbm4b:s4+s23], $0x80, s21, s23, $0xb8;
	[tilespmem:$0x1F280] =	vst v63  }
0x5d: {  	s21 =	smov.u32 s14  }
0x5e: {  	p1 =	sne.s32 s14, $0xEA00;
	s14 =	sadd.s32 $0x600, s14;
	_ =	swait.ge [sflag:s0], $0x50  }
0x5f: {  	[sflag:s0] =	ssyncset.done $0x0  }
0x60: {  	[sflag:s0] =	ssyncadd.s32 $0xFFFFFFB0  }
0x61: {  	_ =	swait.ge [sflag:s1], $0x2800  }
0x62: {  	[sflag:s1] =	ssyncset.done $0x0  }
0x63: {  	[sflag:s1] =	ssyncadd.s32 $0xFFFFD800  }
0x64: {  	[spmem:s2] =	stream.indirect.scatter.add.f32 [tilespmem:s24], [sflag:$0x7], $0x80, s22, s23, $0xb8;
	[tilespmem:$0x1F280] =	vst v63  }
0x65: {  	_ =	swait.ge [sflag:s26], $0x50  }
0x66: {  	[sflag:s26] =	ssyncset.done $0x0  }
0x67: {  	[sflag:s26] =	ssyncadd.s32 $0xFFFFFFB0  }
0x68: {  	_ =	swait.ge [sflag:s30], $0x2800  }
0x69: {  	[sflag:s30] =	ssyncset.done $0x0  }
0x6a: {  	[sflag:s30] =	ssyncadd.s32 $0xFFFFD800  }
0x6b: {  	[spmem:s2] =	stream.indirect.scatter.add.f32 [tilespmem:s28], [sflag:$0x8], $0x80, s25, s23, $0xb8;
	[tilespmem:$0x1F280] =	vst v63  }
0x6c: {  	_ =	swait.ge [sflag:s6], $0x50  }
0x6d: {  	[sflag:s6] =	ssyncset.done $0x0  }
0x6e: {  	[sflag:s6] =	ssyncadd.s32 $0xFFFFFFB0  }
0x6f: {  	_ =	swait.ge [sflag:s9], $0x2800  }
0x70: {  	[sflag:s9] =	ssyncset.done $0x0  }
0x71: {  	[sflag:s9] =	ssyncadd.s32 $0xFFFFD800  }
0x72: {  	[spmem:s2] =	stream.indirect.scatter.add.f32 [tilespmem:s31], [sflag:$0x9], $0x80, s29, s23, $0xb8;
	[tilespmem:$0x1F280] =	vst v63  }
0x73: {  	_ =	swait.ge [sflag:s10], $0x2800  }
0x74: {  	s8 =	sshrl.u32 s19, $0x3;
	[sflag:s10] =	ssyncset.done $0x0  }
0x75: {  	s8 =	sadd.s32 s5, s8;
	s21 =	sshra.s32 s21, $0x2;
	[sflag:s10] =	ssyncadd.s32 $0xFFFFD800  }
0x76: {  	[tilespmem:s22], [sflag:$0x1] =	stream.linear.gather [hbm4b:s8+s3], $0x50, $0x38;
	[tilespmem:$0x1F280] =	vst v63  }
0x77: {  	s8 =	sadd.s32 $0x180, s21  }
0x78: {  	[tilespmem:s24], [sflag:$0x4] =	stream.indirect.gather [hbm4b:s4+s23], $0x80, s8, s23, $0xb8;
	[tilespmem:$0x1F280] =	vst v63  }
0x79: {  	_ =	swait.ge [sflag:s11], $0x2800  }
0x7a: {  	[sflag:s11] =	ssyncset.done $0x0  }
0x7b: {  	[sflag:s11] =	ssyncadd.s32 $0xFFFFD800  }
0x7c: {  	[tilespmem:s25], [sflag:$0x2] =	stream.linear.gather [hbm4b:s7+s3], $0x50, $0x38;
	[tilespmem:$0x1F280] =	vst v63  }
0x7d: {  	s8 =	sadd.s32 $0x200, s21  }
0x7e: {  	[tilespmem:s28], [sflag:$0x5] =	stream.indirect.gather [hbm4b:s4+s23], $0x80, s8, s23, $0xb8;
	[tilespmem:$0x1F280] =	vst v63  }
.Ltmp0:
0x7f: {  	_ =	swait.ge [sflag:s12], $0x2800;
	(pc) =	sbr.rel @p1 .LBB2_2-.Ltmp0, $4  }
0x80: {  	[sflag:s12] =	ssyncset.done $0x0  }
0x81: {  	s19 =	sadd.s32 $0xF0, s19;
	[sflag:s12] =	ssyncadd.s32 $0xFFFFD800  }
0x82: {  	[tilespmem:s29], [sflag:$0x3] =	stream.linear.gather [hbm4b:s18+s3], $0x50, $0x38;
	[tilespmem:$0x1F280] =	vst v63  }
0x83: {  	s21 =	sadd.s32 $0x280, s21;
	s7 =	sadd.s32 $0x1E, s7;
	s18 =	sadd.s32 $0x1E, s18  }
0x84: {  	[tilespmem:s31], [sflag:$0x6] =	stream.indirect.gather [hbm4b:s4+s23], $0x80, s21, s23, $0xb8;
	[tilespmem:$0x1F280] =	vst v63  }
0x85: {  	_ =	swait.ge [sflag:s0], $0x50  }
0x86: {  	[sflag:s0] =	ssyncset.done $0x0  }
0x87: {  	[sflag:s0] =	ssyncadd.s32 $0xFFFFFFB0  }
0x88: {  	_ =	swait.ge [sflag:s1], $0x2800  }
0x89: {  	[sflag:s1] =	ssyncset.done $0x0  }
0x8a: {  	[sflag:s1] =	ssyncadd.s32 $0xFFFFD800  }
0x8b: {  	[spmem:s2] =	stream.indirect.scatter.add.f32 [tilespmem:s24], [sflag:$0x7], $0x80, s22, s23, $0xb8;
	[tilespmem:$0x1F280] =	vst v63  }
0x8c: {  	_ =	swait.ge [sflag:s26], $0x50  }
0x8d: {  	[sflag:s26] =	ssyncset.done $0x0  }
0x8e: {  	[sflag:s26] =	ssyncadd.s32 $0xFFFFFFB0  }
0x8f: {  	_ =	swait.ge [sflag:s30], $0x2800  }
0x90: {  	[sflag:s30] =	ssyncset.done $0x0  }
0x91: {  	[sflag:s30] =	ssyncadd.s32 $0xFFFFD800  }
0x92: {  	[spmem:s2] =	stream.indirect.scatter.add.f32 [tilespmem:s28], [sflag:$0x8], $0x80, s25, s23, $0xb8;
	[tilespmem:$0x1F280] =	vst v63  }
0x93: {  	_ =	swait.ge [sflag:s6], $0x50  }
0x94: {  	[sflag:s6] =	ssyncset.done $0x0  }
0x95: {  	[sflag:s6] =	ssyncadd.s32 $0xFFFFFFB0  }
0x96: {  	_ =	swait.ge [sflag:s9], $0x2800  }
0x97: {  	[sflag:s9] =	ssyncset.done $0x0  }
0x98: {  	[sflag:s9] =	ssyncadd.s32 $0xFFFFD800  }
0x99: {  	[spmem:s2] =	stream.indirect.scatter.add.f32 [tilespmem:s31], [sflag:$0x9], $0x80, s29, s23, $0xb8;
	[tilespmem:$0x1F280] =	vst v63  }
0x9a: {  	_ =	swait.ge [sflag:s10], $0x2800  }
0x9b: {  	[sflag:s10] =	ssyncset.done $0x0  }
0x9c: {  	s7 =	rddreg [dreg:$0xa];
	[sflag:s10] =	ssyncadd.s32 $0xFFFFD800  }
0x9d: {  	[tilespmem:s22], [sflag:$0x1] =	stream.linear.gather [hbm4b:s7+s3], $0x50, $0x38;
	[tilespmem:$0x1F280] =	vst v63  }
0x9e: {  	s14 =	simm.s32 $0x3D80  }
0x9f: {  	[tilespmem:s24], [sflag:$0x4] =	stream.indirect.gather [hbm4b:s4+s23], $0x80, s14, s23, $0xb8;
	[tilespmem:$0x1F280] =	vst v63  }
0xa0: {  	_ =	swait.ge [sflag:s11], $0x2800  }
0xa1: {  	[sflag:s11] =	ssyncset.done $0x0  }
0xa2: {  	s18 =	rddreg [dreg:$0xb];
	[sflag:s11] =	ssyncadd.s32 $0xFFFFD800  }
0xa3: {  	[tilespmem:s25], [sflag:$0x2] =	stream.linear.gather [hbm4b:s18+s3], $0x50, $0x38;
	[tilespmem:$0x1F280] =	vst v63  }
0xa4: {  	s19 =	simm.s32 $0x3E00  }
0xa5: {  	[tilespmem:s28], [sflag:$0x5] =	stream.indirect.gather [hbm4b:s4+s23], $0x80, s19, s23, $0xb8;
	[tilespmem:$0x1F280] =	vst v63  }
0xa6: {  	_ =	swait.ge [sflag:s12], $0x2800  }
0xa7: {  	[sflag:s12] =	ssyncset.done $0x0  }
0xa8: {  	[sflag:s12] =	ssyncadd.s32 $0xFFFFD800  }
0xa9: {  	_ =	swait.ge [sflag:s0], $0x50  }
0xaa: {  	[sflag:s0] =	ssyncset.done $0x0  }
0xab: {  	[sflag:s0] =	ssyncadd.s32 $0xFFFFFFB0  }
0xac: {  	_ =	swait.ge [sflag:s1], $0x2800  }
0xad: {  	[sflag:s1] =	ssyncset.done $0x0  }
0xae: {  	[sflag:s1] =	ssyncadd.s32 $0xFFFFD800  }
0xaf: {  	[spmem:s2] =	stream.indirect.scatter.add.f32 [tilespmem:s24], [sflag:$0x7], $0x80, s22, s23, $0xb8;
	[tilespmem:$0x1F280] =	vst v63  }
0xb0: {  	_ =	swait.ge [sflag:s26], $0x50  }
0xb1: {  	[sflag:s26] =	ssyncset.done $0x0  }
0xb2: {  	[sflag:s26] =	ssyncadd.s32 $0xFFFFFFB0  }
0xb3: {  	_ =	swait.ge [sflag:s30], $0x2800  }
0xb4: {  	[sflag:s30] =	ssyncset.done $0x0  }
0xb5: {  	[sflag:s30] =	ssyncadd.s32 $0xFFFFD800  }
0xb6: {  	[spmem:s2] =	stream.indirect.scatter.add.f32 [tilespmem:s28], [sflag:$0x8], $0x80, s25, s23, $0xb8;
	[tilespmem:$0x1F280] =	vst v63  }
0xb7: {  	_ =	swait.ge [sflag:s10], $0x2800  }
0xb8: {  	[sflag:s10] =	ssyncset.done $0x0  }
0xb9: {  	[sflag:s10] =	ssyncadd.s32 $0xFFFFD800  }
0xba: {  	_ =	swait.ge [sflag:s11], $0x2800  }
0xbb: {  	[sflag:s11] =	ssyncset.done $0x0  }
0xbc: {  	[sflag:s11] =	ssyncadd.s32 $0xFFFFD800  }
0xbd: {  	[bflag:$0x0] =	sbarrier.arrive $0xFFFF  }
0xbe: {  	s7 =	rddreg [dreg:$0xc]  }
0xbf: {  	s8 =	rddreg [dreg:$0x8];
	s7 =	sor.u32 @!p0 $0x1C0C, s7  }
0xc0: {  	[hbm:s8], [sflag:s7] =	dma.local @!p0 [spmem:s20], $0x3E80  }
0xc1: {  	s7 =	simm.s32 @!p0 $0xC  }
0xc2: {  	_ =	swait.ge @!p0 [sflag:s7], $0x3E80  }
0xc3: {  	s13 =	sadd.s32 $0x1, s13;
	s21 =	rddreg [dreg:$0x9]  }
0xc4: {  	p1 =	sne.s32 s13, s21  }
.Ltmp1:
0xc5: {  	_ = 	snop;
	(pc) =	sbr.rel @p1 .LBB2_1-.Ltmp1, $3  }
0xc6: {  	_ =	sdelay $0x1  }
0xc7: {  	[sflag:s7] =	ssyncset.done @!p0 $0x0  }
0xc8: {  	[sflag:s7] =	ssyncadd.s32 @!p0 $0xFFFFC180  }
0xc9: {  	_ =	sfence.sel $0x180000  }
0xca: {  	[bflag:$0x0] =	sbarrier.arrive $0xFFFF  }
0xcb: {  	_ =	strace $0x9000004D  }
0xcc: {  	s0 =	stileid.u32;
	[bflag:$0x2] =	sbarrier.arrive $0xFFFF  }
0xcd: {  	p0 =	sne.s32 s0, $0x0;
	s0 =	rddreg [dreg:$0x2]  }
0xce: {  	s0 =	sadd.s32 @!p0 $0x100000, s0  }
0xcf: {  	[sflag:s0] =	ssyncadd.tile.s32 @!p0 $0x1;
	_ =	shalt  }
.Lfunc_end2:
_tile_overlayer_lowered:
.L_overlay_start_2:
0xd0: {  	(tag) =	ssettag $0x2  }
0xd1: {  	s0 =	rddreg [dreg:$0x0];
	s2 =	stileid.u32  }
0xd2: {  	s1 =	rddreg [dreg:$0x1];
	p0 =	sne.s32 s2, $0x0  }
0xd3: {  	s3 =	rddreg [dreg:$0x2];
	[bflag:$0x3] =	sbarrier.arrive $0xFFFF;
	s2 =	simm.s32 @!p0 $0x1C0C  }
0xd4: {  	[timem:s3], [sflag:s2] =	dma.local @!p0 [hbm:s0], s1  }
0xd5: {  	s0 =	simm.s32 @!p0 $0xC  }
0xd6: {  	_ =	swait.ge @!p0 [sflag:s0], s1  }
0xd7: {  	s1 =	ssub.s32 @!p0 $0x0, s1;
	[sflag:s0] =	ssyncset.done @!p0 $0x0  }
0xd8: {  	[sflag:s0] =	ssyncadd.s32 @!p0 s1  }
0xd9: {  	[bflag:$0x3] =	sbarrier.arrive $0xFFFF  }
0xda: {  	_ =	shalt  }

// kernel: kernel.8.cloned.1.call-start
scs
__scs_entry_jumppad:
0x0: {  	(pc) =	sbr.rel $0x88, $3  }
0x1: {  	(tag) =	ssettag $0x0;
	lr =	simm.s32 $0x1  }
0x2: {  	[smem:$0x3F96] =	sst lr;
	_ =	strace $0xD0000000  }
0x3: {  	_ = 	snop  }
0x4: {  	_ = 	snop  }
0x5: {  	_ = 	snop  }
0x6: {  	_ = 	snop  }
0x7: {  	_ = 	snop  }
__scs_overlays_trampoline_lowered:
0x8: {  	[smem:$0x3FA5] =	sst s0  }
0x9: {  	[smem:$0x3FA6] =	sst s1  }
0xa: {  	[smem:$0x3FA7] =	sst s2  }
0xb: {  	[smem:$0x3FA8] =	sst s3  }
0xc: {  	[smem:$0x3FA9] =	sst s4  }
0xd: {  	[smem:$0x3FAA] =	sst s5  }
0xe: {  	[smem:$0x3FAB] =	sst s6  }
0xf: {  	[smem:$0x3FAC] =	sst s7  }
0x10: {  	[smem:$0x3FAD] =	sst s8  }
0x11: {  	[smem:$0x3FAE] =	sst s9;
	s0 =	simm.s32 @!p0 $0x0  }
0x12: {  	s1 =	sld [smem:$0x3F94];
	s0 =	simm.s32 @p0 $0x1  }
0x13: {  	[smem:$0x3FAF] =	sst s0;
	s0 =	simm.s32 @!p1 $0x0  }
0x14: {  	s2 =	sld [smem:$0x3F93];
	s0 =	simm.s32 @p1 $0x1  }
0x15: {  	[smem:$0x3FB0] =	sst s0;
	s0 =	simm.s32 @!p2 $0x0  }
0x16: {  	s3 =	sld [smem:$0x3FDB];
	s0 =	simm.s32 @p2 $0x1  }
0x17: {  	s4 =	simm.s32 $0x1BF5;
	[smem:$0x3FB2] =	sst s0  }
0x18: {  	s0 =	sld [smem:$0x3F95];
	_ =	swait.ge [sflag:s4], $0x0  }
0x19: {  	s7 =	sld [smem:$0x3F96]  }
0x1a: {  	s8 =	sadd.s32 $0xFFFFE003, lr  }
0x1b: {  	s9 =	sadd.s32 $0xFFFFFEF7, lr;
	s5 =	simm.s32 $0xFFFFFFFF;
	p2 =	slt.u32 s8, $0xFFFFF086  }
0x1c: {  	p1 =	slt.u32 s9, $0xF7A;
	s5 =	simm.s32 @!p2 $0x0  }
0x1d: {  	s5 =	simm.s32 @p1 $0x1;
	p0 =	seq.s32 s7, s2  }
0x1e: {  	s7 =	smul.u32 @!p0 $0xF7A, s2;
	p2 =	seq.s32 @!p0 s5, $0x0  }
0x1f: {  	s9 =	smul.u32 $0xF7A, s1;
	s8 =	simm.s32 @!p0 $0x1BF5;
	p2 =	por !p2, p0  }
0x20: {  	[sflag:s8] =	ssyncset.s32 @!p0 $0xFFFFF086;
	s6 =	sadd.s32 @!p0 s3, s7;
	s7 =	simm.s32 @!p0 $0x108  }
0x21: {  	s3 =	sadd.s32 s3, s9;
	s6 =	sadd.s32 @!p0 $0x88, s6;
	s7 =	simm.s32 @p2 $0x1082  }
0x22: {  	[simem:s7], [sflag:s8] =	dma.local @!p0 [hbm:s6], $0xF7A  }
0x23: {  	s9 =	sor.u32 $0xD0000000, s2;
	s6 =	simm.s32 $0x108;
	_ =	swait.ge @!p0 [sflag:s8], $0x0  }
0x24: {  	s3 =	sadd.s32 $0x88, s3;
	s6 =	simm.s32 @!p1 $0x1082;
	[sflag:s4] =	ssyncset.s32 $0xFFFFF086  }
0x25: {  	[simem:s6], [sflag:s4] =	dma.local [hbm:s3], $0xF7A  }
0x26: {  	[smem:$0x3F96] =	sst s1;
	(tag) =	ssettag s2;
	_ =	strace s9  }
0x27: {  	s1 =	sld [smem:$0x3FA6]  }
0x28: {  	s2 =	sld [smem:$0x3FA7]  }
0x29: {  	s4 =	sld [smem:$0x3FA9]  }
0x2a: {  	p0 =	seq.s32 s5, $0x0;
	s5 =	sld [smem:$0x3FAA]  }
0x2b: {  	s6 =	sld [smem:$0x3FAB]  }
0x2c: {  	s7 =	sld [smem:$0x3FAC]  }
0x2d: {  	s3 =	simm.s32 $0x108;
	s8 =	sld [smem:$0x3FAD]  }
0x2e: {  	s3 =	simm.s32 @!p0 $0x1082;
	s9 =	sld [smem:$0x3FAE]  }
0x2f: {  	lr =	sadd.s32 s0, s3;
	s0 =	sld [smem:$0x3FA5]  }
0x30: {  	s3 =	sld [smem:$0x3FA8]  }
0x31: {  	[smem:$0x3FB1] =	sst s10  }
0x32: {  	s10 =	sld [smem:$0x3FAF];
	_ =	sdelay $0x3  }
0x33: {  	p0 =	seq.s32 s10, $0x1;
	s10 =	sld [smem:$0x3FB1];
	_ =	sdelay $0x3  }
0x34: {  	[smem:$0x3FB1] =	sst s10  }
0x35: {  	s10 =	sld [smem:$0x3FB0];
	_ =	sdelay $0x3  }
0x36: {  	p1 =	seq.s32 s10, $0x1;
	s10 =	sld [smem:$0x3FB1];
	_ =	sdelay $0x3  }
0x37: {  	[smem:$0x3FB1] =	sst s10  }
0x38: {  	s10 =	sld [smem:$0x3FB2]  }
0x39: {  	_ = 	snop;
	(pc) =	sbr.ind lr, $3  }
0x3a: {  	_ = 	snop  }
0x3b: {  	_ = 	snop  }
0x3c: {  	p2 =	seq.s32 s10, $0x1;
	s10 =	sld [smem:$0x3FB1]  }
0x3d: {  	_ =	shalt  }
0x3e: {  	_ =	shalt  }
0x3f: {  	_ =	shalt  }
0x40: {  	_ =	shalt  }
0x41: {  	_ =	shalt  }
0x42: {  	_ =	shalt  }
0x43: {  	_ =	shalt  }
0x44: {  	_ =	shalt  }
0x45: {  	_ =	shalt  }
0x46: {  	_ =	shalt  }
0x47: {  	_ =	shalt  }
0x48: {  	_ =	shalt  }
0x49: {  	_ =	shalt  }
0x4a: {  	_ =	shalt  }
0x4b: {  	_ =	shalt  }
0x4c: {  	_ =	shalt  }
0x4d: {  	_ =	shalt  }
0x4e: {  	_ =	shalt  }
0x4f: {  	_ =	shalt  }
0x50: {  	_ =	shalt  }
0x51: {  	_ =	shalt  }
0x52: {  	_ =	shalt  }
0x53: {  	_ =	shalt  }
0x54: {  	_ =	shalt  }
0x55: {  	_ =	shalt  }
0x56: {  	_ =	shalt  }
0x57: {  	_ =	shalt  }
0x58: {  	_ =	shalt  }
0x59: {  	_ =	shalt  }
0x5a: {  	_ =	shalt  }
0x5b: {  	_ =	shalt  }
0x5c: {  	_ =	shalt  }
0x5d: {  	_ =	shalt  }
0x5e: {  	_ =	shalt  }
0x5f: {  	_ =	shalt  }
0x60: {  	_ =	shalt  }
0x61: {  	_ =	shalt  }
0x62: {  	_ =	shalt  }
0x63: {  	_ =	shalt  }
0x64: {  	_ =	shalt  }
0x65: {  	_ =	shalt  }
0x66: {  	_ =	shalt  }
0x67: {  	_ =	shalt  }
0x68: {  	_ =	shalt  }
0x69: {  	_ =	shalt  }
0x6a: {  	_ =	shalt  }
0x6b: {  	_ =	shalt  }
0x6c: {  	_ =	shalt  }
0x6d: {  	_ =	shalt  }
0x6e: {  	_ =	shalt  }
0x6f: {  	_ =	shalt  }
0x70: {  	_ =	shalt  }
0x71: {  	_ =	shalt  }
0x72: {  	_ =	shalt  }
0x73: {  	_ =	shalt  }
0x74: {  	_ =	shalt  }
0x75: {  	_ =	shalt  }
0x76: {  	_ =	shalt  }
0x77: {  	_ =	shalt  }
0x78: {  	_ =	shalt  }
0x79: {  	_ =	shalt  }
0x7a: {  	_ =	shalt  }
0x7b: {  	_ =	shalt  }
0x7c: {  	_ =	shalt  }
0x7d: {  	_ =	shalt  }
0x7e: {  	_ =	shalt  }
0x7f: {  	_ =	shalt  }
0x80: {  	_ =	shalt  }
0x81: {  	_ =	shalt  }
0x82: {  	_ =	shalt  }
0x83: {  	_ =	shalt  }
0x84: {  	_ =	shalt  }
0x85: {  	_ =	shalt  }
0x86: {  	_ =	shalt  }
0x87: {  	_ =	shalt  }
.Lfunc_end0:
.L_simem_size_0:
called_computation_lowered:
.L_overlay_start_0:
0x88: {  	s2 =	sld [smem:$0x3FD9]  }
0x89: {  	s3 =	sld [smem:$0x3FFE];
	_ =	sdelay $0x1  }
0x8a: {  	s1 =	srdreg.scid  }
0x8b: {  	s0 =	sand.u32 $0x1, s1  }
0x8c: {  	s16 =	sshll.u32 s0, $0xA;
	s2 =	sadd.s32 s3, s2  }
0x8d: {  	s2 =	sadd.s32 s2, s16  }
0x8e: {  	[smem:$0x3FBD] =	sst s2  }
0x8f: {  	_ = 	snop  }
0x90: {  	(tm) =	ssettm $0x1  }
0x91: {  	s17 =	sld [smem:$0x3FFB];
	_ =	sdelay $0x3  }
0x92: {  	_ =	strace s17  }
0x93: {  	s2 =	sld [smem:$0x3FFC];
	_ =	sdelay $0x3  }
0x94: {  	_ =	strace s2  }
0x95: {  	s2 =	sld [smem:$0x3FFD];
	_ =	sdelay $0x3  }
0x96: {  	_ =	strace s2  }
0x97: {  	_ =	strace $0x8FFFFFFF  }
0x98: {  	s18 =	sld [smem:$0x3FDB];
	_ =	sdelay $0x1  }
0x99: {  	s19 =	simm.s32 $_scs_section_size  }
0x9a: {  	s4 =	simm.s32 $_size__tile_overlayer_lowered;
	s5 =	simm.s32 $_tile_overlayer_lowered  }
0x9b: {  	s22 =	simm.s32 $0x1BFF;
	s21 =	sshll.u32 s5, $0x1;
	s2 =	sadd.s32 s19, s18  }
0x9c: {  	s6 =	simm.s32 $0x0;
	s20 =	sshll.u32 s4, $0x1;
	s4 =	sadd.s32 s21, s2  }
0x9d: {  	[timem:s6], [sflag:s22] =	dma.local [hbm:s4], s20  }
0x9e: {  	_ =	swait.ge [sflag:s22], s20  }
0x9f: {  	s3 =	ssub.s32 $0x0, s20;
	[sflag:s22] =	ssyncset.done $0x0  }
0xa0: {  	[sflag:s22] =	ssyncadd.s32 s3;
	_ =	sdelay $0x1  }
0xa1: {  	s23 =	simm.s32 $0x1B8B  }
0xa2: {  	_ =	swait.ge [sflag:s23], $0x1  }
0xa3: {  	[sflag:s23] =	ssyncset.done $0x0  }
0xa4: {  	s25 =	simm.s32 $0x1B8E;
	s24 =	sld [smem:$0x3FFE];
	[sflag:s23] =	ssyncadd.s32 $0xFFFFFFFF  }
0xa5: {  	s26 =	simm.s32 $execute0_lowered;
	[smem:$0x3FD2] =	sst s25  }
0xa6: {  	s4 =	sshll.u32 s26, $0x1;
	_ =	strace $0x80000046;
	[dreg:$0x1] =	wrdreg $0xFFFFFFFF  }
0xa7: {  	s28 =	simm.s32 $_size_execute0_lowered;
	s2 =	sadd.s32 s2, s4;
	[dreg:$0x0] =	wrdreg $0x0  }
0xa8: {  	s4 =	sshll.u32 s28, $0x1;
	[dreg:$0x2] =	wrdreg s2  }
0xa9: {  	[dreg:$0x3] =	wrdreg s4  }
0xaa: {  	[dreg:$0x4] =	wrdreg $0xC0  }
0xab: {  	_ =	task [dreg:s6], $0x5FFFF  }
0xac: {  	[dreg:$0x1] =	wrdreg $0xFFFFFFFF  }
0xad: {  	[dreg:$0x0] =	wrdreg $0x60  }
0xae: {  	[dreg:$0x2] =	wrdreg s24  }
0xaf: {  	[dreg:$0x3] =	wrdreg $0x9  }
0xb0: {  	_ =	task.clear_ibuf [dreg:s6], $0x4FFFF;
	_ =	strace $0x90000046  }
0xb1: {  	s29 =	simm.s32 $0x9;
	_ =	strace $0x80000048  }
0xb2: {  	_ =	swait.ge [sflag:s29], $0x1  }
0xb3: {  	[sflag:s29] =	ssyncadd.s32 $0xFFFFFFFF  }
0xb4: {  	_ =	strace $0x90000048  }
0xb5: {  	_ =	sfence  }
0xb6: {  	s30 =	sld [smem:$0x0];
	_ =	sdelay $0x2  }
0xb7: {  	s31 =	sshll.u32 s1, $0xD;
	s1 =	sshrl.u32 s1, $0x2  }
0xb8: {  	s3 =	sand.u32 $0x4000, s31;
	s1 =	sadd.s32 s1, s30  }
0xb9: {  	s0 =	sor.u32 s3, s0;
	s1 =	sshll.u32 s1, $0x11  }
0xba: {  	s0 =	sor.u32 s1, s0  }
0xbb: {  	s0 =	sadd.s32 $0x8F2B, s0  }
0xbc: {  	[sflag:s0] =	ssyncadd.remote.s32 $0x1  }
0xbd: {  	_ =	sfence.sel $0xFFFF  }
0xbe: {  	[dreg:$0x0] =	wrdreg $0xFFFFFFFF;
	(pc) =	sbr.abs _section_cstart, $3  }
0xbf: {  	[dreg:$0x1] =	wrdreg $0xFFFFFFFF  }
0xc0: {  	_ =	task.clear_ibuf [dreg:s6], $0x2FFFF;
	_ =	strace $0x9FFFFFFF  }
0xc1: {  	(tm) =	ssettm $0x7FFFFFFF  }
tec
execute0_lowered:
.L_overlay_start_1:
0x0: {  	(tag) =	ssettag $0x1  }
0x1: {  	s0 =	srdreg.scid  }
0x2: {  	s4 =	rddreg [dreg:$0x0];
	s3 =	sand.u32 $0x1, s0  }
0x3: {  	s1 =	stileid.u32;
	s7 =	simm.s32 $0x2780;
	s2 =	sshll.u32 s3, $0x4  }
0x4: {  	s0 =	rddreg [dreg:$0x1];
	s3 =	ssub.s32 $0x2, s3;
	s5 =	sor.u32 s1, s2  }
0x5: {  	s2 =	simm.s32 $0x0;
	s6 =	sshrl.u32 s3, $0x1;
	s5 =	smul.u32 $0x4E2, s5  }
0x6: {  	s8 =	simm.s32 $0x0;
	[smem:$0x7FF] =	sst s2;
	s31 =	ssub.s32 s3, s6  }
0x7: {  	s6 =	simm.s32 $0x1;
	_ =	strace $0x80000047;
	s4 =	sadd.s32 s5, s4  }
0x8: {  	v0 =	vimm.f32 $0.0e+00;
	v1 =	vimm.f32 $1.000000000e+00;
	s5 =	smax.u32 s31, $0x1;
	s3 =	sadd.s32 $0x2E00, s4;
	s4 =	sadd.s32 $0xCC00, s4  }
.LBB2_1:
0x9: {  	[tilespmem:s2], [sflag:$0x1] =	stream.linear.gather [hbm4b:s3+s2], $0x2710, $0x38;
	[tilespmem:$0x4F00] =	vst v63  }
0xa: {  	_ =	swait.ge [sflag:s6], $0x2710  }
0xb: {  	[sflag:s6] =	ssyncset.done $0x0  }
0xc: {  	s9 =	simm.s32 $0x0;
	[sflag:s6] =	ssyncadd.s32 $0xFFFFD8F0  }
.LBB2_2:
0xd: {  	p0 =	sne.s32 s9, $0x9C00  }
.Ltmp0:
0xe: {  	_ = 	snop;
	(pc) =	sbr.rel @p0 .LBB2_2-.Ltmp0, $3  }
0xf: {  	_ =	sdelay $0x1  }
0x10: {  	s10 =	sshra.s32 s9, $0x2  }
0x11: {  	s9 =	sadd.s32 $0x40, s9;
	[tilespmem:s10+$0x2780] =	vst v0  }
0x12: {  	s10 =	simm.s32 $0x0;
	s9 =	simm.s32 $0x40  }
.LBB2_4:
0x13: {  	p0 =	sne.s32 s9, $0x9C00;
	v2 =	vld [tilespmem:s10+$0x0];
	_ =	sdelay $0x3  }
.Ltmp1:
0x14: {  	(pc) =	sbr.rel @p0 .LBB2_4-.Ltmp1, $2  }
0x15: {  	_ =	sdelay $0x2  }
0x16: {  	s10 =	sshra.s32 s9, $0x2;
	s9 =	sadd.s32 $0x40, s9;
	[tilespmem:v2+s7+$0x0] =	vst.idx.add.f32.msk $0xffff, v1  }
0x17: {  	v2 =	vld [tilespmem:s10+$0x0];
	_ =	sdelay $0x5  }
0x18: {  	s8 =	sadd.s32 $0x1, s8  }
0x19: {  	p0 =	sne.s32 s8, s5  }
.Ltmp2:
0x1a: {  	[tilespmem:v2+s7+$0x0] =	vst.idx.add.f32.msk $0xffff, v1;
	(pc) =	sbr.rel @p0 .LBB2_1-.Ltmp2, $4  }
0x1b: {  	[hbm4b:s4+s2] =	stream.linear.scatter [tilespmem:s7], [sflag:$0x1], $0x2710, $0x38;
	[tilespmem:$0x4F00] =	vst v63  }
0x1c: {  	_ =	swait.ge [sflag:s6], $0x2710  }
0x1d: {  	[sflag:s6] =	ssyncset.done $0x0  }
0x1e: {  	[sflag:s6] =	ssyncadd.s32 $0xFFFFD8F0  }
0x1f: {  	_ =	sfence.sel $0x180000  }
0x20: {  	[bflag:$0x0] =	sbarrier.arrive $0xFFFF  }
0x21: {  	p0 =	sne.s32 s1, $0x0;
	_ =	strace $0x90000047  }
0x22: {  	s0 =	sadd.s32 @!p0 $0x100000, s0;
	[bflag:$0x2] =	sbarrier.arrive $0xFFFF  }
0x23: {  	[sflag:s0] =	ssyncadd.tile.s32 @!p0 $0x1;
	_ =	shalt  }
.Lfunc_end2:
_tile_overlayer_lowered:
.L_overlay_start_2:
0x24: {  	(tag) =	ssettag $0x2  }
0x25: {  	s0 =	rddreg [dreg:$0x0];
	s2 =	stileid.u32  }
0x26: {  	s1 =	rddreg [dreg:$0x1];
	p0 =	sne.s32 s2, $0x0  }
0x27: {  	s3 =	rddreg [dreg:$0x2];
	[bflag:$0x3] =	sbarrier.arrive $0xFFFF;
	s2 =	simm.s32 @!p0 $0x1C01  }
0x28: {  	[timem:s3], [sflag:s2] =	dma.local @!p0 [hbm:s0], s1  }
0x29: {  	s0 =	simm.s32 @!p0 $0x1  }
0x2a: {  	_ =	swait.ge @!p0 [sflag:s0], s1  }
0x2b: {  	s1 =	ssub.s32 @!p0 $0x0, s1;
	[sflag:s0] =	ssyncset.done @!p0 $0x0  }
0x2c: {  	[sflag:s0] =	ssyncadd.s32 @!p0 s1  }
0x2d: {  	[bflag:$0x3] =	sbarrier.arrive $0xFFFF  }
0x2e: {  	_ =	shalt  }

</sc_bundles>
